<compile_context>
chip_gen: v7x
topology: tpu7x:2x2x1
jax: 0.10.2.dev20260603
libtpu: 0.0.44.dev20260713+nightly
codegen_flags: <defaults>
</compile_context>

<pallas_src>
import functools

import jax
import jax.numpy as jnp
from jax import lax
from jax.experimental import pallas as pl
from jax.experimental.pallas import tpu as pltpu
from jax.experimental.pallas import tpu_sc as plsc

N = 10000
D = 128
NCORE = 2
NSUB = 16
NP = 10112
ROWS_PER_TILE = NP // NSUB
RB = 400
GRID = N // RB


def _sc_mesh():
    return plsc.VectorSubcoreMesh(core_axis_name="c", subcore_axis_name="s")


def _make_deg(E):
    GG = 128
    SUP = 4 * GG
    nsup_all = E // SUP
    base_sup, extra = divmod(nsup_all, NCORE * NSUB)

    @functools.partial(
        pl.kernel,
        mesh=_sc_mesh(),
        out_type=jax.ShapeDtypeStruct((NCORE, NP, D), jnp.float32),
        scratch_types=[
            pltpu.VMEM((4, GG), jnp.int32),
            pltpu.VMEM((GG, D), jnp.float32),
            pltpu.VMEM_SHARED((NP, D), jnp.float32),
        ],
    )
    def deg_kernel(dst2_hbm, ones_hbm, zrows_hbm, out_hbm, di_v, ones_v, acc_sh):
        c = lax.axis_index("c")
        s = lax.axis_index("s")
        wid = c * NSUB + s
        pltpu.sync_copy(ones_hbm, ones_v)
        row0 = s * ROWS_PER_TILE
        pltpu.sync_copy(zrows_hbm, acc_sh.at[pl.ds(row0, ROWS_PER_TILE)])
        plsc.subcore_barrier()

        supbase = wid * base_sup + jnp.minimum(wid, extra)
        nsup = base_sup + jnp.where(wid < extra, 1, 0)

        def body(i, carry):
            pltpu.sync_copy(dst2_hbm.at[pl.ds((supbase + i) * 4, 4)], di_v)
            for j in range(4):
                pltpu.sync_copy(ones_v, acc_sh.at[di_v.at[j]], add=True)
            return carry

        lax.fori_loop(0, nsup, body, 0)
        plsc.subcore_barrier()
        pltpu.sync_copy(
            acc_sh.at[pl.ds(row0, ROWS_PER_TILE)],
            out_hbm.at[c, pl.ds(row0, ROWS_PER_TILE)],
        )

    return deg_kernel


def _make_agg(E):
    GG = 128
    HG = 64
    SUP = 4 * GG
    nsup_all = E // SUP
    assert nsup_all * SUP == E
    base_sup, extra = divmod(nsup_all, NCORE * NSUB)

    @functools.partial(
        pl.kernel,
        mesh=_sc_mesh(),
        out_type=jax.ShapeDtypeStruct((NCORE, NP, D), jnp.float32),
        scratch_types=[
            pltpu.VMEM((SUP,), jnp.int32),
            pltpu.VMEM((4, GG), jnp.int32),
            pltpu.VMEM((GG, D), jnp.float32),
            pltpu.VMEM((GG, D), jnp.float32),
            pltpu.VMEM_SHARED((NP, D), jnp.float32),
            pltpu.SemaphoreType.DMA,
            pltpu.SemaphoreType.DMA,
        ],
    )
    def agg_kernel(src_hbm, dst2_hbm, g_hbm, zrows_hbm, out_hbm,
                   si_v, di_v, rows_a, rows_b, acc_sh, sem_a, sem_b):
        c = lax.axis_index("c")
        s = lax.axis_index("s")
        wid = c * NSUB + s

        row0 = s * ROWS_PER_TILE
        pltpu.sync_copy(zrows_hbm, acc_sh.at[pl.ds(row0, ROWS_PER_TILE)])
        plsc.subcore_barrier()

        supbase = wid * base_sup + jnp.minimum(wid, extra)
        nsup = base_sup + jnp.where(wid < extra, 1, 0)

        def fire(j, rows, sem):
            h1 = pltpu.async_copy(g_hbm.at[si_v.at[pl.ds(j * GG, HG)]],
                                  rows.at[pl.ds(0, HG)], sem)
            h2 = pltpu.async_copy(g_hbm.at[si_v.at[pl.ds(j * GG + HG, HG)]],
                                  rows.at[pl.ds(HG, HG)], sem)
            return h1, h2

        def drain(hs, j, rows):
            hs[0].wait()
            hs[1].wait()
            pltpu.sync_copy(rows, acc_sh.at[di_v.at[j]], add=True)

        def body(i, carry):
            sup = supbase + i
            pltpu.sync_copy(src_hbm.at[pl.ds(sup * SUP, SUP)], si_v)
            pltpu.sync_copy(dst2_hbm.at[pl.ds(sup * 4, 4)], di_v)
            ha = fire(0, rows_a, sem_a)
            hb = fire(1, rows_b, sem_b)
            drain(ha, 0, rows_a)
            ha = fire(2, rows_a, sem_a)
            drain(hb, 1, rows_b)
            hb = fire(3, rows_b, sem_b)
            drain(ha, 2, rows_a)
            drain(hb, 3, rows_b)
            return carry

        lax.fori_loop(0, nsup, body, 0)
        plsc.subcore_barrier()
        pltpu.sync_copy(
            acc_sh.at[pl.ds(row0, ROWS_PER_TILE)],
            out_hbm.at[c, pl.ds(row0, ROWS_PER_TILE)],
        )

    return agg_kernel


def _tc1_body(x_ref, w_ref, d0_ref, d1_ref, g_ref, dinv_ref):
    deg = d0_ref[0, :, 0:1] + d1_ref[0, :, 0:1] + 1.0
    dinv = lax.rsqrt(deg)
    h = jnp.dot(x_ref[...], w_ref[...], preferred_element_type=jnp.float32)
    g_ref[...] = dinv * h
    dinv_ref[...] = dinv


def _tc1(x, W0, degp):
    return pl.pallas_call(
        _tc1_body,
        grid=(GRID,),
        in_specs=[
            pl.BlockSpec((RB, D), lambda i: (i, 0)),
            pl.BlockSpec((D, D), lambda i: (0, 0)),
            pl.BlockSpec((1, RB, D), lambda i: (0, i, 0)),
            pl.BlockSpec((1, RB, D), lambda i: (1, i, 0)),
        ],
        out_specs=[
            pl.BlockSpec((RB, D), lambda i: (i, 0)),
            pl.BlockSpec((RB, 1), lambda i: (i, 0)),
        ],
        out_shape=[
            jax.ShapeDtypeStruct((N, D), jnp.float32),
            jax.ShapeDtypeStruct((N, 1), jnp.float32),
        ],
    )(x, W0, degp, degp)


def _tc2_body(s0_ref, s1_ref, g_ref, dinv_ref, b_ref, w_ref, out_ref):
    z = dinv_ref[...] * (s0_ref[0] + s1_ref[0] + g_ref[...]) + b_ref[...]
    h = jnp.dot(z, w_ref[...], preferred_element_type=jnp.float32)
    out_ref[...] = dinv_ref[...] * h


def _tc2(s, g, dinv, b, W):
    return pl.pallas_call(
        _tc2_body,
        grid=(GRID,),
        in_specs=[
            pl.BlockSpec((1, RB, D), lambda i: (0, i, 0)),
            pl.BlockSpec((1, RB, D), lambda i: (1, i, 0)),
            pl.BlockSpec((RB, D), lambda i: (i, 0)),
            pl.BlockSpec((RB, 1), lambda i: (i, 0)),
            pl.BlockSpec((1, D), lambda i: (0, 0)),
            pl.BlockSpec((D, D), lambda i: (0, 0)),
        ],
        out_specs=pl.BlockSpec((RB, D), lambda i: (i, 0)),
        out_shape=jax.ShapeDtypeStruct((N, D), jnp.float32),
    )(s, s, g, dinv, b, W)


def _tc3_body(s0_ref, s1_ref, g_ref, dinv_ref, b_ref, w_ref, bo_ref, out_ref):
    z = dinv_ref[...] * (s0_ref[0] + s1_ref[0] + g_ref[...]) + b_ref[...]
    r = jnp.maximum(z, 0.0)
    logits = jnp.dot(r, w_ref[...], preferred_element_type=jnp.float32) + bo_ref[...]
    m = jnp.max(logits, axis=1, keepdims=True)
    lse = jnp.log(jnp.sum(jnp.exp(logits - m), axis=1, keepdims=True)) + m
    out_ref[...] = logits - lse


def _tc3(s, g, dinv, b, Wout, bout):
    nc = Wout.shape[1]
    return pl.pallas_call(
        _tc3_body,
        grid=(GRID,),
        in_specs=[
            pl.BlockSpec((1, RB, D), lambda i: (0, i, 0)),
            pl.BlockSpec((1, RB, D), lambda i: (1, i, 0)),
            pl.BlockSpec((RB, D), lambda i: (i, 0)),
            pl.BlockSpec((RB, 1), lambda i: (i, 0)),
            pl.BlockSpec((1, D), lambda i: (0, 0)),
            pl.BlockSpec((D, nc), lambda i: (0, 0)),
            pl.BlockSpec((1, nc), lambda i: (0, 0)),
        ],
        out_specs=pl.BlockSpec((RB, nc), lambda i: (i, 0)),
        out_shape=jax.ShapeDtypeStruct((N, nc), jnp.float32),
    )(s, s, g, dinv, b, Wout, bout)


def kernel(x, edge_index, W0, b0, W1, b1, Wout, bout):
    E = edge_index.shape[1]
    ei = edge_index.astype(jnp.int32)
    src, dst = ei[0], ei[1]
    dst2 = dst.reshape(E // 128, 128)
    zrows = jnp.zeros((ROWS_PER_TILE, D), jnp.float32)
    ones = jnp.zeros((128, D), jnp.float32).at[:, 0].set(1.0)
    degp = _make_deg(E)(dst2, ones, zrows)
    g0, dinv = _tc1(x, W0, degp)
    agg = _make_agg(E)
    s0 = agg(src, dst2, g0, zrows)
    g1 = _tc2(s0, g0, dinv, b0.reshape(1, D), W1)
    s1 = agg(src, dst2, g1, zrows)
    return _tc3(s1, g1, dinv, b1.reshape(1, D), Wout, bout.reshape(1, -1))

# --- scband reference (transcript-rebuilt; emitter-appended) ---
"""Pipeline reference for scband-gcn-9869834846342 (READ-ONLY COPY).

The authoritative reference and input builder live on the scoring server;
editing this copy changes nothing except your own understanding.
"""

import jax, jax.numpy as jnp
import numpy as np

N = 10000
E = 320000
F_IN = 128
D_HID = 128
N_CLASS = 40


def setup_inputs(seed: int = 0) -> dict:
    key = jax.random.key(seed)
    k = jax.random.split(key, 8)
    x = jax.random.normal(k[0], (N, F_IN), dtype=jnp.float32)
    edge_index = jax.random.randint(k[1], (2, E), 0, N, dtype=jnp.int64)
    # GCNConv weights (glorot-style scale) and biases
    W0 = jax.random.normal(k[2], (F_IN, D_HID), dtype=jnp.float32) * (1.0 / np.sqrt(F_IN))
    b0 = jnp.zeros((D_HID,), dtype=jnp.float32)
    W1 = jax.random.normal(k[3], (D_HID, D_HID), dtype=jnp.float32) * (1.0 / np.sqrt(D_HID))
    b1 = jnp.zeros((D_HID,), dtype=jnp.float32)
    Wout = jax.random.normal(k[4], (D_HID, N_CLASS), dtype=jnp.float32) * (1.0 / np.sqrt(D_HID))
    bout = jnp.zeros((N_CLASS,), dtype=jnp.float32)
    return {"x": x, "edge_index": edge_index, "W0": W0, "b0": b0, "W1": W1, "b1": b1, "Wout": Wout, "bout": bout}


def gcn_conv(x, edge_index, W, b, num_nodes):
    # symmetric-normalized GCN conv with self-loops: D^-1/2 (A+I) D^-1/2 X W + b
    src = edge_index[0]
    dst = edge_index[1]
    loop = jnp.arange(num_nodes, dtype=src.dtype)
    src = jnp.concatenate([src, loop])
    dst = jnp.concatenate([dst, loop])
    deg = jnp.zeros((num_nodes,), dtype=jnp.float32).at[dst].add(1.0)
    dinv = jnp.where(deg > 0, jax.lax.rsqrt(deg), 0.0)
    norm = dinv[src] * dinv[dst]
    h = x @ W
    msgs = h[src] * norm[:, None]
    out = jnp.zeros((num_nodes, W.shape[1]), dtype=jnp.float32).at[dst].add(msgs)
    return out + b


def reference(x, edge_index, W0, b0, W1, b1, Wout, bout):
    # eval mode: dropout is identity
    h = gcn_conv(x, edge_index, W0, b0, N)
    h = jax.nn.relu(gcn_conv(h, edge_index, W1, b1, N))
    out = h @ Wout + bout
    return jax.nn.log_softmax(out, axis=1)

if __name__ == "__main__":
    import jax
    _d = setup_inputs()
    print(jax.jit(kernel)(*tuple(_d.values())))

</pallas_src>

<mosaic_0001>
#map = affine_map<(d0, d1) -> (0)>
#map1 = affine_map<(d0, d1) -> (0, 0)>
#map2 = affine_map<(d0, d1) -> (0, 0, 0)>
module attributes {stable_mosaic.version = 14 : i64} {
  func.func @agg_kernel(%arg0: i32, %arg1: i32, %arg2: memref<320000xi32, #tpu.memory_space<hbm>>, %arg3: memref<2500x128xi32, #tpu.memory_space<hbm>>, %arg4: memref<10000x128xf32, #tpu.memory_space<hbm>>, %arg5: memref<632x128xf32, #tpu.memory_space<hbm>>, %arg6: memref<2x10112x128xf32, #tpu.memory_space<hbm>>, %arg7: memref<512xi32, #tpu.memory_space<vmem>>, %arg8: memref<4x128xi32, #tpu.memory_space<vmem>>, %arg9: memref<128x128xf32, #tpu.memory_space<vmem>>, %arg10: memref<128x128xf32, #tpu.memory_space<vmem>>, %arg11: memref<10112x128xf32, #tpu.memory_space<vmem_shared>>, %arg12: memref<!tpu.dma_semaphore, #tpu.memory_space<semaphore_mem>>, %arg13: memref<!tpu.dma_semaphore, #tpu.memory_space<semaphore_mem>>) attributes {dimension_semantics = [#tpu.dimension_semantics<core_parallel>, #tpu.dimension_semantics<subcore_parallel>], iteration_bounds = array<i64: 2, 16>, scalar_prefetch = 0 : i64, scratch_operands = 7 : i64, tpu.core_type = #tpu.core_type<sc_vector_subcore>, window_params = [{transform_indices = #map}, {transform_indices = #map1}, {transform_indices = #map1}, {transform_indices = #map1}, {transform_indices = #map2}]} {
    %mul3A = arith.constant 16 : i32
    %mul3A_0 = arith.muli %arg0, %mul3A : i32
    %add3A = arith.addi %mul3A_0, %arg1 : i32
    %mul3A_1 = arith.constant 632 : i32
    %mul3A_2 = arith.muli %arg1, %mul3A_1 : i32
    "tpu.region"() ({
      %run_scoped3A = tpu.sem_alloc : memref<!tpu.dma_semaphore, #tpu.memory_space<semaphore_mem>>
      %dma_start3A = arith.constant 0 : i32
      %dma_start3A_21 = tpu.memref_slice %arg11[%mul3A_2, %dma_start3A] : memref<10112x128xf32, #tpu.memory_space<vmem_shared>> -> memref<632x128xf32, #tpu.memory_space<vmem_shared>>
      tpu.enqueue_dma source(%arg5 : memref<632x128xf32, #tpu.memory_space<hbm>>) target(%dma_start3A_21 : memref<632x128xf32, #tpu.memory_space<vmem_shared>>) target_semaphore(%run_scoped3A : memref<!tpu.dma_semaphore, #tpu.memory_space<semaphore_mem>>)
      %dma_wait3A = arith.constant 0 : i32
      %dma_wait3A_22 = tpu.memref_slice %arg11[%mul3A_2, %dma_wait3A] : memref<10112x128xf32, #tpu.memory_space<vmem_shared>> -> memref<632x128xf32, #tpu.memory_space<vmem_shared>>
      tpu.wait_dma2 semaphore(%run_scoped3A : memref<!tpu.dma_semaphore, #tpu.memory_space<semaphore_mem>>) src(%arg5 : memref<632x128xf32, #tpu.memory_space<hbm>>) dst(%dma_wait3A_22 : memref<632x128xf32, #tpu.memory_space<vmem_shared>>)
      tpu.yield
    }) : () -> ()
    %barrier3A = arith.constant 0 : index
    tpu.barrier barrier_id(%barrier3A)
    %mul3A_3 = arith.constant 19 : i32
    %mul3A_4 = arith.muli %add3A, %mul3A_3 : i32
    %min3A = arith.constant 17 : i32
    %min3A_5 = arith.minsi %add3A, %min3A : i32
    %add3A_6 = arith.addi %mul3A_4, %min3A_5 : i32
    %lt3A = arith.constant 17 : i32
    %lt3A_7 = arith.cmpi slt, %add3A, %lt3A : i32
    %jit3A = arith.constant 1 : i32
    %jit3A_8 = arith.constant 0 : i32
    %select_n3A = arith.select %lt3A_7, %jit3A, %jit3A_8 : i32
    %add3A_9 = arith.constant 19 : i32
    %add3A_10 = arith.addi %add3A_9, %select_n3A : i32
    %while3A = arith.constant 0 : i32
    %while3A_11 = arith.constant 0 : i32
    %while3A_12 = arith.subi %add3A_10, %while3A_11 : i32
    %while3A_13 = arith.addi %while3A_11, %while3A_12 : i32
    %while3A_14 = arith.constant 1 : i32
    %while3A_15 = arith.divsi %while3A_12, %while3A_14 : i32
    %while3A_16 = arith.muli %while3A_15, %while3A_14 : i32
    %while3A_17 = arith.addi %while3A_11, %while3A_16 : i32
    %while3A_18 = arith.constant 1 : i32
    scf.for %while3A_21 = %while3A_11 to %while3A_17 step %while3A_18  : i32 {
      %add3A_22 = arith.addi %add3A_6, %while3A_21 : i32
      %mul3A_23 = arith.constant 512 : i32
      %mul3A_24 = arith.muli %add3A_22, %mul3A_23 : i32
      "tpu.region"() ({
        %run_scoped3A_156 = tpu.sem_alloc : memref<!tpu.dma_semaphore, #tpu.memory_space<semaphore_mem>>
        %dma_start3A_157 = tpu.memref_slice %arg2[%mul3A_24] : memref<320000xi32, #tpu.memory_space<hbm>> -> memref<512xi32, #tpu.memory_space<hbm>>
        %dma_start3A_158 = tpu.memref_slice %arg2[%mul3A_24] : memref<320000xi32, #tpu.memory_space<hbm>> -> memref<512xi32, #tpu.memory_space<hbm>>
        tpu.enqueue_dma source(%dma_start3A_158 : memref<512xi32, #tpu.memory_space<hbm>>) target(%arg7 : memref<512xi32, #tpu.memory_space<vmem>>) target_semaphore(%run_scoped3A_156 : memref<!tpu.dma_semaphore, #tpu.memory_space<semaphore_mem>>)
        %dma_wait3A_159 = tpu.memref_slice %arg2[%mul3A_24] : memref<320000xi32, #tpu.memory_space<hbm>> -> memref<512xi32, #tpu.memory_space<hbm>>
        %dma_wait3A_160 = tpu.memref_slice %arg2[%mul3A_24] : memref<320000xi32, #tpu.memory_space<hbm>> -> memref<512xi32, #tpu.memory_space<hbm>>
        tpu.wait_dma2 semaphore(%run_scoped3A_156 : memref<!tpu.dma_semaphore, #tpu.memory_space<semaphore_mem>>) src(%dma_wait3A_160 : memref<512xi32, #tpu.memory_space<hbm>>) dst(%arg7 : memref<512xi32, #tpu.memory_space<vmem>>)
        tpu.yield
      }) : () -> ()
      %mul3A_25 = arith.constant 4 : i32
      %mul3A_26 = arith.muli %add3A_22, %mul3A_25 : i32
      "tpu.region"() ({
        %run_scoped3A_156 = tpu.sem_alloc : memref<!tpu.dma_semaphore, #tpu.memory_space<semaphore_mem>>
        %dma_start3A_157 = arith.constant 0 : i32
        %dma_start3A_158 = tpu.memref_slice %arg3[%mul3A_26, %dma_start3A_157] : memref<2500x128xi32, #tpu.memory_space<hbm>> -> memref<4x128xi32, #tpu.memory_space<hbm>>
        %dma_start3A_159 = arith.constant 0 : i32
        %dma_start3A_160 = tpu.memref_slice %arg3[%mul3A_26, %dma_start3A_159] : memref<2500x128xi32, #tpu.memory_space<hbm>> -> memref<4x128xi32, #tpu.memory_space<hbm>>
        tpu.enqueue_dma source(%dma_start3A_160 : memref<4x128xi32, #tpu.memory_space<hbm>>) target(%arg8 : memref<4x128xi32, #tpu.memory_space<vmem>>) target_semaphore(%run_scoped3A_156 : memref<!tpu.dma_semaphore, #tpu.memory_space<semaphore_mem>>)
        %dma_wait3A_161 = arith.constant 0 : i32
        %dma_wait3A_162 = tpu.memref_slice %arg3[%mul3A_26, %dma_wait3A_161] : memref<2500x128xi32, #tpu.memory_space<hbm>> -> memref<4x128xi32, #tpu.memory_space<hbm>>
        %dma_wait3A_163 = arith.constant 0 : i32
        %dma_wait3A_164 = tpu.memref_slice %arg3[%mul3A_26, %dma_wait3A_163] : memref<2500x128xi32, #tpu.memory_space<hbm>> -> memref<4x128xi32, #tpu.memory_space<hbm>>
        tpu.wait_dma2 semaphore(%run_scoped3A_156 : memref<!tpu.dma_semaphore, #tpu.memory_space<semaphore_mem>>) src(%dma_wait3A_164 : memref<4x128xi32, #tpu.memory_space<hbm>>) dst(%arg8 : memref<4x128xi32, #tpu.memory_space<vmem>>)
        tpu.yield
      }) : () -> ()
      %dma_start3A = arith.constant 0 : i32
      %dma_start3A_27 = arith.constant 0 : i32
      %dma_start3A_28 = tpu.memref_slice %arg9[%dma_start3A, %dma_start3A_27] : memref<128x128xf32, #tpu.memory_space<vmem>> -> memref<64x128xf32, #tpu.memory_space<vmem>>
      %dma_start3A_29 = arith.constant 0 : i32
      %dma_start3A_30 = tpu.memref_slice %arg7[%dma_start3A_29] : memref<512xi32, #tpu.memory_space<vmem>> -> memref<64xi32, #tpu.memory_space<vmem>>
      %dma_start3A_31 = arith.constant 0 : i32
      %dma_start3A_32 = arith.constant 0 : i32
      %dma_start3A_33 = tpu.memref_slice %arg4[%dma_start3A_31, %dma_start3A_32] : memref<10000x128xf32, #tpu.memory_space<hbm>> -> memref<10000x128xf32, #tpu.memory_space<hbm>>
      tpu.enqueue_indirect_dma source(%dma_start3A_33 : memref<10000x128xf32, #tpu.memory_space<hbm>>) target(%dma_start3A_28 : memref<64x128xf32, #tpu.memory_space<vmem>>) offsets(%dma_start3A_30 : memref<64xi32, #tpu.memory_space<vmem>>) semaphore(%arg12 : memref<!tpu.dma_semaphore, #tpu.memory_space<semaphore_mem>>)
      %dma_start3A_34 = arith.constant 64 : i32
      %dma_start3A_35 = arith.constant 0 : i32
      %dma_start3A_36 = tpu.memref_slice %arg9[%dma_start3A_34, %dma_start3A_35] : memref<128x128xf32, #tpu.memory_space<vmem>> -> memref<64x128xf32, #tpu.memory_space<vmem>>
      %dma_start3A_37 = arith.constant 64 : i32
      %dma_start3A_38 = tpu.memref_slice %arg7[%dma_start3A_37] : memref<512xi32, #tpu.memory_space<vmem>> -> memref<64xi32, #tpu.memory_space<vmem>>
      %dma_start3A_39 = arith.constant 0 : i32
      %dma_start3A_40 = arith.constant 0 : i32
      %dma_start3A_41 = tpu.memref_slice %arg4[%dma_start3A_39, %dma_start3A_40] : memref<10000x128xf32, #tpu.memory_space<hbm>> -> memref<10000x128xf32, #tpu.memory_space<hbm>>
      tpu.enqueue_indirect_dma source(%dma_start3A_41 : memref<10000x128xf32, #tpu.memory_space<hbm>>) target(%dma_start3A_36 : memref<64x128xf32, #tpu.memory_space<vmem>>) offsets(%dma_start3A_38 : memref<64xi32, #tpu.memory_space<vmem>>) semaphore(%arg12 : memref<!tpu.dma_semaphore, #tpu.memory_space<semaphore_mem>>)
      %dma_start3A_42 = arith.constant 0 : i32
      %dma_start3A_43 = arith.constant 0 : i32
      %dma_start3A_44 = tpu.memref_slice %arg10[%dma_start3A_42, %dma_start3A_43] : memref<128x128xf32, #tpu.memory_space<vmem>> -> memref<64x128xf32, #tpu.memory_space<vmem>>
      %dma_start3A_45 = arith.constant 128 : i32
      %dma_start3A_46 = tpu.memref_slice %arg7[%dma_start3A_45] : memref<512xi32, #tpu.memory_space<vmem>> -> memref<64xi32, #tpu.memory_space<vmem>>
      %dma_start3A_47 = arith.constant 0 : i32
      %dma_start3A_48 = arith.constant 0 : i32
      %dma_start3A_49 = tpu.memref_slice %arg4[%dma_start3A_47, %dma_start3A_48] : memref<10000x128xf32, #tpu.memory_space<hbm>> -> memref<10000x128xf32, #tpu.memory_space<hbm>>
      tpu.enqueue_indirect_dma source(%dma_start3A_49 : memref<10000x128xf32, #tpu.memory_space<hbm>>) target(%dma_start3A_44 : memref<64x128xf32, #tpu.memory_space<vmem>>) offsets(%dma_start3A_46 : memref<64xi32, #tpu.memory_space<vmem>>) semaphore(%arg13 : memref<!tpu.dma_semaphore, #tpu.memory_space<semaphore_mem>>)
      %dma_start3A_50 = arith.constant 64 : i32
      %dma_start3A_51 = arith.constant 0 : i32
      %dma_start3A_52 = tpu.memref_slice %arg10[%dma_start3A_50, %dma_start3A_51] : memref<128x128xf32, #tpu.memory_space<vmem>> -> memref<64x128xf32, #tpu.memory_space<vmem>>
      %dma_start3A_53 = arith.constant 192 : i32
      %dma_start3A_54 = tpu.memref_slice %arg7[%dma_start3A_53] : memref<512xi32, #tpu.memory_space<vmem>> -> memref<64xi32, #tpu.memory_space<vmem>>
      %dma_start3A_55 = arith.constant 0 : i32
      %dma_start3A_56 = arith.constant 0 : i32
      %dma_start3A_57 = tpu.memref_slice %arg4[%dma_start3A_55, %dma_start3A_56] : memref<10000x128xf32, #tpu.memory_space<hbm>> -> memref<10000x128xf32, #tpu.memory_space<hbm>>
      tpu.enqueue_indirect_dma source(%dma_start3A_57 : memref<10000x128xf32, #tpu.memory_space<hbm>>) target(%dma_start3A_52 : memref<64x128xf32, #tpu.memory_space<vmem>>) offsets(%dma_start3A_54 : memref<64xi32, #tpu.memory_space<vmem>>) semaphore(%arg13 : memref<!tpu.dma_semaphore, #tpu.memory_space<semaphore_mem>>)
      %dma_wait3A = arith.constant 0 : i32
      %dma_wait3A_58 = arith.constant 0 : i32
      %dma_wait3A_59 = tpu.memref_slice %arg9[%dma_wait3A, %dma_wait3A_58] : memref<128x128xf32, #tpu.memory_space<vmem>> -> memref<64x128xf32, #tpu.memory_space<vmem>>
      %dma_wait3A_60 = arith.constant 0 : i32
      %dma_wait3A_61 = tpu.memref_slice %arg7[%dma_wait3A_60] : memref<512xi32, #tpu.memory_space<vmem>> -> memref<64xi32, #tpu.memory_space<vmem>>
      %dma_wait3A_62 = arith.constant 0 : i32
      %dma_wait3A_63 = arith.constant 0 : i32
      %dma_wait3A_64 = tpu.memref_slice %arg4[%dma_wait3A_62, %dma_wait3A_63] : memref<10000x128xf32, #tpu.memory_space<hbm>> -> memref<10000x128xf32, #tpu.memory_space<hbm>>
      tpu.wait_indirect_dma semaphore(%arg12 : memref<!tpu.dma_semaphore, #tpu.memory_space<semaphore_mem>>) src(%dma_wait3A_64 : memref<10000x128xf32, #tpu.memory_space<hbm>>) dst(%dma_wait3A_59 : memref<64x128xf32, #tpu.memory_space<vmem>>)
      %dma_wait3A_65 = arith.constant 64 : i32
      %dma_wait3A_66 = arith.constant 0 : i32
      %dma_wait3A_67 = tpu.memref_slice %arg9[%dma_wait3A_65, %dma_wait3A_66] : memref<128x128xf32, #tpu.memory_space<vmem>> -> memref<64x128xf32, #tpu.memory_space<vmem>>
      %dma_wait3A_68 = arith.constant 64 : i32
      %dma_wait3A_69 = tpu.memref_slice %arg7[%dma_wait3A_68] : memref<512xi32, #tpu.memory_space<vmem>> -> memref<64xi32, #tpu.memory_space<vmem>>
      %dma_wait3A_70 = arith.constant 0 : i32
      %dma_wait3A_71 = arith.constant 0 : i32
      %dma_wait3A_72 = tpu.memref_slice %arg4[%dma_wait3A_70, %dma_wait3A_71] : memref<10000x128xf32, #tpu.memory_space<hbm>> -> memref<10000x128xf32, #tpu.memory_space<hbm>>
      tpu.wait_indirect_dma semaphore(%arg12 : memref<!tpu.dma_semaphore, #tpu.memory_space<semaphore_mem>>) src(%dma_wait3A_72 : memref<10000x128xf32, #tpu.memory_space<hbm>>) dst(%dma_wait3A_67 : memref<64x128xf32, #tpu.memory_space<vmem>>)
      %run_scoped3A = arith.constant 0 : i32
      "tpu.region"() ({
        %run_scoped3A_156 = tpu.sem_alloc : memref<!tpu.dma_semaphore, #tpu.memory_space<semaphore_mem>>
        %dma_start3A_157 = arith.constant 0 : i32
        %dma_start3A_158 = tpu.memref_slice %arg8[%run_scoped3A, %dma_start3A_157] : memref<4x128xi32, #tpu.memory_space<vmem>> -> memref<1x128xi32, #tpu.memory_space<vmem>>
        %dma_start3A_159 = tpu.memref_squeeze %dma_start3A_158 : memref<1x128xi32, #tpu.memory_space<vmem>> -> memref<128xi32, #tpu.memory_space<vmem>>
        %dma_start3A_160 = arith.constant 0 : i32
        %dma_start3A_161 = arith.constant 0 : i32
        %dma_start3A_162 = tpu.memref_slice %arg11[%dma_start3A_160, %dma_start3A_161] : memref<10112x128xf32, #tpu.memory_space<vmem_shared>> -> memref<10112x128xf32, #tpu.memory_space<vmem_shared>>
        tpu.enqueue_indirect_dma source(%arg9 : memref<128x128xf32, #tpu.memory_space<vmem>>) target(%dma_start3A_162 : memref<10112x128xf32, #tpu.memory_space<vmem_shared>>) offsets(%dma_start3A_159 : memref<128xi32, #tpu.memory_space<vmem>>) semaphore(%run_scoped3A_156 : memref<!tpu.dma_semaphore, #tpu.memory_space<semaphore_mem>>) {add = true}
        %dma_wait3A_163 = arith.constant 0 : i32
        %dma_wait3A_164 = tpu.memref_slice %arg8[%run_scoped3A, %dma_wait3A_163] : memref<4x128xi32, #tpu.memory_space<vmem>> -> memref<1x128xi32, #tpu.memory_space<vmem>>
        %dma_wait3A_165 = tpu.memref_squeeze %dma_wait3A_164 : memref<1x128xi32, #tpu.memory_space<vmem>> -> memref<128xi32, #tpu.memory_space<vmem>>
        %dma_wait3A_166 = arith.constant 0 : i32
        %dma_wait3A_167 = arith.constant 0 : i32
        %dma_wait3A_168 = tpu.memref_slice %arg11[%dma_wait3A_166, %dma_wait3A_167] : memref<10112x128xf32, #tpu.memory_space<vmem_shared>> -> memref<10112x128xf32, #tpu.memory_space<vmem_shared>>
        tpu.wait_indirect_dma semaphore(%run_scoped3A_156 : memref<!tpu.dma_semaphore, #tpu.memory_space<semaphore_mem>>) src(%arg9 : memref<128x128xf32, #tpu.memory_space<vmem>>) dst(%dma_wait3A_168 : memref<10112x128xf32, #tpu.memory_space<vmem_shared>>)
        tpu.yield
      }) : () -> ()
      %dma_start3A_73 = arith.constant 0 : i32
      %dma_start3A_74 = arith.constant 0 : i32
      %dma_start3A_75 = tpu.memref_slice %arg9[%dma_start3A_73, %dma_start3A_74] : memref<128x128xf32, #tpu.memory_space<vmem>> -> memref<64x128xf32, #tpu.memory_space<vmem>>
      %dma_start3A_76 = arith.constant 256 : i32
      %dma_start3A_77 = tpu.memref_slice %arg7[%dma_start3A_76] : memref<512xi32, #tpu.memory_space<vmem>> -> memref<64xi32, #tpu.memory_space<vmem>>
      %dma_start3A_78 = arith.constant 0 : i32
      %dma_start3A_79 = arith.constant 0 : i32
      %dma_start3A_80 = tpu.memref_slice %arg4[%dma_start3A_78, %dma_start3A_79] : memref<10000x128xf32, #tpu.memory_space<hbm>> -> memref<10000x128xf32, #tpu.memory_space<hbm>>
      tpu.enqueue_indirect_dma source(%dma_start3A_80 : memref<10000x128xf32, #tpu.memory_space<hbm>>) target(%dma_start3A_75 : memref<64x128xf32, #tpu.memory_space<vmem>>) offsets(%dma_start3A_77 : memref<64xi32, #tpu.memory_space<vmem>>) semaphore(%arg12 : memref<!tpu.dma_semaphore, #tpu.memory_space<semaphore_mem>>)
      %dma_start3A_81 = arith.constant 64 : i32
      %dma_start3A_82 = arith.constant 0 : i32
      %dma_start3A_83 = tpu.memref_slice %arg9[%dma_start3A_81, %dma_start3A_82] : memref<128x128xf32, #tpu.memory_space<vmem>> -> memref<64x128xf32, #tpu.memory_space<vmem>>
      %dma_start3A_84 = arith.constant 320 : i32
      %dma_start3A_85 = tpu.memref_slice %arg7[%dma_start3A_84] : memref<512xi32, #tpu.memory_space<vmem>> -> memref<64xi32, #tpu.memory_space<vmem>>
      %dma_start3A_86 = arith.constant 0 : i32
      %dma_start3A_87 = arith.constant 0 : i32
      %dma_start3A_88 = tpu.memref_slice %arg4[%dma_start3A_86, %dma_start3A_87] : memref<10000x128xf32, #tpu.memory_space<hbm>> -> memref<10000x128xf32, #tpu.memory_space<hbm>>
      tpu.enqueue_indirect_dma source(%dma_start3A_88 : memref<10000x128xf32, #tpu.memory_space<hbm>>) target(%dma_start3A_83 : memref<64x128xf32, #tpu.memory_space<vmem>>) offsets(%dma_start3A_85 : memref<64xi32, #tpu.memory_space<vmem>>) semaphore(%arg12 : memref<!tpu.dma_semaphore, #tpu.memory_space<semaphore_mem>>)
      %dma_wait3A_89 = arith.constant 0 : i32
      %dma_wait3A_90 = arith.constant 0 : i32
      %dma_wait3A_91 = tpu.memref_slice %arg10[%dma_wait3A_89, %dma_wait3A_90] : memref<128x128xf32, #tpu.memory_space<vmem>> -> memref<64x128xf32, #tpu.memory_space<vmem>>
      %dma_wait3A_92 = arith.constant 128 : i32
      %dma_wait3A_93 = tpu.memref_slice %arg7[%dma_wait3A_92] : memref<512xi32, #tpu.memory_space<vmem>> -> memref<64xi32, #tpu.memory_space<vmem>>
      %dma_wait3A_94 = arith.constant 0 : i32
      %dma_wait3A_95 = arith.constant 0 : i32
      %dma_wait3A_96 = tpu.memref_slice %arg4[%dma_wait3A_94, %dma_wait3A_95] : memref<10000x128xf32, #tpu.memory_space<hbm>> -> memref<10000x128xf32, #tpu.memory_space<hbm>>
      tpu.wait_indirect_dma semaphore(%arg13 : memref<!tpu.dma_semaphore, #tpu.memory_space<semaphore_mem>>) src(%dma_wait3A_96 : memref<10000x128xf32, #tpu.memory_space<hbm>>) dst(%dma_wait3A_91 : memref<64x128xf32, #tpu.memory_space<vmem>>)
      %dma_wait3A_97 = arith.constant 64 : i32
      %dma_wait3A_98 = arith.constant 0 : i32
      %dma_wait3A_99 = tpu.memref_slice %arg10[%dma_wait3A_97, %dma_wait3A_98] : memref<128x128xf32, #tpu.memory_space<vmem>> -> memref<64x128xf32, #tpu.memory_space<vmem>>
      %dma_wait3A_100 = arith.constant 192 : i32
      %dma_wait3A_101 = tpu.memref_slice %arg7[%dma_wait3A_100] : memref<512xi32, #tpu.memory_space<vmem>> -> memref<64xi32, #tpu.memory_space<vmem>>
      %dma_wait3A_102 = arith.constant 0 : i32
      %dma_wait3A_103 = arith.constant 0 : i32
      %dma_wait3A_104 = tpu.memref_slice %arg4[%dma_wait3A_102, %dma_wait3A_103] : memref<10000x128xf32, #tpu.memory_space<hbm>> -> memref<10000x128xf32, #tpu.memory_space<hbm>>
      tpu.wait_indirect_dma semaphore(%arg13 : memref<!tpu.dma_semaphore, #tpu.memory_space<semaphore_mem>>) src(%dma_wait3A_104 : memref<10000x128xf32, #tpu.memory_space<hbm>>) dst(%dma_wait3A_99 : memref<64x128xf32, #tpu.memory_space<vmem>>)
      %run_scoped3A_105 = arith.constant 1 : i32
      "tpu.region"() ({
        %run_scoped3A_156 = tpu.sem_alloc : memref<!tpu.dma_semaphore, #tpu.memory_space<semaphore_mem>>
        %dma_start3A_157 = arith.constant 0 : i32
        %dma_start3A_158 = tpu.memref_slice %arg8[%run_scoped3A_105, %dma_start3A_157] : memref<4x128xi32, #tpu.memory_space<vmem>> -> memref<1x128xi32, #tpu.memory_space<vmem>>
        %dma_start3A_159 = tpu.memref_squeeze %dma_start3A_158 : memref<1x128xi32, #tpu.memory_space<vmem>> -> memref<128xi32, #tpu.memory_space<vmem>>
        %dma_start3A_160 = arith.constant 0 : i32
        %dma_start3A_161 = arith.constant 0 : i32
        %dma_start3A_162 = tpu.memref_slice %arg11[%dma_start3A_160, %dma_start3A_161] : memref<10112x128xf32, #tpu.memory_space<vmem_shared>> -> memref<10112x128xf32, #tpu.memory_space<vmem_shared>>
        tpu.enqueue_indirect_dma source(%arg10 : memref<128x128xf32, #tpu.memory_space<vmem>>) target(%dma_start3A_162 : memref<10112x128xf32, #tpu.memory_space<vmem_shared>>) offsets(%dma_start3A_159 : memref<128xi32, #tpu.memory_space<vmem>>) semaphore(%run_scoped3A_156 : memref<!tpu.dma_semaphore, #tpu.memory_space<semaphore_mem>>) {add = true}
        %dma_wait3A_163 = arith.constant 0 : i32
        %dma_wait3A_164 = tpu.memref_slice %arg8[%run_scoped3A_105, %dma_wait3A_163] : memref<4x128xi32, #tpu.memory_space<vmem>> -> memref<1x128xi32, #tpu.memory_space<vmem>>
        %dma_wait3A_165 = tpu.memref_squeeze %dma_wait3A_164 : memref<1x128xi32, #tpu.memory_space<vmem>> -> memref<128xi32, #tpu.memory_space<vmem>>
        %dma_wait3A_166 = arith.constant 0 : i32
        %dma_wait3A_167 = arith.constant 0 : i32
        %dma_wait3A_168 = tpu.memref_slice %arg11[%dma_wait3A_166, %dma_wait3A_167] : memref<10112x128xf32, #tpu.memory_space<vmem_shared>> -> memref<10112x128xf32, #tpu.memory_space<vmem_shared>>
        tpu.wait_indirect_dma semaphore(%run_scoped3A_156 : memref<!tpu.dma_semaphore, #tpu.memory_space<semaphore_mem>>) src(%arg10 : memref<128x128xf32, #tpu.memory_space<vmem>>) dst(%dma_wait3A_168 : memref<10112x128xf32, #tpu.memory_space<vmem_shared>>)
        tpu.yield
      }) : () -> ()
      %dma_start3A_106 = arith.constant 0 : i32
      %dma_start3A_107 = arith.constant 0 : i32
      %dma_start3A_108 = tpu.memref_slice %arg10[%dma_start3A_106, %dma_start3A_107] : memref<128x128xf32, #tpu.memory_space<vmem>> -> memref<64x128xf32, #tpu.memory_space<vmem>>
      %dma_start3A_109 = arith.constant 384 : i32
      %dma_start3A_110 = tpu.memref_slice %arg7[%dma_start3A_109] : memref<512xi32, #tpu.memory_space<vmem>> -> memref<64xi32, #tpu.memory_space<vmem>>
      %dma_start3A_111 = arith.constant 0 : i32
      %dma_start3A_112 = arith.constant 0 : i32
      %dma_start3A_113 = tpu.memref_slice %arg4[%dma_start3A_111, %dma_start3A_112] : memref<10000x128xf32, #tpu.memory_space<hbm>> -> memref<10000x128xf32, #tpu.memory_space<hbm>>
      tpu.enqueue_indirect_dma source(%dma_start3A_113 : memref<10000x128xf32, #tpu.memory_space<hbm>>) target(%dma_start3A_108 : memref<64x128xf32, #tpu.memory_space<vmem>>) offsets(%dma_start3A_110 : memref<64xi32, #tpu.memory_space<vmem>>) semaphore(%arg13 : memref<!tpu.dma_semaphore, #tpu.memory_space<semaphore_mem>>)
      %dma_start3A_114 = arith.constant 64 : i32
      %dma_start3A_115 = arith.constant 0 : i32
      %dma_start3A_116 = tpu.memref_slice %arg10[%dma_start3A_114, %dma_start3A_115] : memref<128x128xf32, #tpu.memory_space<vmem>> -> memref<64x128xf32, #tpu.memory_space<vmem>>
      %dma_start3A_117 = arith.constant 448 : i32
      %dma_start3A_118 = tpu.memref_slice %arg7[%dma_start3A_117] : memref<512xi32, #tpu.memory_space<vmem>> -> memref<64xi32, #tpu.memory_space<vmem>>
      %dma_start3A_119 = arith.constant 0 : i32
      %dma_start3A_120 = arith.constant 0 : i32
      %dma_start3A_121 = tpu.memref_slice %arg4[%dma_start3A_119, %dma_start3A_120] : memref<10000x128xf32, #tpu.memory_space<hbm>> -> memref<10000x128xf32, #tpu.memory_space<hbm>>
      tpu.enqueue_indirect_dma source(%dma_start3A_121 : memref<10000x128xf32, #tpu.memory_space<hbm>>) target(%dma_start3A_116 : memref<64x128xf32, #tpu.memory_space<vmem>>) offsets(%dma_start3A_118 : memref<64xi32, #tpu.memory_space<vmem>>) semaphore(%arg13 : memref<!tpu.dma_semaphore, #tpu.memory_space<semaphore_mem>>)
      %dma_wait3A_122 = arith.constant 0 : i32
      %dma_wait3A_123 = arith.constant 0 : i32
      %dma_wait3A_124 = tpu.memref_slice %arg9[%dma_wait3A_122, %dma_wait3A_123] : memref<128x128xf32, #tpu.memory_space<vmem>> -> memref<64x128xf32, #tpu.memory_space<vmem>>
      %dma_wait3A_125 = arith.constant 256 : i32
      %dma_wait3A_126 = tpu.memref_slice %arg7[%dma_wait3A_125] : memref<512xi32, #tpu.memory_space<vmem>> -> memref<64xi32, #tpu.memory_space<vmem>>
      %dma_wait3A_127 = arith.constant 0 : i32
      %dma_wait3A_128 = arith.constant 0 : i32
      %dma_wait3A_129 = tpu.memref_slice %arg4[%dma_wait3A_127, %dma_wait3A_128] : memref<10000x128xf32, #tpu.memory_space<hbm>> -> memref<10000x128xf32, #tpu.memory_space<hbm>>
      tpu.wait_indirect_dma semaphore(%arg12 : memref<!tpu.dma_semaphore, #tpu.memory_space<semaphore_mem>>) src(%dma_wait3A_129 : memref<10000x128xf32, #tpu.memory_space<hbm>>) dst(%dma_wait3A_124 : memref<64x128xf32, #tpu.memory_space<vmem>>)
      %dma_wait3A_130 = arith.constant 64 : i32
      %dma_wait3A_131 = arith.constant 0 : i32
      %dma_wait3A_132 = tpu.memref_slice %arg9[%dma_wait3A_130, %dma_wait3A_131] : memref<128x128xf32, #tpu.memory_space<vmem>> -> memref<64x128xf32, #tpu.memory_space<vmem>>
      %dma_wait3A_133 = arith.constant 320 : i32
      %dma_wait3A_134 = tpu.memref_slice %arg7[%dma_wait3A_133] : memref<512xi32, #tpu.memory_space<vmem>> -> memref<64xi32, #tpu.memory_space<vmem>>
      %dma_wait3A_135 = arith.constant 0 : i32
      %dma_wait3A_136 = arith.constant 0 : i32
      %dma_wait3A_137 = tpu.memref_slice %arg4[%dma_wait3A_135, %dma_wait3A_136] : memref<10000x128xf32, #tpu.memory_space<hbm>> -> memref<10000x128xf32, #tpu.memory_space<hbm>>
      tpu.wait_indirect_dma semaphore(%arg12 : memref<!tpu.dma_semaphore, #tpu.memory_space<semaphore_mem>>) src(%dma_wait3A_137 : memref<10000x128xf32, #tpu.memory_space<hbm>>) dst(%dma_wait3A_132 : memref<64x128xf32, #tpu.memory_space<vmem>>)
      %run_scoped3A_138 = arith.constant 2 : i32
      "tpu.region"() ({
        %run_scoped3A_156 = tpu.sem_alloc : memref<!tpu.dma_semaphore, #tpu.memory_space<semaphore_mem>>
        %dma_start3A_157 = arith.constant 0 : i32
        %dma_start3A_158 = tpu.memref_slice %arg8[%run_scoped3A_138, %dma_start3A_157] : memref<4x128xi32, #tpu.memory_space<vmem>> -> memref<1x128xi32, #tpu.memory_space<vmem>>
        %dma_start3A_159 = tpu.memref_squeeze %dma_start3A_158 : memref<1x128xi32, #tpu.memory_space<vmem>> -> memref<128xi32, #tpu.memory_space<vmem>>
        %dma_start3A_160 = arith.constant 0 : i32
        %dma_start3A_161 = arith.constant 0 : i32
        %dma_start3A_162 = tpu.memref_slice %arg11[%dma_start3A_160, %dma_start3A_161] : memref<10112x128xf32, #tpu.memory_space<vmem_shared>> -> memref<10112x128xf32, #tpu.memory_space<vmem_shared>>
        tpu.enqueue_indirect_dma source(%arg9 : memref<128x128xf32, #tpu.memory_space<vmem>>) target(%dma_start3A_162 : memref<10112x128xf32, #tpu.memory_space<vmem_shared>>) offsets(%dma_start3A_159 : memref<128xi32, #tpu.memory_space<vmem>>) semaphore(%run_scoped3A_156 : memref<!tpu.dma_semaphore, #tpu.memory_space<semaphore_mem>>) {add = true}
        %dma_wait3A_163 = arith.constant 0 : i32
        %dma_wait3A_164 = tpu.memref_slice %arg8[%run_scoped3A_138, %dma_wait3A_163] : memref<4x128xi32, #tpu.memory_space<vmem>> -> memref<1x128xi32, #tpu.memory_space<vmem>>
        %dma_wait3A_165 = tpu.memref_squeeze %dma_wait3A_164 : memref<1x128xi32, #tpu.memory_space<vmem>> -> memref<128xi32, #tpu.memory_space<vmem>>
        %dma_wait3A_166 = arith.constant 0 : i32
        %dma_wait3A_167 = arith.constant 0 : i32
        %dma_wait3A_168 = tpu.memref_slice %arg11[%dma_wait3A_166, %dma_wait3A_167] : memref<10112x128xf32, #tpu.memory_space<vmem_shared>> -> memref<10112x128xf32, #tpu.memory_space<vmem_shared>>
        tpu.wait_indirect_dma semaphore(%run_scoped3A_156 : memref<!tpu.dma_semaphore, #tpu.memory_space<semaphore_mem>>) src(%arg9 : memref<128x128xf32, #tpu.memory_space<vmem>>) dst(%dma_wait3A_168 : memref<10112x128xf32, #tpu.memory_space<vmem_shared>>)
        tpu.yield
      }) : () -> ()
      %dma_wait3A_139 = arith.constant 0 : i32
      %dma_wait3A_140 = arith.constant 0 : i32
      %dma_wait3A_141 = tpu.memref_slice %arg10[%dma_wait3A_139, %dma_wait3A_140] : memref<128x128xf32, #tpu.memory_space<vmem>> -> memref<64x128xf32, #tpu.memory_space<vmem>>
      %dma_wait3A_142 = arith.constant 384 : i32
      %dma_wait3A_143 = tpu.memref_slice %arg7[%dma_wait3A_142] : memref<512xi32, #tpu.memory_space<vmem>> -> memref<64xi32, #tpu.memory_space<vmem>>
      %dma_wait3A_144 = arith.constant 0 : i32
      %dma_wait3A_145 = arith.constant 0 : i32
      %dma_wait3A_146 = tpu.memref_slice %arg4[%dma_wait3A_144, %dma_wait3A_145] : memref<10000x128xf32, #tpu.memory_space<hbm>> -> memref<10000x128xf32, #tpu.memory_space<hbm>>
      tpu.wait_indirect_dma semaphore(%arg13 : memref<!tpu.dma_semaphore, #tpu.memory_space<semaphore_mem>>) src(%dma_wait3A_146 : memref<10000x128xf32, #tpu.memory_space<hbm>>) dst(%dma_wait3A_141 : memref<64x128xf32, #tpu.memory_space<vmem>>)
      %dma_wait3A_147 = arith.constant 64 : i32
      %dma_wait3A_148 = arith.constant 0 : i32
      %dma_wait3A_149 = tpu.memref_slice %arg10[%dma_wait3A_147, %dma_wait3A_148] : memref<128x128xf32, #tpu.memory_space<vmem>> -> memref<64x128xf32, #tpu.memory_space<vmem>>
      %dma_wait3A_150 = arith.constant 448 : i32
      %dma_wait3A_151 = tpu.memref_slice %arg7[%dma_wait3A_150] : memref<512xi32, #tpu.memory_space<vmem>> -> memref<64xi32, #tpu.memory_space<vmem>>
      %dma_wait3A_152 = arith.constant 0 : i32
      %dma_wait3A_153 = arith.constant 0 : i32
      %dma_wait3A_154 = tpu.memref_slice %arg4[%dma_wait3A_152, %dma_wait3A_153] : memref<10000x128xf32, #tpu.memory_space<hbm>> -> memref<10000x128xf32, #tpu.memory_space<hbm>>
      tpu.wait_indirect_dma semaphore(%arg13 : memref<!tpu.dma_semaphore, #tpu.memory_space<semaphore_mem>>) src(%dma_wait3A_154 : memref<10000x128xf32, #tpu.memory_space<hbm>>) dst(%dma_wait3A_149 : memref<64x128xf32, #tpu.memory_space<vmem>>)
      %run_scoped3A_155 = arith.constant 3 : i32
      "tpu.region"() ({
        %run_scoped3A_156 = tpu.sem_alloc : memref<!tpu.dma_semaphore, #tpu.memory_space<semaphore_mem>>
        %dma_start3A_157 = arith.constant 0 : i32
        %dma_start3A_158 = tpu.memref_slice %arg8[%run_scoped3A_155, %dma_start3A_157] : memref<4x128xi32, #tpu.memory_space<vmem>> -> memref<1x128xi32, #tpu.memory_space<vmem>>
        %dma_start3A_159 = tpu.memref_squeeze %dma_start3A_158 : memref<1x128xi32, #tpu.memory_space<vmem>> -> memref<128xi32, #tpu.memory_space<vmem>>
        %dma_start3A_160 = arith.constant 0 : i32
        %dma_start3A_161 = arith.constant 0 : i32
        %dma_start3A_162 = tpu.memref_slice %arg11[%dma_start3A_160, %dma_start3A_161] : memref<10112x128xf32, #tpu.memory_space<vmem_shared>> -> memref<10112x128xf32, #tpu.memory_space<vmem_shared>>
        tpu.enqueue_indirect_dma source(%arg10 : memref<128x128xf32, #tpu.memory_space<vmem>>) target(%dma_start3A_162 : memref<10112x128xf32, #tpu.memory_space<vmem_shared>>) offsets(%dma_start3A_159 : memref<128xi32, #tpu.memory_space<vmem>>) semaphore(%run_scoped3A_156 : memref<!tpu.dma_semaphore, #tpu.memory_space<semaphore_mem>>) {add = true}
        %dma_wait3A_163 = arith.constant 0 : i32
        %dma_wait3A_164 = tpu.memref_slice %arg8[%run_scoped3A_155, %dma_wait3A_163] : memref<4x128xi32, #tpu.memory_space<vmem>> -> memref<1x128xi32, #tpu.memory_space<vmem>>
        %dma_wait3A_165 = tpu.memref_squeeze %dma_wait3A_164 : memref<1x128xi32, #tpu.memory_space<vmem>> -> memref<128xi32, #tpu.memory_space<vmem>>
        %dma_wait3A_166 = arith.constant 0 : i32
        %dma_wait3A_167 = arith.constant 0 : i32
        %dma_wait3A_168 = tpu.memref_slice %arg11[%dma_wait3A_166, %dma_wait3A_167] : memref<10112x128xf32, #tpu.memory_space<vmem_shared>> -> memref<10112x128xf32, #tpu.memory_space<vmem_shared>>
        tpu.wait_indirect_dma semaphore(%run_scoped3A_156 : memref<!tpu.dma_semaphore, #tpu.memory_space<semaphore_mem>>) src(%arg10 : memref<128x128xf32, #tpu.memory_space<vmem>>) dst(%dma_wait3A_168 : memref<10112x128xf32, #tpu.memory_space<vmem_shared>>)
        tpu.yield
      }) : () -> ()
    }
    %while3A_19 = arith.constant 1 : i32
    scf.for %while3A_21 = %while3A_17 to %while3A_13 step %while3A_19  : i32 {
      %add3A_22 = arith.addi %add3A_6, %while3A_21 : i32
      %mul3A_23 = arith.constant 512 : i32
      %mul3A_24 = arith.muli %add3A_22, %mul3A_23 : i32
      "tpu.region"() ({
        %run_scoped3A_156 = tpu.sem_alloc : memref<!tpu.dma_semaphore, #tpu.memory_space<semaphore_mem>>
        %dma_start3A_157 = tpu.memref_slice %arg2[%mul3A_24] : memref<320000xi32, #tpu.memory_space<hbm>> -> memref<512xi32, #tpu.memory_space<hbm>>
        %dma_start3A_158 = tpu.memref_slice %arg2[%mul3A_24] : memref<320000xi32, #tpu.memory_space<hbm>> -> memref<512xi32, #tpu.memory_space<hbm>>
        tpu.enqueue_dma source(%dma_start3A_158 : memref<512xi32, #tpu.memory_space<hbm>>) target(%arg7 : memref<512xi32, #tpu.memory_space<vmem>>) target_semaphore(%run_scoped3A_156 : memref<!tpu.dma_semaphore, #tpu.memory_space<semaphore_mem>>)
        %dma_wait3A_159 = tpu.memref_slice %arg2[%mul3A_24] : memref<320000xi32, #tpu.memory_space<hbm>> -> memref<512xi32, #tpu.memory_space<hbm>>
        %dma_wait3A_160 = tpu.memref_slice %arg2[%mul3A_24] : memref<320000xi32, #tpu.memory_space<hbm>> -> memref<512xi32, #tpu.memory_space<hbm>>
        tpu.wait_dma2 semaphore(%run_scoped3A_156 : memref<!tpu.dma_semaphore, #tpu.memory_space<semaphore_mem>>) src(%dma_wait3A_160 : memref<512xi32, #tpu.memory_space<hbm>>) dst(%arg7 : memref<512xi32, #tpu.memory_space<vmem>>)
        tpu.yield
      }) : () -> ()
      %mul3A_25 = arith.constant 4 : i32
      %mul3A_26 = arith.muli %add3A_22, %mul3A_25 : i32
      "tpu.region"() ({
        %run_scoped3A_156 = tpu.sem_alloc : memref<!tpu.dma_semaphore, #tpu.memory_space<semaphore_mem>>
        %dma_start3A_157 = arith.constant 0 : i32
        %dma_start3A_158 = tpu.memref_slice %arg3[%mul3A_26, %dma_start3A_157] : memref<2500x128xi32, #tpu.memory_space<hbm>> -> memref<4x128xi32, #tpu.memory_space<hbm>>
        %dma_start3A_159 = arith.constant 0 : i32
        %dma_start3A_160 = tpu.memref_slice %arg3[%mul3A_26, %dma_start3A_159] : memref<2500x128xi32, #tpu.memory_space<hbm>> -> memref<4x128xi32, #tpu.memory_space<hbm>>
        tpu.enqueue_dma source(%dma_start3A_160 : memref<4x128xi32, #tpu.memory_space<hbm>>) target(%arg8 : memref<4x128xi32, #tpu.memory_space<vmem>>) target_semaphore(%run_scoped3A_156 : memref<!tpu.dma_semaphore, #tpu.memory_space<semaphore_mem>>)
        %dma_wait3A_161 = arith.constant 0 : i32
        %dma_wait3A_162 = tpu.memref_slice %arg3[%mul3A_26, %dma_wait3A_161] : memref<2500x128xi32, #tpu.memory_space<hbm>> -> memref<4x128xi32, #tpu.memory_space<hbm>>
        %dma_wait3A_163 = arith.constant 0 : i32
        %dma_wait3A_164 = tpu.memref_slice %arg3[%mul3A_26, %dma_wait3A_163] : memref<2500x128xi32, #tpu.memory_space<hbm>> -> memref<4x128xi32, #tpu.memory_space<hbm>>
        tpu.wait_dma2 semaphore(%run_scoped3A_156 : memref<!tpu.dma_semaphore, #tpu.memory_space<semaphore_mem>>) src(%dma_wait3A_164 : memref<4x128xi32, #tpu.memory_space<hbm>>) dst(%arg8 : memref<4x128xi32, #tpu.memory_space<vmem>>)
        tpu.yield
      }) : () -> ()
      %dma_start3A = arith.constant 0 : i32
      %dma_start3A_27 = arith.constant 0 : i32
      %dma_start3A_28 = tpu.memref_slice %arg9[%dma_start3A, %dma_start3A_27] : memref<128x128xf32, #tpu.memory_space<vmem>> -> memref<64x128xf32, #tpu.memory_space<vmem>>
      %dma_start3A_29 = arith.constant 0 : i32
      %dma_start3A_30 = tpu.memref_slice %arg7[%dma_start3A_29] : memref<512xi32, #tpu.memory_space<vmem>> -> memref<64xi32, #tpu.memory_space<vmem>>
      %dma_start3A_31 = arith.constant 0 : i32
      %dma_start3A_32 = arith.constant 0 : i32
      %dma_start3A_33 = tpu.memref_slice %arg4[%dma_start3A_31, %dma_start3A_32] : memref<10000x128xf32, #tpu.memory_space<hbm>> -> memref<10000x128xf32, #tpu.memory_space<hbm>>
      tpu.enqueue_indirect_dma source(%dma_start3A_33 : memref<10000x128xf32, #tpu.memory_space<hbm>>) target(%dma_start3A_28 : memref<64x128xf32, #tpu.memory_space<vmem>>) offsets(%dma_start3A_30 : memref<64xi32, #tpu.memory_space<vmem>>) semaphore(%arg12 : memref<!tpu.dma_semaphore, #tpu.memory_space<semaphore_mem>>)
      %dma_start3A_34 = arith.constant 64 : i32
      %dma_start3A_35 = arith.constant 0 : i32
      %dma_start3A_36 = tpu.memref_slice %arg9[%dma_start3A_34, %dma_start3A_35] : memref<128x128xf32, #tpu.memory_space<vmem>> -> memref<64x128xf32, #tpu.memory_space<vmem>>
      %dma_start3A_37 = arith.constant 64 : i32
      %dma_start3A_38 = tpu.memref_slice %arg7[%dma_start3A_37] : memref<512xi32, #tpu.memory_space<vmem>> -> memref<64xi32, #tpu.memory_space<vmem>>
      %dma_start3A_39 = arith.constant 0 : i32
      %dma_start3A_40 = arith.constant 0 : i32
      %dma_start3A_41 = tpu.memref_slice %arg4[%dma_start3A_39, %dma_start3A_40] : memref<10000x128xf32, #tpu.memory_space<hbm>> -> memref<10000x128xf32, #tpu.memory_space<hbm>>
      tpu.enqueue_indirect_dma source(%dma_start3A_41 : memref<10000x128xf32, #tpu.memory_space<hbm>>) target(%dma_start3A_36 : memref<64x128xf32, #tpu.memory_space<vmem>>) offsets(%dma_start3A_38 : memref<64xi32, #tpu.memory_space<vmem>>) semaphore(%arg12 : memref<!tpu.dma_semaphore, #tpu.memory_space<semaphore_mem>>)
      %dma_start3A_42 = arith.constant 0 : i32
      %dma_start3A_43 = arith.constant 0 : i32
      %dma_start3A_44 = tpu.memref_slice %arg10[%dma_start3A_42, %dma_start3A_43] : memref<128x128xf32, #tpu.memory_space<vmem>> -> memref<64x128xf32, #tpu.memory_space<vmem>>
      %dma_start3A_45 = arith.constant 128 : i32
      %dma_start3A_46 = tpu.memref_slice %arg7[%dma_start3A_45] : memref<512xi32, #tpu.memory_space<vmem>> -> memref<64xi32, #tpu.memory_space<vmem>>
      %dma_start3A_47 = arith.constant 0 : i32
      %dma_start3A_48 = arith.constant 0 : i32
      %dma_start3A_49 = tpu.memref_slice %arg4[%dma_start3A_47, %dma_start3A_48] : memref<10000x128xf32, #tpu.memory_space<hbm>> -> memref<10000x128xf32, #tpu.memory_space<hbm>>
      tpu.enqueue_indirect_dma source(%dma_start3A_49 : memref<10000x128xf32, #tpu.memory_space<hbm>>) target(%dma_start3A_44 : memref<64x128xf32, #tpu.memory_space<vmem>>) offsets(%dma_start3A_46 : memref<64xi32, #tpu.memory_space<vmem>>) semaphore(%arg13 : memref<!tpu.dma_semaphore, #tpu.memory_space<semaphore_mem>>)
      %dma_start3A_50 = arith.constant 64 : i32
      %dma_start3A_51 = arith.constant 0 : i32
      %dma_start3A_52 = tpu.memref_slice %arg10[%dma_start3A_50, %dma_start3A_51] : memref<128x128xf32, #tpu.memory_space<vmem>> -> memref<64x128xf32, #tpu.memory_space<vmem>>
      %dma_start3A_53 = arith.constant 192 : i32
      %dma_start3A_54 = tpu.memref_slice %arg7[%dma_start3A_53] : memref<512xi32, #tpu.memory_space<vmem>> -> memref<64xi32, #tpu.memory_space<vmem>>
      %dma_start3A_55 = arith.constant 0 : i32
      %dma_start3A_56 = arith.constant 0 : i32
      %dma_start3A_57 = tpu.memref_slice %arg4[%dma_start3A_55, %dma_start3A_56] : memref<10000x128xf32, #tpu.memory_space<hbm>> -> memref<10000x128xf32, #tpu.memory_space<hbm>>
      tpu.enqueue_indirect_dma source(%dma_start3A_57 : memref<10000x128xf32, #tpu.memory_space<hbm>>) target(%dma_start3A_52 : memref<64x128xf32, #tpu.memory_space<vmem>>) offsets(%dma_start3A_54 : memref<64xi32, #tpu.memory_space<vmem>>) semaphore(%arg13 : memref<!tpu.dma_semaphore, #tpu.memory_space<semaphore_mem>>)
      %dma_wait3A = arith.constant 0 : i32
      %dma_wait3A_58 = arith.constant 0 : i32
      %dma_wait3A_59 = tpu.memref_slice %arg9[%dma_wait3A, %dma_wait3A_58] : memref<128x128xf32, #tpu.memory_space<vmem>> -> memref<64x128xf32, #tpu.memory_space<vmem>>
      %dma_wait3A_60 = arith.constant 0 : i32
      %dma_wait3A_61 = tpu.memref_slice %arg7[%dma_wait3A_60] : memref<512xi32, #tpu.memory_space<vmem>> -> memref<64xi32, #tpu.memory_space<vmem>>
      %dma_wait3A_62 = arith.constant 0 : i32
      %dma_wait3A_63 = arith.constant 0 : i32
      %dma_wait3A_64 = tpu.memref_slice %arg4[%dma_wait3A_62, %dma_wait3A_63] : memref<10000x128xf32, #tpu.memory_space<hbm>> -> memref<10000x128xf32, #tpu.memory_space<hbm>>
      tpu.wait_indirect_dma semaphore(%arg12 : memref<!tpu.dma_semaphore, #tpu.memory_space<semaphore_mem>>) src(%dma_wait3A_64 : memref<10000x128xf32, #tpu.memory_space<hbm>>) dst(%dma_wait3A_59 : memref<64x128xf32, #tpu.memory_space<vmem>>)
      %dma_wait3A_65 = arith.constant 64 : i32
      %dma_wait3A_66 = arith.constant 0 : i32
      %dma_wait3A_67 = tpu.memref_slice %arg9[%dma_wait3A_65, %dma_wait3A_66] : memref<128x128xf32, #tpu.memory_space<vmem>> -> memref<64x128xf32, #tpu.memory_space<vmem>>
      %dma_wait3A_68 = arith.constant 64 : i32
      %dma_wait3A_69 = tpu.memref_slice %arg7[%dma_wait3A_68] : memref<512xi32, #tpu.memory_space<vmem>> -> memref<64xi32, #tpu.memory_space<vmem>>
      %dma_wait3A_70 = arith.constant 0 : i32
      %dma_wait3A_71 = arith.constant 0 : i32
      %dma_wait3A_72 = tpu.memref_slice %arg4[%dma_wait3A_70, %dma_wait3A_71] : memref<10000x128xf32, #tpu.memory_space<hbm>> -> memref<10000x128xf32, #tpu.memory_space<hbm>>
      tpu.wait_indirect_dma semaphore(%arg12 : memref<!tpu.dma_semaphore, #tpu.memory_space<semaphore_mem>>) src(%dma_wait3A_72 : memref<10000x128xf32, #tpu.memory_space<hbm>>) dst(%dma_wait3A_67 : memref<64x128xf32, #tpu.memory_space<vmem>>)
      %run_scoped3A = arith.constant 0 : i32
      "tpu.region"() ({
        %run_scoped3A_156 = tpu.sem_alloc : memref<!tpu.dma_semaphore, #tpu.memory_space<semaphore_mem>>
        %dma_start3A_157 = arith.constant 0 : i32
        %dma_start3A_158 = tpu.memref_slice %arg8[%run_scoped3A, %dma_start3A_157] : memref<4x128xi32, #tpu.memory_space<vmem>> -> memref<1x128xi32, #tpu.memory_space<vmem>>
        %dma_start3A_159 = tpu.memref_squeeze %dma_start3A_158 : memref<1x128xi32, #tpu.memory_space<vmem>> -> memref<128xi32, #tpu.memory_space<vmem>>
        %dma_start3A_160 = arith.constant 0 : i32
        %dma_start3A_161 = arith.constant 0 : i32
        %dma_start3A_162 = tpu.memref_slice %arg11[%dma_start3A_160, %dma_start3A_161] : memref<10112x128xf32, #tpu.memory_space<vmem_shared>> -> memref<10112x128xf32, #tpu.memory_space<vmem_shared>>
        tpu.enqueue_indirect_dma source(%arg9 : memref<128x128xf32, #tpu.memory_space<vmem>>) target(%dma_start3A_162 : memref<10112x128xf32, #tpu.memory_space<vmem_shared>>) offsets(%dma_start3A_159 : memref<128xi32, #tpu.memory_space<vmem>>) semaphore(%run_scoped3A_156 : memref<!tpu.dma_semaphore, #tpu.memory_space<semaphore_mem>>) {add = true}
        %dma_wait3A_163 = arith.constant 0 : i32
        %dma_wait3A_164 = tpu.memref_slice %arg8[%run_scoped3A, %dma_wait3A_163] : memref<4x128xi32, #tpu.memory_space<vmem>> -> memref<1x128xi32, #tpu.memory_space<vmem>>
        %dma_wait3A_165 = tpu.memref_squeeze %dma_wait3A_164 : memref<1x128xi32, #tpu.memory_space<vmem>> -> memref<128xi32, #tpu.memory_space<vmem>>
        %dma_wait3A_166 = arith.constant 0 : i32
        %dma_wait3A_167 = arith.constant 0 : i32
        %dma_wait3A_168 = tpu.memref_slice %arg11[%dma_wait3A_166, %dma_wait3A_167] : memref<10112x128xf32, #tpu.memory_space<vmem_shared>> -> memref<10112x128xf32, #tpu.memory_space<vmem_shared>>
        tpu.wait_indirect_dma semaphore(%run_scoped3A_156 : memref<!tpu.dma_semaphore, #tpu.memory_space<semaphore_mem>>) src(%arg9 : memref<128x128xf32, #tpu.memory_space<vmem>>) dst(%dma_wait3A_168 : memref<10112x128xf32, #tpu.memory_space<vmem_shared>>)
        tpu.yield
      }) : () -> ()
      %dma_start3A_73 = arith.constant 0 : i32
      %dma_start3A_74 = arith.constant 0 : i32
      %dma_start3A_75 = tpu.memref_slice %arg9[%dma_start3A_73, %dma_start3A_74] : memref<128x128xf32, #tpu.memory_space<vmem>> -> memref<64x128xf32, #tpu.memory_space<vmem>>
      %dma_start3A_76 = arith.constant 256 : i32
      %dma_start3A_77 = tpu.memref_slice %arg7[%dma_start3A_76] : memref<512xi32, #tpu.memory_space<vmem>> -> memref<64xi32, #tpu.memory_space<vmem>>
      %dma_start3A_78 = arith.constant 0 : i32
      %dma_start3A_79 = arith.constant 0 : i32
      %dma_start3A_80 = tpu.memref_slice %arg4[%dma_start3A_78, %dma_start3A_79] : memref<10000x128xf32, #tpu.memory_space<hbm>> -> memref<10000x128xf32, #tpu.memory_space<hbm>>
      tpu.enqueue_indirect_dma source(%dma_start3A_80 : memref<10000x128xf32, #tpu.memory_space<hbm>>) target(%dma_start3A_75 : memref<64x128xf32, #tpu.memory_space<vmem>>) offsets(%dma_start3A_77 : memref<64xi32, #tpu.memory_space<vmem>>) semaphore(%arg12 : memref<!tpu.dma_semaphore, #tpu.memory_space<semaphore_mem>>)
      %dma_start3A_81 = arith.constant 64 : i32
      %dma_start3A_82 = arith.constant 0 : i32
      %dma_start3A_83 = tpu.memref_slice %arg9[%dma_start3A_81, %dma_start3A_82] : memref<128x128xf32, #tpu.memory_space<vmem>> -> memref<64x128xf32, #tpu.memory_space<vmem>>
      %dma_start3A_84 = arith.constant 320 : i32
      %dma_start3A_85 = tpu.memref_slice %arg7[%dma_start3A_84] : memref<512xi32, #tpu.memory_space<vmem>> -> memref<64xi32, #tpu.memory_space<vmem>>
      %dma_start3A_86 = arith.constant 0 : i32
      %dma_start3A_87 = arith.constant 0 : i32
      %dma_start3A_88 = tpu.memref_slice %arg4[%dma_start3A_86, %dma_start3A_87] : memref<10000x128xf32, #tpu.memory_space<hbm>> -> memref<10000x128xf32, #tpu.memory_space<hbm>>
      tpu.enqueue_indirect_dma source(%dma_start3A_88 : memref<10000x128xf32, #tpu.memory_space<hbm>>) target(%dma_start3A_83 : memref<64x128xf32, #tpu.memory_space<vmem>>) offsets(%dma_start3A_85 : memref<64xi32, #tpu.memory_space<vmem>>) semaphore(%arg12 : memref<!tpu.dma_semaphore, #tpu.memory_space<semaphore_mem>>)
      %dma_wait3A_89 = arith.constant 0 : i32
      %dma_wait3A_90 = arith.constant 0 : i32
      %dma_wait3A_91 = tpu.memref_slice %arg10[%dma_wait3A_89, %dma_wait3A_90] : memref<128x128xf32, #tpu.memory_space<vmem>> -> memref<64x128xf32, #tpu.memory_space<vmem>>
      %dma_wait3A_92 = arith.constant 128 : i32
      %dma_wait3A_93 = tpu.memref_slice %arg7[%dma_wait3A_92] : memref<512xi32, #tpu.memory_space<vmem>> -> memref<64xi32, #tpu.memory_space<vmem>>
      %dma_wait3A_94 = arith.constant 0 : i32
      %dma_wait3A_95 = arith.constant 0 : i32
      %dma_wait3A_96 = tpu.memref_slice %arg4[%dma_wait3A_94, %dma_wait3A_95] : memref<10000x128xf32, #tpu.memory_space<hbm>> -> memref<10000x128xf32, #tpu.memory_space<hbm>>
      tpu.wait_indirect_dma semaphore(%arg13 : memref<!tpu.dma_semaphore, #tpu.memory_space<semaphore_mem>>) src(%dma_wait3A_96 : memref<10000x128xf32, #tpu.memory_space<hbm>>) dst(%dma_wait3A_91 : memref<64x128xf32, #tpu.memory_space<vmem>>)
      %dma_wait3A_97 = arith.constant 64 : i32
      %dma_wait3A_98 = arith.constant 0 : i32
      %dma_wait3A_99 = tpu.memref_slice %arg10[%dma_wait3A_97, %dma_wait3A_98] : memref<128x128xf32, #tpu.memory_space<vmem>> -> memref<64x128xf32, #tpu.memory_space<vmem>>
      %dma_wait3A_100 = arith.constant 192 : i32
      %dma_wait3A_101 = tpu.memref_slice %arg7[%dma_wait3A_100] : memref<512xi32, #tpu.memory_space<vmem>> -> memref<64xi32, #tpu.memory_space<vmem>>
      %dma_wait3A_102 = arith.constant 0 : i32
      %dma_wait3A_103 = arith.constant 0 : i32
      %dma_wait3A_104 = tpu.memref_slice %arg4[%dma_wait3A_102, %dma_wait3A_103] : memref<10000x128xf32, #tpu.memory_space<hbm>> -> memref<10000x128xf32, #tpu.memory_space<hbm>>
      tpu.wait_indirect_dma semaphore(%arg13 : memref<!tpu.dma_semaphore, #tpu.memory_space<semaphore_mem>>) src(%dma_wait3A_104 : memref<10000x128xf32, #tpu.memory_space<hbm>>) dst(%dma_wait3A_99 : memref<64x128xf32, #tpu.memory_space<vmem>>)
      %run_scoped3A_105 = arith.constant 1 : i32
      "tpu.region"() ({
        %run_scoped3A_156 = tpu.sem_alloc : memref<!tpu.dma_semaphore, #tpu.memory_space<semaphore_mem>>
        %dma_start3A_157 = arith.constant 0 : i32
        %dma_start3A_158 = tpu.memref_slice %arg8[%run_scoped3A_105, %dma_start3A_157] : memref<4x128xi32, #tpu.memory_space<vmem>> -> memref<1x128xi32, #tpu.memory_space<vmem>>
        %dma_start3A_159 = tpu.memref_squeeze %dma_start3A_158 : memref<1x128xi32, #tpu.memory_space<vmem>> -> memref<128xi32, #tpu.memory_space<vmem>>
        %dma_start3A_160 = arith.constant 0 : i32
        %dma_start3A_161 = arith.constant 0 : i32
        %dma_start3A_162 = tpu.memref_slice %arg11[%dma_start3A_160, %dma_start3A_161] : memref<10112x128xf32, #tpu.memory_space<vmem_shared>> -> memref<10112x128xf32, #tpu.memory_space<vmem_shared>>
        tpu.enqueue_indirect_dma source(%arg10 : memref<128x128xf32, #tpu.memory_space<vmem>>) target(%dma_start3A_162 : memref<10112x128xf32, #tpu.memory_space<vmem_shared>>) offsets(%dma_start3A_159 : memref<128xi32, #tpu.memory_space<vmem>>) semaphore(%run_scoped3A_156 : memref<!tpu.dma_semaphore, #tpu.memory_space<semaphore_mem>>) {add = true}
        %dma_wait3A_163 = arith.constant 0 : i32
        %dma_wait3A_164 = tpu.memref_slice %arg8[%run_scoped3A_105, %dma_wait3A_163] : memref<4x128xi32, #tpu.memory_space<vmem>> -> memref<1x128xi32, #tpu.memory_space<vmem>>
        %dma_wait3A_165 = tpu.memref_squeeze %dma_wait3A_164 : memref<1x128xi32, #tpu.memory_space<vmem>> -> memref<128xi32, #tpu.memory_space<vmem>>
        %dma_wait3A_166 = arith.constant 0 : i32
        %dma_wait3A_167 = arith.constant 0 : i32
        %dma_wait3A_168 = tpu.memref_slice %arg11[%dma_wait3A_166, %dma_wait3A_167] : memref<10112x128xf32, #tpu.memory_space<vmem_shared>> -> memref<10112x128xf32, #tpu.memory_space<vmem_shared>>
        tpu.wait_indirect_dma semaphore(%run_scoped3A_156 : memref<!tpu.dma_semaphore, #tpu.memory_space<semaphore_mem>>) src(%arg10 : memref<128x128xf32, #tpu.memory_space<vmem>>) dst(%dma_wait3A_168 : memref<10112x128xf32, #tpu.memory_space<vmem_shared>>)
        tpu.yield
      }) : () -> ()
      %dma_start3A_106 = arith.constant 0 : i32
      %dma_start3A_107 = arith.constant 0 : i32
      %dma_start3A_108 = tpu.memref_slice %arg10[%dma_start3A_106, %dma_start3A_107] : memref<128x128xf32, #tpu.memory_space<vmem>> -> memref<64x128xf32, #tpu.memory_space<vmem>>
      %dma_start3A_109 = arith.constant 384 : i32
      %dma_start3A_110 = tpu.memref_slice %arg7[%dma_start3A_109] : memref<512xi32, #tpu.memory_space<vmem>> -> memref<64xi32, #tpu.memory_space<vmem>>
      %dma_start3A_111 = arith.constant 0 : i32
      %dma_start3A_112 = arith.constant 0 : i32
      %dma_start3A_113 = tpu.memref_slice %arg4[%dma_start3A_111, %dma_start3A_112] : memref<10000x128xf32, #tpu.memory_space<hbm>> -> memref<10000x128xf32, #tpu.memory_space<hbm>>
      tpu.enqueue_indirect_dma source(%dma_start3A_113 : memref<10000x128xf32, #tpu.memory_space<hbm>>) target(%dma_start3A_108 : memref<64x128xf32, #tpu.memory_space<vmem>>) offsets(%dma_start3A_110 : memref<64xi32, #tpu.memory_space<vmem>>) semaphore(%arg13 : memref<!tpu.dma_semaphore, #tpu.memory_space<semaphore_mem>>)
      %dma_start3A_114 = arith.constant 64 : i32
      %dma_start3A_115 = arith.constant 0 : i32
      %dma_start3A_116 = tpu.memref_slice %arg10[%dma_start3A_114, %dma_start3A_115] : memref<128x128xf32, #tpu.memory_space<vmem>> -> memref<64x128xf32, #tpu.memory_space<vmem>>
      %dma_start3A_117 = arith.constant 448 : i32
      %dma_start3A_118 = tpu.memref_slice %arg7[%dma_start3A_117] : memref<512xi32, #tpu.memory_space<vmem>> -> memref<64xi32, #tpu.memory_space<vmem>>
      %dma_start3A_119 = arith.constant 0 : i32
      %dma_start3A_120 = arith.constant 0 : i32
      %dma_start3A_121 = tpu.memref_slice %arg4[%dma_start3A_119, %dma_start3A_120] : memref<10000x128xf32, #tpu.memory_space<hbm>> -> memref<10000x128xf32, #tpu.memory_space<hbm>>
      tpu.enqueue_indirect_dma source(%dma_start3A_121 : memref<10000x128xf32, #tpu.memory_space<hbm>>) target(%dma_start3A_116 : memref<64x128xf32, #tpu.memory_space<vmem>>) offsets(%dma_start3A_118 : memref<64xi32, #tpu.memory_space<vmem>>) semaphore(%arg13 : memref<!tpu.dma_semaphore, #tpu.memory_space<semaphore_mem>>)
      %dma_wait3A_122 = arith.constant 0 : i32
      %dma_wait3A_123 = arith.constant 0 : i32
      %dma_wait3A_124 = tpu.memref_slice %arg9[%dma_wait3A_122, %dma_wait3A_123] : memref<128x128xf32, #tpu.memory_space<vmem>> -> memref<64x128xf32, #tpu.memory_space<vmem>>
      %dma_wait3A_125 = arith.constant 256 : i32
      %dma_wait3A_126 = tpu.memref_slice %arg7[%dma_wait3A_125] : memref<512xi32, #tpu.memory_space<vmem>> -> memref<64xi32, #tpu.memory_space<vmem>>
      %dma_wait3A_127 = arith.constant 0 : i32
      %dma_wait3A_128 = arith.constant 0 : i32
      %dma_wait3A_129 = tpu.memref_slice %arg4[%dma_wait3A_127, %dma_wait3A_128] : memref<10000x128xf32, #tpu.memory_space<hbm>> -> memref<10000x128xf32, #tpu.memory_space<hbm>>
      tpu.wait_indirect_dma semaphore(%arg12 : memref<!tpu.dma_semaphore, #tpu.memory_space<semaphore_mem>>) src(%dma_wait3A_129 : memref<10000x128xf32, #tpu.memory_space<hbm>>) dst(%dma_wait3A_124 : memref<64x128xf32, #tpu.memory_space<vmem>>)
      %dma_wait3A_130 = arith.constant 64 : i32
      %dma_wait3A_131 = arith.constant 0 : i32
      %dma_wait3A_132 = tpu.memref_slice %arg9[%dma_wait3A_130, %dma_wait3A_131] : memref<128x128xf32, #tpu.memory_space<vmem>> -> memref<64x128xf32, #tpu.memory_space<vmem>>
      %dma_wait3A_133 = arith.constant 320 : i32
      %dma_wait3A_134 = tpu.memref_slice %arg7[%dma_wait3A_133] : memref<512xi32, #tpu.memory_space<vmem>> -> memref<64xi32, #tpu.memory_space<vmem>>
      %dma_wait3A_135 = arith.constant 0 : i32
      %dma_wait3A_136 = arith.constant 0 : i32
      %dma_wait3A_137 = tpu.memref_slice %arg4[%dma_wait3A_135, %dma_wait3A_136] : memref<10000x128xf32, #tpu.memory_space<hbm>> -> memref<10000x128xf32, #tpu.memory_space<hbm>>
      tpu.wait_indirect_dma semaphore(%arg12 : memref<!tpu.dma_semaphore, #tpu.memory_space<semaphore_mem>>) src(%dma_wait3A_137 : memref<10000x128xf32, #tpu.memory_space<hbm>>) dst(%dma_wait3A_132 : memref<64x128xf32, #tpu.memory_space<vmem>>)
      %run_scoped3A_138 = arith.constant 2 : i32
      "tpu.region"() ({
        %run_scoped3A_156 = tpu.sem_alloc : memref<!tpu.dma_semaphore, #tpu.memory_space<semaphore_mem>>
        %dma_start3A_157 = arith.constant 0 : i32
        %dma_start3A_158 = tpu.memref_slice %arg8[%run_scoped3A_138, %dma_start3A_157] : memref<4x128xi32, #tpu.memory_space<vmem>> -> memref<1x128xi32, #tpu.memory_space<vmem>>
        %dma_start3A_159 = tpu.memref_squeeze %dma_start3A_158 : memref<1x128xi32, #tpu.memory_space<vmem>> -> memref<128xi32, #tpu.memory_space<vmem>>
        %dma_start3A_160 = arith.constant 0 : i32
        %dma_start3A_161 = arith.constant 0 : i32
        %dma_start3A_162 = tpu.memref_slice %arg11[%dma_start3A_160, %dma_start3A_161] : memref<10112x128xf32, #tpu.memory_space<vmem_shared>> -> memref<10112x128xf32, #tpu.memory_space<vmem_shared>>
        tpu.enqueue_indirect_dma source(%arg9 : memref<128x128xf32, #tpu.memory_space<vmem>>) target(%dma_start3A_162 : memref<10112x128xf32, #tpu.memory_space<vmem_shared>>) offsets(%dma_start3A_159 : memref<128xi32, #tpu.memory_space<vmem>>) semaphore(%run_scoped3A_156 : memref<!tpu.dma_semaphore, #tpu.memory_space<semaphore_mem>>) {add = true}
        %dma_wait3A_163 = arith.constant 0 : i32
        %dma_wait3A_164 = tpu.memref_slice %arg8[%run_scoped3A_138, %dma_wait3A_163] : memref<4x128xi32, #tpu.memory_space<vmem>> -> memref<1x128xi32, #tpu.memory_space<vmem>>
        %dma_wait3A_165 = tpu.memref_squeeze %dma_wait3A_164 : memref<1x128xi32, #tpu.memory_space<vmem>> -> memref<128xi32, #tpu.memory_space<vmem>>
        %dma_wait3A_166 = arith.constant 0 : i32
        %dma_wait3A_167 = arith.constant 0 : i32
        %dma_wait3A_168 = tpu.memref_slice %arg11[%dma_wait3A_166, %dma_wait3A_167] : memref<10112x128xf32, #tpu.memory_space<vmem_shared>> -> memref<10112x128xf32, #tpu.memory_space<vmem_shared>>
        tpu.wait_indirect_dma semaphore(%run_scoped3A_156 : memref<!tpu.dma_semaphore, #tpu.memory_space<semaphore_mem>>) src(%arg9 : memref<128x128xf32, #tpu.memory_space<vmem>>) dst(%dma_wait3A_168 : memref<10112x128xf32, #tpu.memory_space<vmem_shared>>)
        tpu.yield
      }) : () -> ()
      %dma_wait3A_139 = arith.constant 0 : i32
      %dma_wait3A_140 = arith.constant 0 : i32
      %dma_wait3A_141 = tpu.memref_slice %arg10[%dma_wait3A_139, %dma_wait3A_140] : memref<128x128xf32, #tpu.memory_space<vmem>> -> memref<64x128xf32, #tpu.memory_space<vmem>>
      %dma_wait3A_142 = arith.constant 384 : i32
      %dma_wait3A_143 = tpu.memref_slice %arg7[%dma_wait3A_142] : memref<512xi32, #tpu.memory_space<vmem>> -> memref<64xi32, #tpu.memory_space<vmem>>
      %dma_wait3A_144 = arith.constant 0 : i32
      %dma_wait3A_145 = arith.constant 0 : i32
      %dma_wait3A_146 = tpu.memref_slice %arg4[%dma_wait3A_144, %dma_wait3A_145] : memref<10000x128xf32, #tpu.memory_space<hbm>> -> memref<10000x128xf32, #tpu.memory_space<hbm>>
      tpu.wait_indirect_dma semaphore(%arg13 : memref<!tpu.dma_semaphore, #tpu.memory_space<semaphore_mem>>) src(%dma_wait3A_146 : memref<10000x128xf32, #tpu.memory_space<hbm>>) dst(%dma_wait3A_141 : memref<64x128xf32, #tpu.memory_space<vmem>>)
      %dma_wait3A_147 = arith.constant 64 : i32
      %dma_wait3A_148 = arith.constant 0 : i32
      %dma_wait3A_149 = tpu.memref_slice %arg10[%dma_wait3A_147, %dma_wait3A_148] : memref<128x128xf32, #tpu.memory_space<vmem>> -> memref<64x128xf32, #tpu.memory_space<vmem>>
      %dma_wait3A_150 = arith.constant 448 : i32
      %dma_wait3A_151 = tpu.memref_slice %arg7[%dma_wait3A_150] : memref<512xi32, #tpu.memory_space<vmem>> -> memref<64xi32, #tpu.memory_space<vmem>>
      %dma_wait3A_152 = arith.constant 0 : i32
      %dma_wait3A_153 = arith.constant 0 : i32
      %dma_wait3A_154 = tpu.memref_slice %arg4[%dma_wait3A_152, %dma_wait3A_153] : memref<10000x128xf32, #tpu.memory_space<hbm>> -> memref<10000x128xf32, #tpu.memory_space<hbm>>
      tpu.wait_indirect_dma semaphore(%arg13 : memref<!tpu.dma_semaphore, #tpu.memory_space<semaphore_mem>>) src(%dma_wait3A_154 : memref<10000x128xf32, #tpu.memory_space<hbm>>) dst(%dma_wait3A_149 : memref<64x128xf32, #tpu.memory_space<vmem>>)
      %run_scoped3A_155 = arith.constant 3 : i32
      "tpu.region"() ({
        %run_scoped3A_156 = tpu.sem_alloc : memref<!tpu.dma_semaphore, #tpu.memory_space<semaphore_mem>>
        %dma_start3A_157 = arith.constant 0 : i32
        %dma_start3A_158 = tpu.memref_slice %arg8[%run_scoped3A_155, %dma_start3A_157] : memref<4x128xi32, #tpu.memory_space<vmem>> -> memref<1x128xi32, #tpu.memory_space<vmem>>
        %dma_start3A_159 = tpu.memref_squeeze %dma_start3A_158 : memref<1x128xi32, #tpu.memory_space<vmem>> -> memref<128xi32, #tpu.memory_space<vmem>>
        %dma_start3A_160 = arith.constant 0 : i32
        %dma_start3A_161 = arith.constant 0 : i32
        %dma_start3A_162 = tpu.memref_slice %arg11[%dma_start3A_160, %dma_start3A_161] : memref<10112x128xf32, #tpu.memory_space<vmem_shared>> -> memref<10112x128xf32, #tpu.memory_space<vmem_shared>>
        tpu.enqueue_indirect_dma source(%arg10 : memref<128x128xf32, #tpu.memory_space<vmem>>) target(%dma_start3A_162 : memref<10112x128xf32, #tpu.memory_space<vmem_shared>>) offsets(%dma_start3A_159 : memref<128xi32, #tpu.memory_space<vmem>>) semaphore(%run_scoped3A_156 : memref<!tpu.dma_semaphore, #tpu.memory_space<semaphore_mem>>) {add = true}
        %dma_wait3A_163 = arith.constant 0 : i32
        %dma_wait3A_164 = tpu.memref_slice %arg8[%run_scoped3A_155, %dma_wait3A_163] : memref<4x128xi32, #tpu.memory_space<vmem>> -> memref<1x128xi32, #tpu.memory_space<vmem>>
        %dma_wait3A_165 = tpu.memref_squeeze %dma_wait3A_164 : memref<1x128xi32, #tpu.memory_space<vmem>> -> memref<128xi32, #tpu.memory_space<vmem>>
        %dma_wait3A_166 = arith.constant 0 : i32
        %dma_wait3A_167 = arith.constant 0 : i32
        %dma_wait3A_168 = tpu.memref_slice %arg11[%dma_wait3A_166, %dma_wait3A_167] : memref<10112x128xf32, #tpu.memory_space<vmem_shared>> -> memref<10112x128xf32, #tpu.memory_space<vmem_shared>>
        tpu.wait_indirect_dma semaphore(%run_scoped3A_156 : memref<!tpu.dma_semaphore, #tpu.memory_space<semaphore_mem>>) src(%arg10 : memref<128x128xf32, #tpu.memory_space<vmem>>) dst(%dma_wait3A_168 : memref<10112x128xf32, #tpu.memory_space<vmem_shared>>)
        tpu.yield
      }) : () -> ()
    }
    %barrier3A_20 = arith.constant 0 : index
    tpu.barrier barrier_id(%barrier3A_20)
    "tpu.region"() ({
      %run_scoped3A = tpu.sem_alloc : memref<!tpu.dma_semaphore, #tpu.memory_space<semaphore_mem>>
      %dma_start3A = arith.constant 0 : i32
      %dma_start3A_21 = tpu.memref_slice %arg6[%arg0, %mul3A_2, %dma_start3A] : memref<2x10112x128xf32, #tpu.memory_space<hbm>> -> memref<1x632x128xf32, #tpu.memory_space<hbm>>
      %dma_start3A_22 = tpu.memref_squeeze %dma_start3A_21 : memref<1x632x128xf32, #tpu.memory_space<hbm>> -> memref<632x128xf32, #tpu.memory_space<hbm>>
      %dma_start3A_23 = arith.constant 0 : i32
      %dma_start3A_24 = tpu.memref_slice %arg11[%mul3A_2, %dma_start3A_23] : memref<10112x128xf32, #tpu.memory_space<vmem_shared>> -> memref<632x128xf32, #tpu.memory_space<vmem_shared>>
      tpu.enqueue_dma source(%dma_start3A_24 : memref<632x128xf32, #tpu.memory_space<vmem_shared>>) target(%dma_start3A_22 : memref<632x128xf32, #tpu.memory_space<hbm>>) target_semaphore(%run_scoped3A : memref<!tpu.dma_semaphore, #tpu.memory_space<semaphore_mem>>)
      %dma_wait3A = arith.constant 0 : i32
      %dma_wait3A_25 = tpu.memref_slice %arg6[%arg0, %mul3A_2, %dma_wait3A] : memref<2x10112x128xf32, #tpu.memory_space<hbm>> -> memref<1x632x128xf32, #tpu.memory_space<hbm>>
      %dma_wait3A_26 = tpu.memref_squeeze %dma_wait3A_25 : memref<1x632x128xf32, #tpu.memory_space<hbm>> -> memref<632x128xf32, #tpu.memory_space<hbm>>
      %dma_wait3A_27 = arith.constant 0 : i32
      %dma_wait3A_28 = tpu.memref_slice %arg11[%mul3A_2, %dma_wait3A_27] : memref<10112x128xf32, #tpu.memory_space<vmem_shared>> -> memref<632x128xf32, #tpu.memory_space<vmem_shared>>
      tpu.wait_dma2 semaphore(%run_scoped3A : memref<!tpu.dma_semaphore, #tpu.memory_space<semaphore_mem>>) src(%dma_wait3A_28 : memref<632x128xf32, #tpu.memory_space<vmem_shared>>) dst(%dma_wait3A_26 : memref<632x128xf32, #tpu.memory_space<hbm>>)
      tpu.yield
    }) : () -> ()
    return
  }
}

#map = affine_map<(d0, d1) -> (0, 0)>
#map1 = affine_map<(d0, d1) -> (0, 0, 0)>
module attributes {stable_mosaic.version = 14 : i64} {
  func.func @deg_kernel(%arg0: i32, %arg1: i32, %arg2: memref<2500x128xi32, #tpu.memory_space<hbm>>, %arg3: memref<128x128xf32, #tpu.memory_space<hbm>>, %arg4: memref<632x128xf32, #tpu.memory_space<hbm>>, %arg5: memref<2x10112x128xf32, #tpu.memory_space<hbm>>, %arg6: memref<4x128xi32, #tpu.memory_space<vmem>>, %arg7: memref<128x128xf32, #tpu.memory_space<vmem>>, %arg8: memref<10112x128xf32, #tpu.memory_space<vmem_shared>>) attributes {dimension_semantics = [#tpu.dimension_semantics<core_parallel>, #tpu.dimension_semantics<subcore_parallel>], iteration_bounds = array<i64: 2, 16>, scalar_prefetch = 0 : i64, scratch_operands = 3 : i64, tpu.core_type = #tpu.core_type<sc_vector_subcore>, window_params = [{transform_indices = #map}, {transform_indices = #map}, {transform_indices = #map}, {transform_indices = #map1}]} {
    %mul3A = arith.constant 16 : i32
    %mul3A_0 = arith.muli %arg0, %mul3A : i32
    %add3A = arith.addi %mul3A_0, %arg1 : i32
    "tpu.region"() ({
      %run_scoped3A = tpu.sem_alloc : memref<!tpu.dma_semaphore, #tpu.memory_space<semaphore_mem>>
      tpu.enqueue_dma source(%arg3 : memref<128x128xf32, #tpu.memory_space<hbm>>) target(%arg7 : memref<128x128xf32, #tpu.memory_space<vmem>>) target_semaphore(%run_scoped3A : memref<!tpu.dma_semaphore, #tpu.memory_space<semaphore_mem>>)
      tpu.wait_dma2 semaphore(%run_scoped3A : memref<!tpu.dma_semaphore, #tpu.memory_space<semaphore_mem>>) src(%arg3 : memref<128x128xf32, #tpu.memory_space<hbm>>) dst(%arg7 : memref<128x128xf32, #tpu.memory_space<vmem>>)
      tpu.yield
    }) : () -> ()
    %mul3A_1 = arith.constant 632 : i32
    %mul3A_2 = arith.muli %arg1, %mul3A_1 : i32
    "tpu.region"() ({
      %run_scoped3A = tpu.sem_alloc : memref<!tpu.dma_semaphore, #tpu.memory_space<semaphore_mem>>
      %dma_start3A = arith.constant 0 : i32
      %dma_start3A_21 = tpu.memref_slice %arg8[%mul3A_2, %dma_start3A] : memref<10112x128xf32, #tpu.memory_space<vmem_shared>> -> memref<632x128xf32, #tpu.memory_space<vmem_shared>>
      tpu.enqueue_dma source(%arg4 : memref<632x128xf32, #tpu.memory_space<hbm>>) target(%dma_start3A_21 : memref<632x128xf32, #tpu.memory_space<vmem_shared>>) target_semaphore(%run_scoped3A : memref<!tpu.dma_semaphore, #tpu.memory_space<semaphore_mem>>)
      %dma_wait3A = arith.constant 0 : i32
      %dma_wait3A_22 = tpu.memref_slice %arg8[%mul3A_2, %dma_wait3A] : memref<10112x128xf32, #tpu.memory_space<vmem_shared>> -> memref<632x128xf32, #tpu.memory_space<vmem_shared>>
      tpu.wait_dma2 semaphore(%run_scoped3A : memref<!tpu.dma_semaphore, #tpu.memory_space<semaphore_mem>>) src(%arg4 : memref<632x128xf32, #tpu.memory_space<hbm>>) dst(%dma_wait3A_22 : memref<632x128xf32, #tpu.memory_space<vmem_shared>>)
      tpu.yield
    }) : () -> ()
    %barrier3A = arith.constant 0 : index
    tpu.barrier barrier_id(%barrier3A)
    %mul3A_3 = arith.constant 19 : i32
    %mul3A_4 = arith.muli %add3A, %mul3A_3 : i32
    %min3A = arith.constant 17 : i32
    %min3A_5 = arith.minsi %add3A, %min3A : i32
    %add3A_6 = arith.addi %mul3A_4, %min3A_5 : i32
    %lt3A = arith.constant 17 : i32
    %lt3A_7 = arith.cmpi slt, %add3A, %lt3A : i32
    %jit3A = arith.constant 1 : i32
    %jit3A_8 = arith.constant 0 : i32
    %select_n3A = arith.select %lt3A_7, %jit3A, %jit3A_8 : i32
    %add3A_9 = arith.constant 19 : i32
    %add3A_10 = arith.addi %add3A_9, %select_n3A : i32
    %while3A = arith.constant 0 : i32
    %while3A_11 = arith.constant 0 : i32
    %while3A_12 = arith.subi %add3A_10, %while3A_11 : i32
    %while3A_13 = arith.addi %while3A_11, %while3A_12 : i32
    %while3A_14 = arith.constant 1 : i32
    %while3A_15 = arith.divsi %while3A_12, %while3A_14 : i32
    %while3A_16 = arith.muli %while3A_15, %while3A_14 : i32
    %while3A_17 = arith.addi %while3A_11, %while3A_16 : i32
    %while3A_18 = arith.constant 1 : i32
    scf.for %while3A_21 = %while3A_11 to %while3A_17 step %while3A_18  : i32 {
      %add3A_22 = arith.addi %add3A_6, %while3A_21 : i32
      %mul3A_23 = arith.constant 4 : i32
      %mul3A_24 = arith.muli %add3A_22, %mul3A_23 : i32
      "tpu.region"() ({
        %run_scoped3A_28 = tpu.sem_alloc : memref<!tpu.dma_semaphore, #tpu.memory_space<semaphore_mem>>
        %dma_start3A = arith.constant 0 : i32
        %dma_start3A_29 = tpu.memref_slice %arg2[%mul3A_24, %dma_start3A] : memref<2500x128xi32, #tpu.memory_space<hbm>> -> memref<4x128xi32, #tpu.memory_space<hbm>>
        %dma_start3A_30 = arith.constant 0 : i32
        %dma_start3A_31 = tpu.memref_slice %arg2[%mul3A_24, %dma_start3A_30] : memref<2500x128xi32, #tpu.memory_space<hbm>> -> memref<4x128xi32, #tpu.memory_space<hbm>>
        tpu.enqueue_dma source(%dma_start3A_31 : memref<4x128xi32, #tpu.memory_space<hbm>>) target(%arg6 : memref<4x128xi32, #tpu.memory_space<vmem>>) target_semaphore(%run_scoped3A_28 : memref<!tpu.dma_semaphore, #tpu.memory_space<semaphore_mem>>)
        %dma_wait3A = arith.constant 0 : i32
        %dma_wait3A_32 = tpu.memref_slice %arg2[%mul3A_24, %dma_wait3A] : memref<2500x128xi32, #tpu.memory_space<hbm>> -> memref<4x128xi32, #tpu.memory_space<hbm>>
        %dma_wait3A_33 = arith.constant 0 : i32
        %dma_wait3A_34 = tpu.memref_slice %arg2[%mul3A_24, %dma_wait3A_33] : memref<2500x128xi32, #tpu.memory_space<hbm>> -> memref<4x128xi32, #tpu.memory_space<hbm>>
        tpu.wait_dma2 semaphore(%run_scoped3A_28 : memref<!tpu.dma_semaphore, #tpu.memory_space<semaphore_mem>>) src(%dma_wait3A_34 : memref<4x128xi32, #tpu.memory_space<hbm>>) dst(%arg6 : memref<4x128xi32, #tpu.memory_space<vmem>>)
        tpu.yield
      }) : () -> ()
      %run_scoped3A = arith.constant 0 : i32
      "tpu.region"() ({
        %run_scoped3A_28 = tpu.sem_alloc : memref<!tpu.dma_semaphore, #tpu.memory_space<semaphore_mem>>
        %dma_start3A = arith.constant 0 : i32
        %dma_start3A_29 = tpu.memref_slice %arg6[%run_scoped3A, %dma_start3A] : memref<4x128xi32, #tpu.memory_space<vmem>> -> memref<1x128xi32, #tpu.memory_space<vmem>>
        %dma_start3A_30 = tpu.memref_squeeze %dma_start3A_29 : memref<1x128xi32, #tpu.memory_space<vmem>> -> memref<128xi32, #tpu.memory_space<vmem>>
        %dma_start3A_31 = arith.constant 0 : i32
        %dma_start3A_32 = arith.constant 0 : i32
        %dma_start3A_33 = tpu.memref_slice %arg8[%dma_start3A_31, %dma_start3A_32] : memref<10112x128xf32, #tpu.memory_space<vmem_shared>> -> memref<10112x128xf32, #tpu.memory_space<vmem_shared>>
        tpu.enqueue_indirect_dma source(%arg7 : memref<128x128xf32, #tpu.memory_space<vmem>>) target(%dma_start3A_33 : memref<10112x128xf32, #tpu.memory_space<vmem_shared>>) offsets(%dma_start3A_30 : memref<128xi32, #tpu.memory_space<vmem>>) semaphore(%run_scoped3A_28 : memref<!tpu.dma_semaphore, #tpu.memory_space<semaphore_mem>>) {add = true}
        %dma_wait3A = arith.constant 0 : i32
        %dma_wait3A_34 = tpu.memref_slice %arg6[%run_scoped3A, %dma_wait3A] : memref<4x128xi32, #tpu.memory_space<vmem>> -> memref<1x128xi32, #tpu.memory_space<vmem>>
        %dma_wait3A_35 = tpu.memref_squeeze %dma_wait3A_34 : memref<1x128xi32, #tpu.memory_space<vmem>> -> memref<128xi32, #tpu.memory_space<vmem>>
        %dma_wait3A_36 = arith.constant 0 : i32
        %dma_wait3A_37 = arith.constant 0 : i32
        %dma_wait3A_38 = tpu.memref_slice %arg8[%dma_wait3A_36, %dma_wait3A_37] : memref<10112x128xf32, #tpu.memory_space<vmem_shared>> -> memref<10112x128xf32, #tpu.memory_space<vmem_shared>>
        tpu.wait_indirect_dma semaphore(%run_scoped3A_28 : memref<!tpu.dma_semaphore, #tpu.memory_space<semaphore_mem>>) src(%arg7 : memref<128x128xf32, #tpu.memory_space<vmem>>) dst(%dma_wait3A_38 : memref<10112x128xf32, #tpu.memory_space<vmem_shared>>)
        tpu.yield
      }) : () -> ()
      %run_scoped3A_25 = arith.constant 1 : i32
      "tpu.region"() ({
        %run_scoped3A_28 = tpu.sem_alloc : memref<!tpu.dma_semaphore, #tpu.memory_space<semaphore_mem>>
        %dma_start3A = arith.constant 0 : i32
        %dma_start3A_29 = tpu.memref_slice %arg6[%run_scoped3A_25, %dma_start3A] : memref<4x128xi32, #tpu.memory_space<vmem>> -> memref<1x128xi32, #tpu.memory_space<vmem>>
        %dma_start3A_30 = tpu.memref_squeeze %dma_start3A_29 : memref<1x128xi32, #tpu.memory_space<vmem>> -> memref<128xi32, #tpu.memory_space<vmem>>
        %dma_start3A_31 = arith.constant 0 : i32
        %dma_start3A_32 = arith.constant 0 : i32
        %dma_start3A_33 = tpu.memref_slice %arg8[%dma_start3A_31, %dma_start3A_32] : memref<10112x128xf32, #tpu.memory_space<vmem_shared>> -> memref<10112x128xf32, #tpu.memory_space<vmem_shared>>
        tpu.enqueue_indirect_dma source(%arg7 : memref<128x128xf32, #tpu.memory_space<vmem>>) target(%dma_start3A_33 : memref<10112x128xf32, #tpu.memory_space<vmem_shared>>) offsets(%dma_start3A_30 : memref<128xi32, #tpu.memory_space<vmem>>) semaphore(%run_scoped3A_28 : memref<!tpu.dma_semaphore, #tpu.memory_space<semaphore_mem>>) {add = true}
        %dma_wait3A = arith.constant 0 : i32
        %dma_wait3A_34 = tpu.memref_slice %arg6[%run_scoped3A_25, %dma_wait3A] : memref<4x128xi32, #tpu.memory_space<vmem>> -> memref<1x128xi32, #tpu.memory_space<vmem>>
        %dma_wait3A_35 = tpu.memref_squeeze %dma_wait3A_34 : memref<1x128xi32, #tpu.memory_space<vmem>> -> memref<128xi32, #tpu.memory_space<vmem>>
        %dma_wait3A_36 = arith.constant 0 : i32
        %dma_wait3A_37 = arith.constant 0 : i32
        %dma_wait3A_38 = tpu.memref_slice %arg8[%dma_wait3A_36, %dma_wait3A_37] : memref<10112x128xf32, #tpu.memory_space<vmem_shared>> -> memref<10112x128xf32, #tpu.memory_space<vmem_shared>>
        tpu.wait_indirect_dma semaphore(%run_scoped3A_28 : memref<!tpu.dma_semaphore, #tpu.memory_space<semaphore_mem>>) src(%arg7 : memref<128x128xf32, #tpu.memory_space<vmem>>) dst(%dma_wait3A_38 : memref<10112x128xf32, #tpu.memory_space<vmem_shared>>)
        tpu.yield
      }) : () -> ()
      %run_scoped3A_26 = arith.constant 2 : i32
      "tpu.region"() ({
        %run_scoped3A_28 = tpu.sem_alloc : memref<!tpu.dma_semaphore, #tpu.memory_space<semaphore_mem>>
        %dma_start3A = arith.constant 0 : i32
        %dma_start3A_29 = tpu.memref_slice %arg6[%run_scoped3A_26, %dma_start3A] : memref<4x128xi32, #tpu.memory_space<vmem>> -> memref<1x128xi32, #tpu.memory_space<vmem>>
        %dma_start3A_30 = tpu.memref_squeeze %dma_start3A_29 : memref<1x128xi32, #tpu.memory_space<vmem>> -> memref<128xi32, #tpu.memory_space<vmem>>
        %dma_start3A_31 = arith.constant 0 : i32
        %dma_start3A_32 = arith.constant 0 : i32
        %dma_start3A_33 = tpu.memref_slice %arg8[%dma_start3A_31, %dma_start3A_32] : memref<10112x128xf32, #tpu.memory_space<vmem_shared>> -> memref<10112x128xf32, #tpu.memory_space<vmem_shared>>
        tpu.enqueue_indirect_dma source(%arg7 : memref<128x128xf32, #tpu.memory_space<vmem>>) target(%dma_start3A_33 : memref<10112x128xf32, #tpu.memory_space<vmem_shared>>) offsets(%dma_start3A_30 : memref<128xi32, #tpu.memory_space<vmem>>) semaphore(%run_scoped3A_28 : memref<!tpu.dma_semaphore, #tpu.memory_space<semaphore_mem>>) {add = true}
        %dma_wait3A = arith.constant 0 : i32
        %dma_wait3A_34 = tpu.memref_slice %arg6[%run_scoped3A_26, %dma_wait3A] : memref<4x128xi32, #tpu.memory_space<vmem>> -> memref<1x128xi32, #tpu.memory_space<vmem>>
        %dma_wait3A_35 = tpu.memref_squeeze %dma_wait3A_34 : memref<1x128xi32, #tpu.memory_space<vmem>> -> memref<128xi32, #tpu.memory_space<vmem>>
        %dma_wait3A_36 = arith.constant 0 : i32
        %dma_wait3A_37 = arith.constant 0 : i32
        %dma_wait3A_38 = tpu.memref_slice %arg8[%dma_wait3A_36, %dma_wait3A_37] : memref<10112x128xf32, #tpu.memory_space<vmem_shared>> -> memref<10112x128xf32, #tpu.memory_space<vmem_shared>>
        tpu.wait_indirect_dma semaphore(%run_scoped3A_28 : memref<!tpu.dma_semaphore, #tpu.memory_space<semaphore_mem>>) src(%arg7 : memref<128x128xf32, #tpu.memory_space<vmem>>) dst(%dma_wait3A_38 : memref<10112x128xf32, #tpu.memory_space<vmem_shared>>)
        tpu.yield
      }) : () -> ()
      %run_scoped3A_27 = arith.constant 3 : i32
      "tpu.region"() ({
        %run_scoped3A_28 = tpu.sem_alloc : memref<!tpu.dma_semaphore, #tpu.memory_space<semaphore_mem>>
        %dma_start3A = arith.constant 0 : i32
        %dma_start3A_29 = tpu.memref_slice %arg6[%run_scoped3A_27, %dma_start3A] : memref<4x128xi32, #tpu.memory_space<vmem>> -> memref<1x128xi32, #tpu.memory_space<vmem>>
        %dma_start3A_30 = tpu.memref_squeeze %dma_start3A_29 : memref<1x128xi32, #tpu.memory_space<vmem>> -> memref<128xi32, #tpu.memory_space<vmem>>
        %dma_start3A_31 = arith.constant 0 : i32
        %dma_start3A_32 = arith.constant 0 : i32
        %dma_start3A_33 = tpu.memref_slice %arg8[%dma_start3A_31, %dma_start3A_32] : memref<10112x128xf32, #tpu.memory_space<vmem_shared>> -> memref<10112x128xf32, #tpu.memory_space<vmem_shared>>
        tpu.enqueue_indirect_dma source(%arg7 : memref<128x128xf32, #tpu.memory_space<vmem>>) target(%dma_start3A_33 : memref<10112x128xf32, #tpu.memory_space<vmem_shared>>) offsets(%dma_start3A_30 : memref<128xi32, #tpu.memory_space<vmem>>) semaphore(%run_scoped3A_28 : memref<!tpu.dma_semaphore, #tpu.memory_space<semaphore_mem>>) {add = true}
        %dma_wait3A = arith.constant 0 : i32
        %dma_wait3A_34 = tpu.memref_slice %arg6[%run_scoped3A_27, %dma_wait3A] : memref<4x128xi32, #tpu.memory_space<vmem>> -> memref<1x128xi32, #tpu.memory_space<vmem>>
        %dma_wait3A_35 = tpu.memref_squeeze %dma_wait3A_34 : memref<1x128xi32, #tpu.memory_space<vmem>> -> memref<128xi32, #tpu.memory_space<vmem>>
        %dma_wait3A_36 = arith.constant 0 : i32
        %dma_wait3A_37 = arith.constant 0 : i32
        %dma_wait3A_38 = tpu.memref_slice %arg8[%dma_wait3A_36, %dma_wait3A_37] : memref<10112x128xf32, #tpu.memory_space<vmem_shared>> -> memref<10112x128xf32, #tpu.memory_space<vmem_shared>>
        tpu.wait_indirect_dma semaphore(%run_scoped3A_28 : memref<!tpu.dma_semaphore, #tpu.memory_space<semaphore_mem>>) src(%arg7 : memref<128x128xf32, #tpu.memory_space<vmem>>) dst(%dma_wait3A_38 : memref<10112x128xf32, #tpu.memory_space<vmem_shared>>)
        tpu.yield
      }) : () -> ()
    }
    %while3A_19 = arith.constant 1 : i32
    scf.for %while3A_21 = %while3A_17 to %while3A_13 step %while3A_19  : i32 {
      %add3A_22 = arith.addi %add3A_6, %while3A_21 : i32
      %mul3A_23 = arith.constant 4 : i32
      %mul3A_24 = arith.muli %add3A_22, %mul3A_23 : i32
      "tpu.region"() ({
        %run_scoped3A_28 = tpu.sem_alloc : memref<!tpu.dma_semaphore, #tpu.memory_space<semaphore_mem>>
        %dma_start3A = arith.constant 0 : i32
        %dma_start3A_29 = tpu.memref_slice %arg2[%mul3A_24, %dma_start3A] : memref<2500x128xi32, #tpu.memory_space<hbm>> -> memref<4x128xi32, #tpu.memory_space<hbm>>
        %dma_start3A_30 = arith.constant 0 : i32
        %dma_start3A_31 = tpu.memref_slice %arg2[%mul3A_24, %dma_start3A_30] : memref<2500x128xi32, #tpu.memory_space<hbm>> -> memref<4x128xi32, #tpu.memory_space<hbm>>
        tpu.enqueue_dma source(%dma_start3A_31 : memref<4x128xi32, #tpu.memory_space<hbm>>) target(%arg6 : memref<4x128xi32, #tpu.memory_space<vmem>>) target_semaphore(%run_scoped3A_28 : memref<!tpu.dma_semaphore, #tpu.memory_space<semaphore_mem>>)
        %dma_wait3A = arith.constant 0 : i32
        %dma_wait3A_32 = tpu.memref_slice %arg2[%mul3A_24, %dma_wait3A] : memref<2500x128xi32, #tpu.memory_space<hbm>> -> memref<4x128xi32, #tpu.memory_space<hbm>>
        %dma_wait3A_33 = arith.constant 0 : i32
        %dma_wait3A_34 = tpu.memref_slice %arg2[%mul3A_24, %dma_wait3A_33] : memref<2500x128xi32, #tpu.memory_space<hbm>> -> memref<4x128xi32, #tpu.memory_space<hbm>>
        tpu.wait_dma2 semaphore(%run_scoped3A_28 : memref<!tpu.dma_semaphore, #tpu.memory_space<semaphore_mem>>) src(%dma_wait3A_34 : memref<4x128xi32, #tpu.memory_space<hbm>>) dst(%arg6 : memref<4x128xi32, #tpu.memory_space<vmem>>)
        tpu.yield
      }) : () -> ()
      %run_scoped3A = arith.constant 0 : i32
      "tpu.region"() ({
        %run_scoped3A_28 = tpu.sem_alloc : memref<!tpu.dma_semaphore, #tpu.memory_space<semaphore_mem>>
        %dma_start3A = arith.constant 0 : i32
        %dma_start3A_29 = tpu.memref_slice %arg6[%run_scoped3A, %dma_start3A] : memref<4x128xi32, #tpu.memory_space<vmem>> -> memref<1x128xi32, #tpu.memory_space<vmem>>
        %dma_start3A_30 = tpu.memref_squeeze %dma_start3A_29 : memref<1x128xi32, #tpu.memory_space<vmem>> -> memref<128xi32, #tpu.memory_space<vmem>>
        %dma_start3A_31 = arith.constant 0 : i32
        %dma_start3A_32 = arith.constant 0 : i32
        %dma_start3A_33 = tpu.memref_slice %arg8[%dma_start3A_31, %dma_start3A_32] : memref<10112x128xf32, #tpu.memory_space<vmem_shared>> -> memref<10112x128xf32, #tpu.memory_space<vmem_shared>>
        tpu.enqueue_indirect_dma source(%arg7 : memref<128x128xf32, #tpu.memory_space<vmem>>) target(%dma_start3A_33 : memref<10112x128xf32, #tpu.memory_space<vmem_shared>>) offsets(%dma_start3A_30 : memref<128xi32, #tpu.memory_space<vmem>>) semaphore(%run_scoped3A_28 : memref<!tpu.dma_semaphore, #tpu.memory_space<semaphore_mem>>) {add = true}
        %dma_wait3A = arith.constant 0 : i32
        %dma_wait3A_34 = tpu.memref_slice %arg6[%run_scoped3A, %dma_wait3A] : memref<4x128xi32, #tpu.memory_space<vmem>> -> memref<1x128xi32, #tpu.memory_space<vmem>>
        %dma_wait3A_35 = tpu.memref_squeeze %dma_wait3A_34 : memref<1x128xi32, #tpu.memory_space<vmem>> -> memref<128xi32, #tpu.memory_space<vmem>>
        %dma_wait3A_36 = arith.constant 0 : i32
        %dma_wait3A_37 = arith.constant 0 : i32
        %dma_wait3A_38 = tpu.memref_slice %arg8[%dma_wait3A_36, %dma_wait3A_37] : memref<10112x128xf32, #tpu.memory_space<vmem_shared>> -> memref<10112x128xf32, #tpu.memory_space<vmem_shared>>
        tpu.wait_indirect_dma semaphore(%run_scoped3A_28 : memref<!tpu.dma_semaphore, #tpu.memory_space<semaphore_mem>>) src(%arg7 : memref<128x128xf32, #tpu.memory_space<vmem>>) dst(%dma_wait3A_38 : memref<10112x128xf32, #tpu.memory_space<vmem_shared>>)
        tpu.yield
      }) : () -> ()
      %run_scoped3A_25 = arith.constant 1 : i32
      "tpu.region"() ({
        %run_scoped3A_28 = tpu.sem_alloc : memref<!tpu.dma_semaphore, #tpu.memory_space<semaphore_mem>>
        %dma_start3A = arith.constant 0 : i32
        %dma_start3A_29 = tpu.memref_slice %arg6[%run_scoped3A_25, %dma_start3A] : memref<4x128xi32, #tpu.memory_space<vmem>> -> memref<1x128xi32, #tpu.memory_space<vmem>>
        %dma_start3A_30 = tpu.memref_squeeze %dma_start3A_29 : memref<1x128xi32, #tpu.memory_space<vmem>> -> memref<128xi32, #tpu.memory_space<vmem>>
        %dma_start3A_31 = arith.constant 0 : i32
        %dma_start3A_32 = arith.constant 0 : i32
        %dma_start3A_33 = tpu.memref_slice %arg8[%dma_start3A_31, %dma_start3A_32] : memref<10112x128xf32, #tpu.memory_space<vmem_shared>> -> memref<10112x128xf32, #tpu.memory_space<vmem_shared>>
        tpu.enqueue_indirect_dma source(%arg7 : memref<128x128xf32, #tpu.memory_space<vmem>>) target(%dma_start3A_33 : memref<10112x128xf32, #tpu.memory_space<vmem_shared>>) offsets(%dma_start3A_30 : memref<128xi32, #tpu.memory_space<vmem>>) semaphore(%run_scoped3A_28 : memref<!tpu.dma_semaphore, #tpu.memory_space<semaphore_mem>>) {add = true}
        %dma_wait3A = arith.constant 0 : i32
        %dma_wait3A_34 = tpu.memref_slice %arg6[%run_scoped3A_25, %dma_wait3A] : memref<4x128xi32, #tpu.memory_space<vmem>> -> memref<1x128xi32, #tpu.memory_space<vmem>>
        %dma_wait3A_35 = tpu.memref_squeeze %dma_wait3A_34 : memref<1x128xi32, #tpu.memory_space<vmem>> -> memref<128xi32, #tpu.memory_space<vmem>>
        %dma_wait3A_36 = arith.constant 0 : i32
        %dma_wait3A_37 = arith.constant 0 : i32
        %dma_wait3A_38 = tpu.memref_slice %arg8[%dma_wait3A_36, %dma_wait3A_37] : memref<10112x128xf32, #tpu.memory_space<vmem_shared>> -> memref<10112x128xf32, #tpu.memory_space<vmem_shared>>
        tpu.wait_indirect_dma semaphore(%run_scoped3A_28 : memref<!tpu.dma_semaphore, #tpu.memory_space<semaphore_mem>>) src(%arg7 : memref<128x128xf32, #tpu.memory_space<vmem>>) dst(%dma_wait3A_38 : memref<10112x128xf32, #tpu.memory_space<vmem_shared>>)
        tpu.yield
      }) : () -> ()
      %run_scoped3A_26 = arith.constant 2 : i32
      "tpu.region"() ({
        %run_scoped3A_28 = tpu.sem_alloc : memref<!tpu.dma_semaphore, #tpu.memory_space<semaphore_mem>>
        %dma_start3A = arith.constant 0 : i32
        %dma_start3A_29 = tpu.memref_slice %arg6[%run_scoped3A_26, %dma_start3A] : memref<4x128xi32, #tpu.memory_space<vmem>> -> memref<1x128xi32, #tpu.memory_space<vmem>>
        %dma_start3A_30 = tpu.memref_squeeze %dma_start3A_29 : memref<1x128xi32, #tpu.memory_space<vmem>> -> memref<128xi32, #tpu.memory_space<vmem>>
        %dma_start3A_31 = arith.constant 0 : i32
        %dma_start3A_32 = arith.constant 0 : i32
        %dma_start3A_33 = tpu.memref_slice %arg8[%dma_start3A_31, %dma_start3A_32] : memref<10112x128xf32, #tpu.memory_space<vmem_shared>> -> memref<10112x128xf32, #tpu.memory_space<vmem_shared>>
        tpu.enqueue_indirect_dma source(%arg7 : memref<128x128xf32, #tpu.memory_space<vmem>>) target(%dma_start3A_33 : memref<10112x128xf32, #tpu.memory_space<vmem_shared>>) offsets(%dma_start3A_30 : memref<128xi32, #tpu.memory_space<vmem>>) semaphore(%run_scoped3A_28 : memref<!tpu.dma_semaphore, #tpu.memory_space<semaphore_mem>>) {add = true}
        %dma_wait3A = arith.constant 0 : i32
        %dma_wait3A_34 = tpu.memref_slice %arg6[%run_scoped3A_26, %dma_wait3A] : memref<4x128xi32, #tpu.memory_space<vmem>> -> memref<1x128xi32, #tpu.memory_space<vmem>>
        %dma_wait3A_35 = tpu.memref_squeeze %dma_wait3A_34 : memref<1x128xi32, #tpu.memory_space<vmem>> -> memref<128xi32, #tpu.memory_space<vmem>>
        %dma_wait3A_36 = arith.constant 0 : i32
        %dma_wait3A_37 = arith.constant 0 : i32
        %dma_wait3A_38 = tpu.memref_slice %arg8[%dma_wait3A_36, %dma_wait3A_37] : memref<10112x128xf32, #tpu.memory_space<vmem_shared>> -> memref<10112x128xf32, #tpu.memory_space<vmem_shared>>
        tpu.wait_indirect_dma semaphore(%run_scoped3A_28 : memref<!tpu.dma_semaphore, #tpu.memory_space<semaphore_mem>>) src(%arg7 : memref<128x128xf32, #tpu.memory_space<vmem>>) dst(%dma_wait3A_38 : memref<10112x128xf32, #tpu.memory_space<vmem_shared>>)
        tpu.yield
      }) : () -> ()
      %run_scoped3A_27 = arith.constant 3 : i32
      "tpu.region"() ({
        %run_scoped3A_28 = tpu.sem_alloc : memref<!tpu.dma_semaphore, #tpu.memory_space<semaphore_mem>>
        %dma_start3A = arith.constant 0 : i32
        %dma_start3A_29 = tpu.memref_slice %arg6[%run_scoped3A_27, %dma_start3A] : memref<4x128xi32, #tpu.memory_space<vmem>> -> memref<1x128xi32, #tpu.memory_space<vmem>>
        %dma_start3A_30 = tpu.memref_squeeze %dma_start3A_29 : memref<1x128xi32, #tpu.memory_space<vmem>> -> memref<128xi32, #tpu.memory_space<vmem>>
        %dma_start3A_31 = arith.constant 0 : i32
        %dma_start3A_32 = arith.constant 0 : i32
        %dma_start3A_33 = tpu.memref_slice %arg8[%dma_start3A_31, %dma_start3A_32] : memref<10112x128xf32, #tpu.memory_space<vmem_shared>> -> memref<10112x128xf32, #tpu.memory_space<vmem_shared>>
        tpu.enqueue_indirect_dma source(%arg7 : memref<128x128xf32, #tpu.memory_space<vmem>>) target(%dma_start3A_33 : memref<10112x128xf32, #tpu.memory_space<vmem_shared>>) offsets(%dma_start3A_30 : memref<128xi32, #tpu.memory_space<vmem>>) semaphore(%run_scoped3A_28 : memref<!tpu.dma_semaphore, #tpu.memory_space<semaphore_mem>>) {add = true}
        %dma_wait3A = arith.constant 0 : i32
        %dma_wait3A_34 = tpu.memref_slice %arg6[%run_scoped3A_27, %dma_wait3A] : memref<4x128xi32, #tpu.memory_space<vmem>> -> memref<1x128xi32, #tpu.memory_space<vmem>>
        %dma_wait3A_35 = tpu.memref_squeeze %dma_wait3A_34 : memref<1x128xi32, #tpu.memory_space<vmem>> -> memref<128xi32, #tpu.memory_space<vmem>>
        %dma_wait3A_36 = arith.constant 0 : i32
        %dma_wait3A_37 = arith.constant 0 : i32
        %dma_wait3A_38 = tpu.memref_slice %arg8[%dma_wait3A_36, %dma_wait3A_37] : memref<10112x128xf32, #tpu.memory_space<vmem_shared>> -> memref<10112x128xf32, #tpu.memory_space<vmem_shared>>
        tpu.wait_indirect_dma semaphore(%run_scoped3A_28 : memref<!tpu.dma_semaphore, #tpu.memory_space<semaphore_mem>>) src(%arg7 : memref<128x128xf32, #tpu.memory_space<vmem>>) dst(%dma_wait3A_38 : memref<10112x128xf32, #tpu.memory_space<vmem_shared>>)
        tpu.yield
      }) : () -> ()
    }
    %barrier3A_20 = arith.constant 0 : index
    tpu.barrier barrier_id(%barrier3A_20)
    "tpu.region"() ({
      %run_scoped3A = tpu.sem_alloc : memref<!tpu.dma_semaphore, #tpu.memory_space<semaphore_mem>>
      %dma_start3A = arith.constant 0 : i32
      %dma_start3A_21 = tpu.memref_slice %arg5[%arg0, %mul3A_2, %dma_start3A] : memref<2x10112x128xf32, #tpu.memory_space<hbm>> -> memref<1x632x128xf32, #tpu.memory_space<hbm>>
      %dma_start3A_22 = tpu.memref_squeeze %dma_start3A_21 : memref<1x632x128xf32, #tpu.memory_space<hbm>> -> memref<632x128xf32, #tpu.memory_space<hbm>>
      %dma_start3A_23 = arith.constant 0 : i32
      %dma_start3A_24 = tpu.memref_slice %arg8[%mul3A_2, %dma_start3A_23] : memref<10112x128xf32, #tpu.memory_space<vmem_shared>> -> memref<632x128xf32, #tpu.memory_space<vmem_shared>>
      tpu.enqueue_dma source(%dma_start3A_24 : memref<632x128xf32, #tpu.memory_space<vmem_shared>>) target(%dma_start3A_22 : memref<632x128xf32, #tpu.memory_space<hbm>>) target_semaphore(%run_scoped3A : memref<!tpu.dma_semaphore, #tpu.memory_space<semaphore_mem>>)
      %dma_wait3A = arith.constant 0 : i32
      %dma_wait3A_25 = tpu.memref_slice %arg5[%arg0, %mul3A_2, %dma_wait3A] : memref<2x10112x128xf32, #tpu.memory_space<hbm>> -> memref<1x632x128xf32, #tpu.memory_space<hbm>>
      %dma_wait3A_26 = tpu.memref_squeeze %dma_wait3A_25 : memref<1x632x128xf32, #tpu.memory_space<hbm>> -> memref<632x128xf32, #tpu.memory_space<hbm>>
      %dma_wait3A_27 = arith.constant 0 : i32
      %dma_wait3A_28 = tpu.memref_slice %arg8[%mul3A_2, %dma_wait3A_27] : memref<10112x128xf32, #tpu.memory_space<vmem_shared>> -> memref<632x128xf32, #tpu.memory_space<vmem_shared>>
      tpu.wait_dma2 semaphore(%run_scoped3A : memref<!tpu.dma_semaphore, #tpu.memory_space<semaphore_mem>>) src(%dma_wait3A_28 : memref<632x128xf32, #tpu.memory_space<vmem_shared>>) dst(%dma_wait3A_26 : memref<632x128xf32, #tpu.memory_space<hbm>>)
      tpu.yield
    }) : () -> ()
    return
  }
}

#map = affine_map<(d0, d1) -> (0)>
#map1 = affine_map<(d0, d1) -> (0, 0)>
#map2 = affine_map<(d0, d1) -> (0, 0, 0)>
module attributes {stable_mosaic.version = 14 : i64} {
  func.func @agg_kernel(%arg0: i32, %arg1: i32, %arg2: memref<320000xi32, #tpu.memory_space<hbm>>, %arg3: memref<2500x128xi32, #tpu.memory_space<hbm>>, %arg4: memref<10000x128xf32, #tpu.memory_space<hbm>>, %arg5: memref<632x128xf32, #tpu.memory_space<hbm>>, %arg6: memref<2x10112x128xf32, #tpu.memory_space<hbm>>, %arg7: memref<512xi32, #tpu.memory_space<vmem>>, %arg8: memref<4x128xi32, #tpu.memory_space<vmem>>, %arg9: memref<128x128xf32, #tpu.memory_space<vmem>>, %arg10: memref<128x128xf32, #tpu.memory_space<vmem>>, %arg11: memref<10112x128xf32, #tpu.memory_space<vmem_shared>>, %arg12: memref<!tpu.dma_semaphore, #tpu.memory_space<semaphore_mem>>, %arg13: memref<!tpu.dma_semaphore, #tpu.memory_space<semaphore_mem>>) attributes {dimension_semantics = [#tpu.dimension_semantics<core_parallel>, #tpu.dimension_semantics<subcore_parallel>], iteration_bounds = array<i64: 2, 16>, scalar_prefetch = 0 : i64, scratch_operands = 7 : i64, tpu.core_type = #tpu.core_type<sc_vector_subcore>, window_params = [{transform_indices = #map}, {transform_indices = #map1}, {transform_indices = #map1}, {transform_indices = #map1}, {transform_indices = #map2}]} {
    %mul3A = arith.constant 16 : i32
    %mul3A_0 = arith.muli %arg0, %mul3A : i32
    %add3A = arith.addi %mul3A_0, %arg1 : i32
    %mul3A_1 = arith.constant 632 : i32
    %mul3A_2 = arith.muli %arg1, %mul3A_1 : i32
    "tpu.region"() ({
      %run_scoped3A = tpu.sem_alloc : memref<!tpu.dma_semaphore, #tpu.memory_space<semaphore_mem>>
      %dma_start3A = arith.constant 0 : i32
      %dma_start3A_21 = tpu.memref_slice %arg11[%mul3A_2, %dma_start3A] : memref<10112x128xf32, #tpu.memory_space<vmem_shared>> -> memref<632x128xf32, #tpu.memory_space<vmem_shared>>
      tpu.enqueue_dma source(%arg5 : memref<632x128xf32, #tpu.memory_space<hbm>>) target(%dma_start3A_21 : memref<632x128xf32, #tpu.memory_space<vmem_shared>>) target_semaphore(%run_scoped3A : memref<!tpu.dma_semaphore, #tpu.memory_space<semaphore_mem>>)
      %dma_wait3A = arith.constant 0 : i32
      %dma_wait3A_22 = tpu.memref_slice %arg11[%mul3A_2, %dma_wait3A] : memref<10112x128xf32, #tpu.memory_space<vmem_shared>> -> memref<632x128xf32, #tpu.memory_space<vmem_shared>>
      tpu.wait_dma2 semaphore(%run_scoped3A : memref<!tpu.dma_semaphore, #tpu.memory_space<semaphore_mem>>) src(%arg5 : memref<632x128xf32, #tpu.memory_space<hbm>>) dst(%dma_wait3A_22 : memref<632x128xf32, #tpu.memory_space<vmem_shared>>)
      tpu.yield
    }) : () -> ()
    %barrier3A = arith.constant 0 : index
    tpu.barrier barrier_id(%barrier3A)
    %mul3A_3 = arith.constant 19 : i32
    %mul3A_4 = arith.muli %add3A, %mul3A_3 : i32
    %min3A = arith.constant 17 : i32
    %min3A_5 = arith.minsi %add3A, %min3A : i32
    %add3A_6 = arith.addi %mul3A_4, %min3A_5 : i32
    %lt3A = arith.constant 17 : i32
    %lt3A_7 = arith.cmpi slt, %add3A, %lt3A : i32
    %jit3A = arith.constant 1 : i32
    %jit3A_8 = arith.constant 0 : i32
    %select_n3A = arith.select %lt3A_7, %jit3A, %jit3A_8 : i32
    %add3A_9 = arith.constant 19 : i32
    %add3A_10 = arith.addi %add3A_9, %select_n3A : i32
    %while3A = arith.constant 0 : i32
    %while3A_11 = arith.constant 0 : i32
    %while3A_12 = arith.subi %add3A_10, %while3A_11 : i32
    %while3A_13 = arith.addi %while3A_11, %while3A_12 : i32
    %while3A_14 = arith.constant 1 : i32
    %while3A_15 = arith.divsi %while3A_12, %while3A_14 : i32
    %while3A_16 = arith.muli %while3A_15, %while3A_14 : i32
    %while3A_17 = arith.addi %while3A_11, %while3A_16 : i32
    %while3A_18 = arith.constant 1 : i32
    scf.for %while3A_21 = %while3A_11 to %while3A_17 step %while3A_18  : i32 {
      %add3A_22 = arith.addi %add3A_6, %while3A_21 : i32
      %mul3A_23 = arith.constant 512 : i32
      %mul3A_24 = arith.muli %add3A_22, %mul3A_23 : i32
      "tpu.region"() ({
        %run_scoped3A_156 = tpu.sem_alloc : memref<!tpu.dma_semaphore, #tpu.memory_space<semaphore_mem>>
        %dma_start3A_157 = tpu.memref_slice %arg2[%mul3A_24] : memref<320000xi32, #tpu.memory_space<hbm>> -> memref<512xi32, #tpu.memory_space<hbm>>
        %dma_start3A_158 = tpu.memref_slice %arg2[%mul3A_24] : memref<320000xi32, #tpu.memory_space<hbm>> -> memref<512xi32, #tpu.memory_space<hbm>>
        tpu.enqueue_dma source(%dma_start3A_158 : memref<512xi32, #tpu.memory_space<hbm>>) target(%arg7 : memref<512xi32, #tpu.memory_space<vmem>>) target_semaphore(%run_scoped3A_156 : memref<!tpu.dma_semaphore, #tpu.memory_space<semaphore_mem>>)
        %dma_wait3A_159 = tpu.memref_slice %arg2[%mul3A_24] : memref<320000xi32, #tpu.memory_space<hbm>> -> memref<512xi32, #tpu.memory_space<hbm>>
        %dma_wait3A_160 = tpu.memref_slice %arg2[%mul3A_24] : memref<320000xi32, #tpu.memory_space<hbm>> -> memref<512xi32, #tpu.memory_space<hbm>>
        tpu.wait_dma2 semaphore(%run_scoped3A_156 : memref<!tpu.dma_semaphore, #tpu.memory_space<semaphore_mem>>) src(%dma_wait3A_160 : memref<512xi32, #tpu.memory_space<hbm>>) dst(%arg7 : memref<512xi32, #tpu.memory_space<vmem>>)
        tpu.yield
      }) : () -> ()
      %mul3A_25 = arith.constant 4 : i32
      %mul3A_26 = arith.muli %add3A_22, %mul3A_25 : i32
      "tpu.region"() ({
        %run_scoped3A_156 = tpu.sem_alloc : memref<!tpu.dma_semaphore, #tpu.memory_space<semaphore_mem>>
        %dma_start3A_157 = arith.constant 0 : i32
        %dma_start3A_158 = tpu.memref_slice %arg3[%mul3A_26, %dma_start3A_157] : memref<2500x128xi32, #tpu.memory_space<hbm>> -> memref<4x128xi32, #tpu.memory_space<hbm>>
        %dma_start3A_159 = arith.constant 0 : i32
        %dma_start3A_160 = tpu.memref_slice %arg3[%mul3A_26, %dma_start3A_159] : memref<2500x128xi32, #tpu.memory_space<hbm>> -> memref<4x128xi32, #tpu.memory_space<hbm>>
        tpu.enqueue_dma source(%dma_start3A_160 : memref<4x128xi32, #tpu.memory_space<hbm>>) target(%arg8 : memref<4x128xi32, #tpu.memory_space<vmem>>) target_semaphore(%run_scoped3A_156 : memref<!tpu.dma_semaphore, #tpu.memory_space<semaphore_mem>>)
        %dma_wait3A_161 = arith.constant 0 : i32
        %dma_wait3A_162 = tpu.memref_slice %arg3[%mul3A_26, %dma_wait3A_161] : memref<2500x128xi32, #tpu.memory_space<hbm>> -> memref<4x128xi32, #tpu.memory_space<hbm>>
        %dma_wait3A_163 = arith.constant 0 : i32
        %dma_wait3A_164 = tpu.memref_slice %arg3[%mul3A_26, %dma_wait3A_163] : memref<2500x128xi32, #tpu.memory_space<hbm>> -> memref<4x128xi32, #tpu.memory_space<hbm>>
        tpu.wait_dma2 semaphore(%run_scoped3A_156 : memref<!tpu.dma_semaphore, #tpu.memory_space<semaphore_mem>>) src(%dma_wait3A_164 : memref<4x128xi32, #tpu.memory_space<hbm>>) dst(%arg8 : memref<4x128xi32, #tpu.memory_space<vmem>>)
        tpu.yield
      }) : () -> ()
      %dma_start3A = arith.constant 0 : i32
      %dma_start3A_27 = arith.constant 0 : i32
      %dma_start3A_28 = tpu.memref_slice %arg9[%dma_start3A, %dma_start3A_27] : memref<128x128xf32, #tpu.memory_space<vmem>> -> memref<64x128xf32, #tpu.memory_space<vmem>>
      %dma_start3A_29 = arith.constant 0 : i32
      %dma_start3A_30 = tpu.memref_slice %arg7[%dma_start3A_29] : memref<512xi32, #tpu.memory_space<vmem>> -> memref<64xi32, #tpu.memory_space<vmem>>
      %dma_start3A_31 = arith.constant 0 : i32
      %dma_start3A_32 = arith.constant 0 : i32
      %dma_start3A_33 = tpu.memref_slice %arg4[%dma_start3A_31, %dma_start3A_32] : memref<10000x128xf32, #tpu.memory_space<hbm>> -> memref<10000x128xf32, #tpu.memory_space<hbm>>
      tpu.enqueue_indirect_dma source(%dma_start3A_33 : memref<10000x128xf32, #tpu.memory_space<hbm>>) target(%dma_start3A_28 : memref<64x128xf32, #tpu.memory_space<vmem>>) offsets(%dma_start3A_30 : memref<64xi32, #tpu.memory_space<vmem>>) semaphore(%arg12 : memref<!tpu.dma_semaphore, #tpu.memory_space<semaphore_mem>>)
      %dma_start3A_34 = arith.constant 64 : i32
      %dma_start3A_35 = arith.constant 0 : i32
      %dma_start3A_36 = tpu.memref_slice %arg9[%dma_start3A_34, %dma_start3A_35] : memref<128x128xf32, #tpu.memory_space<vmem>> -> memref<64x128xf32, #tpu.memory_space<vmem>>
      %dma_start3A_37 = arith.constant 64 : i32
      %dma_start3A_38 = tpu.memref_slice %arg7[%dma_start3A_37] : memref<512xi32, #tpu.memory_space<vmem>> -> memref<64xi32, #tpu.memory_space<vmem>>
      %dma_start3A_39 = arith.constant 0 : i32
      %dma_start3A_40 = arith.constant 0 : i32
      %dma_start3A_41 = tpu.memref_slice %arg4[%dma_start3A_39, %dma_start3A_40] : memref<10000x128xf32, #tpu.memory_space<hbm>> -> memref<10000x128xf32, #tpu.memory_space<hbm>>
      tpu.enqueue_indirect_dma source(%dma_start3A_41 : memref<10000x128xf32, #tpu.memory_space<hbm>>) target(%dma_start3A_36 : memref<64x128xf32, #tpu.memory_space<vmem>>) offsets(%dma_start3A_38 : memref<64xi32, #tpu.memory_space<vmem>>) semaphore(%arg12 : memref<!tpu.dma_semaphore, #tpu.memory_space<semaphore_mem>>)
      %dma_start3A_42 = arith.constant 0 : i32
      %dma_start3A_43 = arith.constant 0 : i32
      %dma_start3A_44 = tpu.memref_slice %arg10[%dma_start3A_42, %dma_start3A_43] : memref<128x128xf32, #tpu.memory_space<vmem>> -> memref<64x128xf32, #tpu.memory_space<vmem>>
      %dma_start3A_45 = arith.constant 128 : i32
      %dma_start3A_46 = tpu.memref_slice %arg7[%dma_start3A_45] : memref<512xi32, #tpu.memory_space<vmem>> -> memref<64xi32, #tpu.memory_space<vmem>>
      %dma_start3A_47 = arith.constant 0 : i32
      %dma_start3A_48 = arith.constant 0 : i32
      %dma_start3A_49 = tpu.memref_slice %arg4[%dma_start3A_47, %dma_start3A_48] : memref<10000x128xf32, #tpu.memory_space<hbm>> -> memref<10000x128xf32, #tpu.memory_space<hbm>>
      tpu.enqueue_indirect_dma source(%dma_start3A_49 : memref<10000x128xf32, #tpu.memory_space<hbm>>) target(%dma_start3A_44 : memref<64x128xf32, #tpu.memory_space<vmem>>) offsets(%dma_start3A_46 : memref<64xi32, #tpu.memory_space<vmem>>) semaphore(%arg13 : memref<!tpu.dma_semaphore, #tpu.memory_space<semaphore_mem>>)
      %dma_start3A_50 = arith.constant 64 : i32
      %dma_start3A_51 = arith.constant 0 : i32
      %dma_start3A_52 = tpu.memref_slice %arg10[%dma_start3A_50, %dma_start3A_51] : memref<128x128xf32, #tpu.memory_space<vmem>> -> memref<64x128xf32, #tpu.memory_space<vmem>>
      %dma_start3A_53 = arith.constant 192 : i32
      %dma_start3A_54 = tpu.memref_slice %arg7[%dma_start3A_53] : memref<512xi32, #tpu.memory_space<vmem>> -> memref<64xi32, #tpu.memory_space<vmem>>
      %dma_start3A_55 = arith.constant 0 : i32
      %dma_start3A_56 = arith.constant 0 : i32
      %dma_start3A_57 = tpu.memref_slice %arg4[%dma_start3A_55, %dma_start3A_56] : memref<10000x128xf32, #tpu.memory_space<hbm>> -> memref<10000x128xf32, #tpu.memory_space<hbm>>
      tpu.enqueue_indirect_dma source(%dma_start3A_57 : memref<10000x128xf32, #tpu.memory_space<hbm>>) target(%dma_start3A_52 : memref<64x128xf32, #tpu.memory_space<vmem>>) offsets(%dma_start3A_54 : memref<64xi32, #tpu.memory_space<vmem>>) semaphore(%arg13 : memref<!tpu.dma_semaphore, #tpu.memory_space<semaphore_mem>>)
      %dma_wait3A = arith.constant 0 : i32
      %dma_wait3A_58 = arith.constant 0 : i32
      %dma_wait3A_59 = tpu.memref_slice %arg9[%dma_wait3A, %dma_wait3A_58] : memref<128x128xf32, #tpu.memory_space<vmem>> -> memref<64x128xf32, #tpu.memory_space<vmem>>
      %dma_wait3A_60 = arith.constant 0 : i32
      %dma_wait3A_61 = tpu.memref_slice %arg7[%dma_wait3A_60] : memref<512xi32, #tpu.memory_space<vmem>> -> memref<64xi32, #tpu.memory_space<vmem>>
      %dma_wait3A_62 = arith.constant 0 : i32
      %dma_wait3A_63 = arith.constant 0 : i32
      %dma_wait3A_64 = tpu.memref_slice %arg4[%dma_wait3A_62, %dma_wait3A_63] : memref<10000x128xf32, #tpu.memory_space<hbm>> -> memref<10000x128xf32, #tpu.memory_space<hbm>>
      tpu.wait_indirect_dma semaphore(%arg12 : memref<!tpu.dma_semaphore, #tpu.memory_space<semaphore_mem>>) src(%dma_wait3A_64 : memref<10000x128xf32, #tpu.memory_space<hbm>>) dst(%dma_wait3A_59 : memref<64x128xf32, #tpu.memory_space<vmem>>)
      %dma_wait3A_65 = arith.constant 64 : i32
      %dma_wait3A_66 = arith.constant 0 : i32
      %dma_wait3A_67 = tpu.memref_slice %arg9[%dma_wait3A_65, %dma_wait3A_66] : memref<128x128xf32, #tpu.memory_space<vmem>> -> memref<64x128xf32, #tpu.memory_space<vmem>>
      %dma_wait3A_68 = arith.constant 64 : i32
      %dma_wait3A_69 = tpu.memref_slice %arg7[%dma_wait3A_68] : memref<512xi32, #tpu.memory_space<vmem>> -> memref<64xi32, #tpu.memory_space<vmem>>
      %dma_wait3A_70 = arith.constant 0 : i32
      %dma_wait3A_71 = arith.constant 0 : i32
      %dma_wait3A_72 = tpu.memref_slice %arg4[%dma_wait3A_70, %dma_wait3A_71] : memref<10000x128xf32, #tpu.memory_space<hbm>> -> memref<10000x128xf32, #tpu.memory_space<hbm>>
      tpu.wait_indirect_dma semaphore(%arg12 : memref<!tpu.dma_semaphore, #tpu.memory_space<semaphore_mem>>) src(%dma_wait3A_72 : memref<10000x128xf32, #tpu.memory_space<hbm>>) dst(%dma_wait3A_67 : memref<64x128xf32, #tpu.memory_space<vmem>>)
      %run_scoped3A = arith.constant 0 : i32
      "tpu.region"() ({
        %run_scoped3A_156 = tpu.sem_alloc : memref<!tpu.dma_semaphore, #tpu.memory_space<semaphore_mem>>
        %dma_start3A_157 = arith.constant 0 : i32
        %dma_start3A_158 = tpu.memref_slice %arg8[%run_scoped3A, %dma_start3A_157] : memref<4x128xi32, #tpu.memory_space<vmem>> -> memref<1x128xi32, #tpu.memory_space<vmem>>
        %dma_start3A_159 = tpu.memref_squeeze %dma_start3A_158 : memref<1x128xi32, #tpu.memory_space<vmem>> -> memref<128xi32, #tpu.memory_space<vmem>>
        %dma_start3A_160 = arith.constant 0 : i32
        %dma_start3A_161 = arith.constant 0 : i32
        %dma_start3A_162 = tpu.memref_slice %arg11[%dma_start3A_160, %dma_start3A_161] : memref<10112x128xf32, #tpu.memory_space<vmem_shared>> -> memref<10112x128xf32, #tpu.memory_space<vmem_shared>>
        tpu.enqueue_indirect_dma source(%arg9 : memref<128x128xf32, #tpu.memory_space<vmem>>) target(%dma_start3A_162 : memref<10112x128xf32, #tpu.memory_space<vmem_shared>>) offsets(%dma_start3A_159 : memref<128xi32, #tpu.memory_space<vmem>>) semaphore(%run_scoped3A_156 : memref<!tpu.dma_semaphore, #tpu.memory_space<semaphore_mem>>) {add = true}
        %dma_wait3A_163 = arith.constant 0 : i32
        %dma_wait3A_164 = tpu.memref_slice %arg8[%run_scoped3A, %dma_wait3A_163] : memref<4x128xi32, #tpu.memory_space<vmem>> -> memref<1x128xi32, #tpu.memory_space<vmem>>
        %dma_wait3A_165 = tpu.memref_squeeze %dma_wait3A_164 : memref<1x128xi32, #tpu.memory_space<vmem>> -> memref<128xi32, #tpu.memory_space<vmem>>
        %dma_wait3A_166 = arith.constant 0 : i32
        %dma_wait3A_167 = arith.constant 0 : i32
        %dma_wait3A_168 = tpu.memref_slice %arg11[%dma_wait3A_166, %dma_wait3A_167] : memref<10112x128xf32, #tpu.memory_space<vmem_shared>> -> memref<10112x128xf32, #tpu.memory_space<vmem_shared>>
        tpu.wait_indirect_dma semaphore(%run_scoped3A_156 : memref<!tpu.dma_semaphore, #tpu.memory_space<semaphore_mem>>) src(%arg9 : memref<128x128xf32, #tpu.memory_space<vmem>>) dst(%dma_wait3A_168 : memref<10112x128xf32, #tpu.memory_space<vmem_shared>>)
        tpu.yield
      }) : () -> ()
      %dma_start3A_73 = arith.constant 0 : i32
      %dma_start3A_74 = arith.constant 0 : i32
      %dma_start3A_75 = tpu.memref_slice %arg9[%dma_start3A_73, %dma_start3A_74] : memref<128x128xf32, #tpu.memory_space<vmem>> -> memref<64x128xf32, #tpu.memory_space<vmem>>
      %dma_start3A_76 = arith.constant 256 : i32
      %dma_start3A_77 = tpu.memref_slice %arg7[%dma_start3A_76] : memref<512xi32, #tpu.memory_space<vmem>> -> memref<64xi32, #tpu.memory_space<vmem>>
      %dma_start3A_78 = arith.constant 0 : i32
      %dma_start3A_79 = arith.constant 0 : i32
      %dma_start3A_80 = tpu.memref_slice %arg4[%dma_start3A_78, %dma_start3A_79] : memref<10000x128xf32, #tpu.memory_space<hbm>> -> memref<10000x128xf32, #tpu.memory_space<hbm>>
      tpu.enqueue_indirect_dma source(%dma_start3A_80 : memref<10000x128xf32, #tpu.memory_space<hbm>>) target(%dma_start3A_75 : memref<64x128xf32, #tpu.memory_space<vmem>>) offsets(%dma_start3A_77 : memref<64xi32, #tpu.memory_space<vmem>>) semaphore(%arg12 : memref<!tpu.dma_semaphore, #tpu.memory_space<semaphore_mem>>)
      %dma_start3A_81 = arith.constant 64 : i32
      %dma_start3A_82 = arith.constant 0 : i32
      %dma_start3A_83 = tpu.memref_slice %arg9[%dma_start3A_81, %dma_start3A_82] : memref<128x128xf32, #tpu.memory_space<vmem>> -> memref<64x128xf32, #tpu.memory_space<vmem>>
      %dma_start3A_84 = arith.constant 320 : i32
      %dma_start3A_85 = tpu.memref_slice %arg7[%dma_start3A_84] : memref<512xi32, #tpu.memory_space<vmem>> -> memref<64xi32, #tpu.memory_space<vmem>>
      %dma_start3A_86 = arith.constant 0 : i32
      %dma_start3A_87 = arith.constant 0 : i32
      %dma_start3A_88 = tpu.memref_slice %arg4[%dma_start3A_86, %dma_start3A_87] : memref<10000x128xf32, #tpu.memory_space<hbm>> -> memref<10000x128xf32, #tpu.memory_space<hbm>>
      tpu.enqueue_indirect_dma source(%dma_start3A_88 : memref<10000x128xf32, #tpu.memory_space<hbm>>) target(%dma_start3A_83 : memref<64x128xf32, #tpu.memory_space<vmem>>) offsets(%dma_start3A_85 : memref<64xi32, #tpu.memory_space<vmem>>) semaphore(%arg12 : memref<!tpu.dma_semaphore, #tpu.memory_space<semaphore_mem>>)
      %dma_wait3A_89 = arith.constant 0 : i32
      %dma_wait3A_90 = arith.constant 0 : i32
      %dma_wait3A_91 = tpu.memref_slice %arg10[%dma_wait3A_89, %dma_wait3A_90] : memref<128x128xf32, #tpu.memory_space<vmem>> -> memref<64x128xf32, #tpu.memory_space<vmem>>
      %dma_wait3A_92 = arith.constant 128 : i32
      %dma_wait3A_93 = tpu.memref_slice %arg7[%dma_wait3A_92] : memref<512xi32, #tpu.memory_space<vmem>> -> memref<64xi32, #tpu.memory_space<vmem>>
      %dma_wait3A_94 = arith.constant 0 : i32
      %dma_wait3A_95 = arith.constant 0 : i32
      %dma_wait3A_96 = tpu.memref_slice %arg4[%dma_wait3A_94, %dma_wait3A_95] : memref<10000x128xf32, #tpu.memory_space<hbm>> -> memref<10000x128xf32, #tpu.memory_space<hbm>>
      tpu.wait_indirect_dma semaphore(%arg13 : memref<!tpu.dma_semaphore, #tpu.memory_space<semaphore_mem>>) src(%dma_wait3A_96 : memref<10000x128xf32, #tpu.memory_space<hbm>>) dst(%dma_wait3A_91 : memref<64x128xf32, #tpu.memory_space<vmem>>)
      %dma_wait3A_97 = arith.constant 64 : i32
      %dma_wait3A_98 = arith.constant 0 : i32
      %dma_wait3A_99 = tpu.memref_slice %arg10[%dma_wait3A_97, %dma_wait3A_98] : memref<128x128xf32, #tpu.memory_space<vmem>> -> memref<64x128xf32, #tpu.memory_space<vmem>>
      %dma_wait3A_100 = arith.constant 192 : i32
      %dma_wait3A_101 = tpu.memref_slice %arg7[%dma_wait3A_100] : memref<512xi32, #tpu.memory_space<vmem>> -> memref<64xi32, #tpu.memory_space<vmem>>
      %dma_wait3A_102 = arith.constant 0 : i32
      %dma_wait3A_103 = arith.constant 0 : i32
      %dma_wait3A_104 = tpu.memref_slice %arg4[%dma_wait3A_102, %dma_wait3A_103] : memref<10000x128xf32, #tpu.memory_space<hbm>> -> memref<10000x128xf32, #tpu.memory_space<hbm>>
      tpu.wait_indirect_dma semaphore(%arg13 : memref<!tpu.dma_semaphore, #tpu.memory_space<semaphore_mem>>) src(%dma_wait3A_104 : memref<10000x128xf32, #tpu.memory_space<hbm>>) dst(%dma_wait3A_99 : memref<64x128xf32, #tpu.memory_space<vmem>>)
      %run_scoped3A_105 = arith.constant 1 : i32
      "tpu.region"() ({
        %run_scoped3A_156 = tpu.sem_alloc : memref<!tpu.dma_semaphore, #tpu.memory_space<semaphore_mem>>
        %dma_start3A_157 = arith.constant 0 : i32
        %dma_start3A_158 = tpu.memref_slice %arg8[%run_scoped3A_105, %dma_start3A_157] : memref<4x128xi32, #tpu.memory_space<vmem>> -> memref<1x128xi32, #tpu.memory_space<vmem>>
        %dma_start3A_159 = tpu.memref_squeeze %dma_start3A_158 : memref<1x128xi32, #tpu.memory_space<vmem>> -> memref<128xi32, #tpu.memory_space<vmem>>
        %dma_start3A_160 = arith.constant 0 : i32
        %dma_start3A_161 = arith.constant 0 : i32
        %dma_start3A_162 = tpu.memref_slice %arg11[%dma_start3A_160, %dma_start3A_161] : memref<10112x128xf32, #tpu.memory_space<vmem_shared>> -> memref<10112x128xf32, #tpu.memory_space<vmem_shared>>
        tpu.enqueue_indirect_dma source(%arg10 : memref<128x128xf32, #tpu.memory_space<vmem>>) target(%dma_start3A_162 : memref<10112x128xf32, #tpu.memory_space<vmem_shared>>) offsets(%dma_start3A_159 : memref<128xi32, #tpu.memory_space<vmem>>) semaphore(%run_scoped3A_156 : memref<!tpu.dma_semaphore, #tpu.memory_space<semaphore_mem>>) {add = true}
        %dma_wait3A_163 = arith.constant 0 : i32
        %dma_wait3A_164 = tpu.memref_slice %arg8[%run_scoped3A_105, %dma_wait3A_163] : memref<4x128xi32, #tpu.memory_space<vmem>> -> memref<1x128xi32, #tpu.memory_space<vmem>>
        %dma_wait3A_165 = tpu.memref_squeeze %dma_wait3A_164 : memref<1x128xi32, #tpu.memory_space<vmem>> -> memref<128xi32, #tpu.memory_space<vmem>>
        %dma_wait3A_166 = arith.constant 0 : i32
        %dma_wait3A_167 = arith.constant 0 : i32
        %dma_wait3A_168 = tpu.memref_slice %arg11[%dma_wait3A_166, %dma_wait3A_167] : memref<10112x128xf32, #tpu.memory_space<vmem_shared>> -> memref<10112x128xf32, #tpu.memory_space<vmem_shared>>
        tpu.wait_indirect_dma semaphore(%run_scoped3A_156 : memref<!tpu.dma_semaphore, #tpu.memory_space<semaphore_mem>>) src(%arg10 : memref<128x128xf32, #tpu.memory_space<vmem>>) dst(%dma_wait3A_168 : memref<10112x128xf32, #tpu.memory_space<vmem_shared>>)
        tpu.yield
      }) : () -> ()
      %dma_start3A_106 = arith.constant 0 : i32
      %dma_start3A_107 = arith.constant 0 : i32
      %dma_start3A_108 = tpu.memref_slice %arg10[%dma_start3A_106, %dma_start3A_107] : memref<128x128xf32, #tpu.memory_space<vmem>> -> memref<64x128xf32, #tpu.memory_space<vmem>>
      %dma_start3A_109 = arith.constant 384 : i32
      %dma_start3A_110 = tpu.memref_slice %arg7[%dma_start3A_109] : memref<512xi32, #tpu.memory_space<vmem>> -> memref<64xi32, #tpu.memory_space<vmem>>
      %dma_start3A_111 = arith.constant 0 : i32
      %dma_start3A_112 = arith.constant 0 : i32
      %dma_start3A_113 = tpu.memref_slice %arg4[%dma_start3A_111, %dma_start3A_112] : memref<10000x128xf32, #tpu.memory_space<hbm>> -> memref<10000x128xf32, #tpu.memory_space<hbm>>
      tpu.enqueue_indirect_dma source(%dma_start3A_113 : memref<10000x128xf32, #tpu.memory_space<hbm>>) target(%dma_start3A_108 : memref<64x128xf32, #tpu.memory_space<vmem>>) offsets(%dma_start3A_110 : memref<64xi32, #tpu.memory_space<vmem>>) semaphore(%arg13 : memref<!tpu.dma_semaphore, #tpu.memory_space<semaphore_mem>>)
      %dma_start3A_114 = arith.constant 64 : i32
      %dma_start3A_115 = arith.constant 0 : i32
      %dma_start3A_116 = tpu.memref_slice %arg10[%dma_start3A_114, %dma_start3A_115] : memref<128x128xf32, #tpu.memory_space<vmem>> -> memref<64x128xf32, #tpu.memory_space<vmem>>
      %dma_start3A_117 = arith.constant 448 : i32
      %dma_start3A_118 = tpu.memref_slice %arg7[%dma_start3A_117] : memref<512xi32, #tpu.memory_space<vmem>> -> memref<64xi32, #tpu.memory_space<vmem>>
      %dma_start3A_119 = arith.constant 0 : i32
      %dma_start3A_120 = arith.constant 0 : i32
      %dma_start3A_121 = tpu.memref_slice %arg4[%dma_start3A_119, %dma_start3A_120] : memref<10000x128xf32, #tpu.memory_space<hbm>> -> memref<10000x128xf32, #tpu.memory_space<hbm>>
      tpu.enqueue_indirect_dma source(%dma_start3A_121 : memref<10000x128xf32, #tpu.memory_space<hbm>>) target(%dma_start3A_116 : memref<64x128xf32, #tpu.memory_space<vmem>>) offsets(%dma_start3A_118 : memref<64xi32, #tpu.memory_space<vmem>>) semaphore(%arg13 : memref<!tpu.dma_semaphore, #tpu.memory_space<semaphore_mem>>)
      %dma_wait3A_122 = arith.constant 0 : i32
      %dma_wait3A_123 = arith.constant 0 : i32
      %dma_wait3A_124 = tpu.memref_slice %arg9[%dma_wait3A_122, %dma_wait3A_123] : memref<128x128xf32, #tpu.memory_space<vmem>> -> memref<64x128xf32, #tpu.memory_space<vmem>>
      %dma_wait3A_125 = arith.constant 256 : i32
      %dma_wait3A_126 = tpu.memref_slice %arg7[%dma_wait3A_125] : memref<512xi32, #tpu.memory_space<vmem>> -> memref<64xi32, #tpu.memory_space<vmem>>
      %dma_wait3A_127 = arith.constant 0 : i32
      %dma_wait3A_128 = arith.constant 0 : i32
      %dma_wait3A_129 = tpu.memref_slice %arg4[%dma_wait3A_127, %dma_wait3A_128] : memref<10000x128xf32, #tpu.memory_space<hbm>> -> memref<10000x128xf32, #tpu.memory_space<hbm>>
      tpu.wait_indirect_dma semaphore(%arg12 : memref<!tpu.dma_semaphore, #tpu.memory_space<semaphore_mem>>) src(%dma_wait3A_129 : memref<10000x128xf32, #tpu.memory_space<hbm>>) dst(%dma_wait3A_124 : memref<64x128xf32, #tpu.memory_space<vmem>>)
      %dma_wait3A_130 = arith.constant 64 : i32
      %dma_wait3A_131 = arith.constant 0 : i32
      %dma_wait3A_132 = tpu.memref_slice %arg9[%dma_wait3A_130, %dma_wait3A_131] : memref<128x128xf32, #tpu.memory_space<vmem>> -> memref<64x128xf32, #tpu.memory_space<vmem>>
      %dma_wait3A_133 = arith.constant 320 : i32
      %dma_wait3A_134 = tpu.memref_slice %arg7[%dma_wait3A_133] : memref<512xi32, #tpu.memory_space<vmem>> -> memref<64xi32, #tpu.memory_space<vmem>>
      %dma_wait3A_135 = arith.constant 0 : i32
      %dma_wait3A_136 = arith.constant 0 : i32
      %dma_wait3A_137 = tpu.memref_slice %arg4[%dma_wait3A_135, %dma_wait3A_136] : memref<10000x128xf32, #tpu.memory_space<hbm>> -> memref<10000x128xf32, #tpu.memory_space<hbm>>
      tpu.wait_indirect_dma semaphore(%arg12 : memref<!tpu.dma_semaphore, #tpu.memory_space<semaphore_mem>>) src(%dma_wait3A_137 : memref<10000x128xf32, #tpu.memory_space<hbm>>) dst(%dma_wait3A_132 : memref<64x128xf32, #tpu.memory_space<vmem>>)
      %run_scoped3A_138 = arith.constant 2 : i32
      "tpu.region"() ({
        %run_scoped3A_156 = tpu.sem_alloc : memref<!tpu.dma_semaphore, #tpu.memory_space<semaphore_mem>>
        %dma_start3A_157 = arith.constant 0 : i32
        %dma_start3A_158 = tpu.memref_slice %arg8[%run_scoped3A_138, %dma_start3A_157] : memref<4x128xi32, #tpu.memory_space<vmem>> -> memref<1x128xi32, #tpu.memory_space<vmem>>
        %dma_start3A_159 = tpu.memref_squeeze %dma_start3A_158 : memref<1x128xi32, #tpu.memory_space<vmem>> -> memref<128xi32, #tpu.memory_space<vmem>>
        %dma_start3A_160 = arith.constant 0 : i32
        %dma_start3A_161 = arith.constant 0 : i32
        %dma_start3A_162 = tpu.memref_slice %arg11[%dma_start3A_160, %dma_start3A_161] : memref<10112x128xf32, #tpu.memory_space<vmem_shared>> -> memref<10112x128xf32, #tpu.memory_space<vmem_shared>>
        tpu.enqueue_indirect_dma source(%arg9 : memref<128x128xf32, #tpu.memory_space<vmem>>) target(%dma_start3A_162 : memref<10112x128xf32, #tpu.memory_space<vmem_shared>>) offsets(%dma_start3A_159 : memref<128xi32, #tpu.memory_space<vmem>>) semaphore(%run_scoped3A_156 : memref<!tpu.dma_semaphore, #tpu.memory_space<semaphore_mem>>) {add = true}
        %dma_wait3A_163 = arith.constant 0 : i32
        %dma_wait3A_164 = tpu.memref_slice %arg8[%run_scoped3A_138, %dma_wait3A_163] : memref<4x128xi32, #tpu.memory_space<vmem>> -> memref<1x128xi32, #tpu.memory_space<vmem>>
        %dma_wait3A_165 = tpu.memref_squeeze %dma_wait3A_164 : memref<1x128xi32, #tpu.memory_space<vmem>> -> memref<128xi32, #tpu.memory_space<vmem>>
        %dma_wait3A_166 = arith.constant 0 : i32
        %dma_wait3A_167 = arith.constant 0 : i32
        %dma_wait3A_168 = tpu.memref_slice %arg11[%dma_wait3A_166, %dma_wait3A_167] : memref<10112x128xf32, #tpu.memory_space<vmem_shared>> -> memref<10112x128xf32, #tpu.memory_space<vmem_shared>>
        tpu.wait_indirect_dma semaphore(%run_scoped3A_156 : memref<!tpu.dma_semaphore, #tpu.memory_space<semaphore_mem>>) src(%arg9 : memref<128x128xf32, #tpu.memory_space<vmem>>) dst(%dma_wait3A_168 : memref<10112x128xf32, #tpu.memory_space<vmem_shared>>)
        tpu.yield
      }) : () -> ()
      %dma_wait3A_139 = arith.constant 0 : i32
      %dma_wait3A_140 = arith.constant 0 : i32
      %dma_wait3A_141 = tpu.memref_slice %arg10[%dma_wait3A_139, %dma_wait3A_140] : memref<128x128xf32, #tpu.memory_space<vmem>> -> memref<64x128xf32, #tpu.memory_space<vmem>>
      %dma_wait3A_142 = arith.constant 384 : i32
      %dma_wait3A_143 = tpu.memref_slice %arg7[%dma_wait3A_142] : memref<512xi32, #tpu.memory_space<vmem>> -> memref<64xi32, #tpu.memory_space<vmem>>
      %dma_wait3A_144 = arith.constant 0 : i32
      %dma_wait3A_145 = arith.constant 0 : i32
      %dma_wait3A_146 = tpu.memref_slice %arg4[%dma_wait3A_144, %dma_wait3A_145] : memref<10000x128xf32, #tpu.memory_space<hbm>> -> memref<10000x128xf32, #tpu.memory_space<hbm>>
      tpu.wait_indirect_dma semaphore(%arg13 : memref<!tpu.dma_semaphore, #tpu.memory_space<semaphore_mem>>) src(%dma_wait3A_146 : memref<10000x128xf32, #tpu.memory_space<hbm>>) dst(%dma_wait3A_141 : memref<64x128xf32, #tpu.memory_space<vmem>>)
      %dma_wait3A_147 = arith.constant 64 : i32
      %dma_wait3A_148 = arith.constant 0 : i32
      %dma_wait3A_149 = tpu.memref_slice %arg10[%dma_wait3A_147, %dma_wait3A_148] : memref<128x128xf32, #tpu.memory_space<vmem>> -> memref<64x128xf32, #tpu.memory_space<vmem>>
      %dma_wait3A_150 = arith.constant 448 : i32
      %dma_wait3A_151 = tpu.memref_slice %arg7[%dma_wait3A_150] : memref<512xi32, #tpu.memory_space<vmem>> -> memref<64xi32, #tpu.memory_space<vmem>>
      %dma_wait3A_152 = arith.constant 0 : i32
      %dma_wait3A_153 = arith.constant 0 : i32
      %dma_wait3A_154 = tpu.memref_slice %arg4[%dma_wait3A_152, %dma_wait3A_153] : memref<10000x128xf32, #tpu.memory_space<hbm>> -> memref<10000x128xf32, #tpu.memory_space<hbm>>
      tpu.wait_indirect_dma semaphore(%arg13 : memref<!tpu.dma_semaphore, #tpu.memory_space<semaphore_mem>>) src(%dma_wait3A_154 : memref<10000x128xf32, #tpu.memory_space<hbm>>) dst(%dma_wait3A_149 : memref<64x128xf32, #tpu.memory_space<vmem>>)
      %run_scoped3A_155 = arith.constant 3 : i32
      "tpu.region"() ({
        %run_scoped3A_156 = tpu.sem_alloc : memref<!tpu.dma_semaphore, #tpu.memory_space<semaphore_mem>>
        %dma_start3A_157 = arith.constant 0 : i32
        %dma_start3A_158 = tpu.memref_slice %arg8[%run_scoped3A_155, %dma_start3A_157] : memref<4x128xi32, #tpu.memory_space<vmem>> -> memref<1x128xi32, #tpu.memory_space<vmem>>
        %dma_start3A_159 = tpu.memref_squeeze %dma_start3A_158 : memref<1x128xi32, #tpu.memory_space<vmem>> -> memref<128xi32, #tpu.memory_space<vmem>>
        %dma_start3A_160 = arith.constant 0 : i32
        %dma_start3A_161 = arith.constant 0 : i32
        %dma_start3A_162 = tpu.memref_slice %arg11[%dma_start3A_160, %dma_start3A_161] : memref<10112x128xf32, #tpu.memory_space<vmem_shared>> -> memref<10112x128xf32, #tpu.memory_space<vmem_shared>>
        tpu.enqueue_indirect_dma source(%arg10 : memref<128x128xf32, #tpu.memory_space<vmem>>) target(%dma_start3A_162 : memref<10112x128xf32, #tpu.memory_space<vmem_shared>>) offsets(%dma_start3A_159 : memref<128xi32, #tpu.memory_space<vmem>>) semaphore(%run_scoped3A_156 : memref<!tpu.dma_semaphore, #tpu.memory_space<semaphore_mem>>) {add = true}
        %dma_wait3A_163 = arith.constant 0 : i32
        %dma_wait3A_164 = tpu.memref_slice %arg8[%run_scoped3A_155, %dma_wait3A_163] : memref<4x128xi32, #tpu.memory_space<vmem>> -> memref<1x128xi32, #tpu.memory_space<vmem>>
        %dma_wait3A_165 = tpu.memref_squeeze %dma_wait3A_164 : memref<1x128xi32, #tpu.memory_space<vmem>> -> memref<128xi32, #tpu.memory_space<vmem>>
        %dma_wait3A_166 = arith.constant 0 : i32
        %dma_wait3A_167 = arith.constant 0 : i32
        %dma_wait3A_168 = tpu.memref_slice %arg11[%dma_wait3A_166, %dma_wait3A_167] : memref<10112x128xf32, #tpu.memory_space<vmem_shared>> -> memref<10112x128xf32, #tpu.memory_space<vmem_shared>>
        tpu.wait_indirect_dma semaphore(%run_scoped3A_156 : memref<!tpu.dma_semaphore, #tpu.memory_space<semaphore_mem>>) src(%arg10 : memref<128x128xf32, #tpu.memory_space<vmem>>) dst(%dma_wait3A_168 : memref<10112x128xf32, #tpu.memory_space<vmem_shared>>)
        tpu.yield
      }) : () -> ()
    }
    %while3A_19 = arith.constant 1 : i32
    scf.for %while3A_21 = %while3A_17 to %while3A_13 step %while3A_19  : i32 {
      %add3A_22 = arith.addi %add3A_6, %while3A_21 : i32
      %mul3A_23 = arith.constant 512 : i32
      %mul3A_24 = arith.muli %add3A_22, %mul3A_23 : i32
      "tpu.region"() ({
        %run_scoped3A_156 = tpu.sem_alloc : memref<!tpu.dma_semaphore, #tpu.memory_space<semaphore_mem>>
        %dma_start3A_157 = tpu.memref_slice %arg2[%mul3A_24] : memref<320000xi32, #tpu.memory_space<hbm>> -> memref<512xi32, #tpu.memory_space<hbm>>
        %dma_start3A_158 = tpu.memref_slice %arg2[%mul3A_24] : memref<320000xi32, #tpu.memory_space<hbm>> -> memref<512xi32, #tpu.memory_space<hbm>>
        tpu.enqueue_dma source(%dma_start3A_158 : memref<512xi32, #tpu.memory_space<hbm>>) target(%arg7 : memref<512xi32, #tpu.memory_space<vmem>>) target_semaphore(%run_scoped3A_156 : memref<!tpu.dma_semaphore, #tpu.memory_space<semaphore_mem>>)
        %dma_wait3A_159 = tpu.memref_slice %arg2[%mul3A_24] : memref<320000xi32, #tpu.memory_space<hbm>> -> memref<512xi32, #tpu.memory_space<hbm>>
        %dma_wait3A_160 = tpu.memref_slice %arg2[%mul3A_24] : memref<320000xi32, #tpu.memory_space<hbm>> -> memref<512xi32, #tpu.memory_space<hbm>>
        tpu.wait_dma2 semaphore(%run_scoped3A_156 : memref<!tpu.dma_semaphore, #tpu.memory_space<semaphore_mem>>) src(%dma_wait3A_160 : memref<512xi32, #tpu.memory_space<hbm>>) dst(%arg7 : memref<512xi32, #tpu.memory_space<vmem>>)
        tpu.yield
      }) : () -> ()
      %mul3A_25 = arith.constant 4 : i32
      %mul3A_26 = arith.muli %add3A_22, %mul3A_25 : i32
      "tpu.region"() ({
        %run_scoped3A_156 = tpu.sem_alloc : memref<!tpu.dma_semaphore, #tpu.memory_space<semaphore_mem>>
        %dma_start3A_157 = arith.constant 0 : i32
        %dma_start3A_158 = tpu.memref_slice %arg3[%mul3A_26, %dma_start3A_157] : memref<2500x128xi32, #tpu.memory_space<hbm>> -> memref<4x128xi32, #tpu.memory_space<hbm>>
        %dma_start3A_159 = arith.constant 0 : i32
        %dma_start3A_160 = tpu.memref_slice %arg3[%mul3A_26, %dma_start3A_159] : memref<2500x128xi32, #tpu.memory_space<hbm>> -> memref<4x128xi32, #tpu.memory_space<hbm>>
        tpu.enqueue_dma source(%dma_start3A_160 : memref<4x128xi32, #tpu.memory_space<hbm>>) target(%arg8 : memref<4x128xi32, #tpu.memory_space<vmem>>) target_semaphore(%run_scoped3A_156 : memref<!tpu.dma_semaphore, #tpu.memory_space<semaphore_mem>>)
        %dma_wait3A_161 = arith.constant 0 : i32
        %dma_wait3A_162 = tpu.memref_slice %arg3[%mul3A_26, %dma_wait3A_161] : memref<2500x128xi32, #tpu.memory_space<hbm>> -> memref<4x128xi32, #tpu.memory_space<hbm>>
        %dma_wait3A_163 = arith.constant 0 : i32
        %dma_wait3A_164 = tpu.memref_slice %arg3[%mul3A_26, %dma_wait3A_163] : memref<2500x128xi32, #tpu.memory_space<hbm>> -> memref<4x128xi32, #tpu.memory_space<hbm>>
        tpu.wait_dma2 semaphore(%run_scoped3A_156 : memref<!tpu.dma_semaphore, #tpu.memory_space<semaphore_mem>>) src(%dma_wait3A_164 : memref<4x128xi32, #tpu.memory_space<hbm>>) dst(%arg8 : memref<4x128xi32, #tpu.memory_space<vmem>>)
        tpu.yield
      }) : () -> ()
      %dma_start3A = arith.constant 0 : i32
      %dma_start3A_27 = arith.constant 0 : i32
      %dma_start3A_28 = tpu.memref_slice %arg9[%dma_start3A, %dma_start3A_27] : memref<128x128xf32, #tpu.memory_space<vmem>> -> memref<64x128xf32, #tpu.memory_space<vmem>>
      %dma_start3A_29 = arith.constant 0 : i32
      %dma_start3A_30 = tpu.memref_slice %arg7[%dma_start3A_29] : memref<512xi32, #tpu.memory_space<vmem>> -> memref<64xi32, #tpu.memory_space<vmem>>
      %dma_start3A_31 = arith.constant 0 : i32
      %dma_start3A_32 = arith.constant 0 : i32
      %dma_start3A_33 = tpu.memref_slice %arg4[%dma_start3A_31, %dma_start3A_32] : memref<10000x128xf32, #tpu.memory_space<hbm>> -> memref<10000x128xf32, #tpu.memory_space<hbm>>
      tpu.enqueue_indirect_dma source(%dma_start3A_33 : memref<10000x128xf32, #tpu.memory_space<hbm>>) target(%dma_start3A_28 : memref<64x128xf32, #tpu.memory_space<vmem>>) offsets(%dma_start3A_30 : memref<64xi32, #tpu.memory_space<vmem>>) semaphore(%arg12 : memref<!tpu.dma_semaphore, #tpu.memory_space<semaphore_mem>>)
      %dma_start3A_34 = arith.constant 64 : i32
      %dma_start3A_35 = arith.constant 0 : i32
      %dma_start3A_36 = tpu.memref_slice %arg9[%dma_start3A_34, %dma_start3A_35] : memref<128x128xf32, #tpu.memory_space<vmem>> -> memref<64x128xf32, #tpu.memory_space<vmem>>
      %dma_start3A_37 = arith.constant 64 : i32
      %dma_start3A_38 = tpu.memref_slice %arg7[%dma_start3A_37] : memref<512xi32, #tpu.memory_space<vmem>> -> memref<64xi32, #tpu.memory_space<vmem>>
      %dma_start3A_39 = arith.constant 0 : i32
      %dma_start3A_40 = arith.constant 0 : i32
      %dma_start3A_41 = tpu.memref_slice %arg4[%dma_start3A_39, %dma_start3A_40] : memref<10000x128xf32, #tpu.memory_space<hbm>> -> memref<10000x128xf32, #tpu.memory_space<hbm>>
      tpu.enqueue_indirect_dma source(%dma_start3A_41 : memref<10000x128xf32, #tpu.memory_space<hbm>>) target(%dma_start3A_36 : memref<64x128xf32, #tpu.memory_space<vmem>>) offsets(%dma_start3A_38 : memref<64xi32, #tpu.memory_space<vmem>>) semaphore(%arg12 : memref<!tpu.dma_semaphore, #tpu.memory_space<semaphore_mem>>)
      %dma_start3A_42 = arith.constant 0 : i32
      %dma_start3A_43 = arith.constant 0 : i32
      %dma_start3A_44 = tpu.memref_slice %arg10[%dma_start3A_42, %dma_start3A_43] : memref<128x128xf32, #tpu.memory_space<vmem>> -> memref<64x128xf32, #tpu.memory_space<vmem>>
      %dma_start3A_45 = arith.constant 128 : i32
      %dma_start3A_46 = tpu.memref_slice %arg7[%dma_start3A_45] : memref<512xi32, #tpu.memory_space<vmem>> -> memref<64xi32, #tpu.memory_space<vmem>>
      %dma_start3A_47 = arith.constant 0 : i32
      %dma_start3A_48 = arith.constant 0 : i32
      %dma_start3A_49 = tpu.memref_slice %arg4[%dma_start3A_47, %dma_start3A_48] : memref<10000x128xf32, #tpu.memory_space<hbm>> -> memref<10000x128xf32, #tpu.memory_space<hbm>>
      tpu.enqueue_indirect_dma source(%dma_start3A_49 : memref<10000x128xf32, #tpu.memory_space<hbm>>) target(%dma_start3A_44 : memref<64x128xf32, #tpu.memory_space<vmem>>) offsets(%dma_start3A_46 : memref<64xi32, #tpu.memory_space<vmem>>) semaphore(%arg13 : memref<!tpu.dma_semaphore, #tpu.memory_space<semaphore_mem>>)
      %dma_start3A_50 = arith.constant 64 : i32
      %dma_start3A_51 = arith.constant 0 : i32
      %dma_start3A_52 = tpu.memref_slice %arg10[%dma_start3A_50, %dma_start3A_51] : memref<128x128xf32, #tpu.memory_space<vmem>> -> memref<64x128xf32, #tpu.memory_space<vmem>>
      %dma_start3A_53 = arith.constant 192 : i32
      %dma_start3A_54 = tpu.memref_slice %arg7[%dma_start3A_53] : memref<512xi32, #tpu.memory_space<vmem>> -> memref<64xi32, #tpu.memory_space<vmem>>
      %dma_start3A_55 = arith.constant 0 : i32
      %dma_start3A_56 = arith.constant 0 : i32
      %dma_start3A_57 = tpu.memref_slice %arg4[%dma_start3A_55, %dma_start3A_56] : memref<10000x128xf32, #tpu.memory_space<hbm>> -> memref<10000x128xf32, #tpu.memory_space<hbm>>
      tpu.enqueue_indirect_dma source(%dma_start3A_57 : memref<10000x128xf32, #tpu.memory_space<hbm>>) target(%dma_start3A_52 : memref<64x128xf32, #tpu.memory_space<vmem>>) offsets(%dma_start3A_54 : memref<64xi32, #tpu.memory_space<vmem>>) semaphore(%arg13 : memref<!tpu.dma_semaphore, #tpu.memory_space<semaphore_mem>>)
      %dma_wait3A = arith.constant 0 : i32
      %dma_wait3A_58 = arith.constant 0 : i32
      %dma_wait3A_59 = tpu.memref_slice %arg9[%dma_wait3A, %dma_wait3A_58] : memref<128x128xf32, #tpu.memory_space<vmem>> -> memref<64x128xf32, #tpu.memory_space<vmem>>
      %dma_wait3A_60 = arith.constant 0 : i32
      %dma_wait3A_61 = tpu.memref_slice %arg7[%dma_wait3A_60] : memref<512xi32, #tpu.memory_space<vmem>> -> memref<64xi32, #tpu.memory_space<vmem>>
      %dma_wait3A_62 = arith.constant 0 : i32
      %dma_wait3A_63 = arith.constant 0 : i32
      %dma_wait3A_64 = tpu.memref_slice %arg4[%dma_wait3A_62, %dma_wait3A_63] : memref<10000x128xf32, #tpu.memory_space<hbm>> -> memref<10000x128xf32, #tpu.memory_space<hbm>>
      tpu.wait_indirect_dma semaphore(%arg12 : memref<!tpu.dma_semaphore, #tpu.memory_space<semaphore_mem>>) src(%dma_wait3A_64 : memref<10000x128xf32, #tpu.memory_space<hbm>>) dst(%dma_wait3A_59 : memref<64x128xf32, #tpu.memory_space<vmem>>)
      %dma_wait3A_65 = arith.constant 64 : i32
      %dma_wait3A_66 = arith.constant 0 : i32
      %dma_wait3A_67 = tpu.memref_slice %arg9[%dma_wait3A_65, %dma_wait3A_66] : memref<128x128xf32, #tpu.memory_space<vmem>> -> memref<64x128xf32, #tpu.memory_space<vmem>>
      %dma_wait3A_68 = arith.constant 64 : i32
      %dma_wait3A_69 = tpu.memref_slice %arg7[%dma_wait3A_68] : memref<512xi32, #tpu.memory_space<vmem>> -> memref<64xi32, #tpu.memory_space<vmem>>
      %dma_wait3A_70 = arith.constant 0 : i32
      %dma_wait3A_71 = arith.constant 0 : i32
      %dma_wait3A_72 = tpu.memref_slice %arg4[%dma_wait3A_70, %dma_wait3A_71] : memref<10000x128xf32, #tpu.memory_space<hbm>> -> memref<10000x128xf32, #tpu.memory_space<hbm>>
      tpu.wait_indirect_dma semaphore(%arg12 : memref<!tpu.dma_semaphore, #tpu.memory_space<semaphore_mem>>) src(%dma_wait3A_72 : memref<10000x128xf32, #tpu.memory_space<hbm>>) dst(%dma_wait3A_67 : memref<64x128xf32, #tpu.memory_space<vmem>>)
      %run_scoped3A = arith.constant 0 : i32
      "tpu.region"() ({
        %run_scoped3A_156 = tpu.sem_alloc : memref<!tpu.dma_semaphore, #tpu.memory_space<semaphore_mem>>
        %dma_start3A_157 = arith.constant 0 : i32
        %dma_start3A_158 = tpu.memref_slice %arg8[%run_scoped3A, %dma_start3A_157] : memref<4x128xi32, #tpu.memory_space<vmem>> -> memref<1x128xi32, #tpu.memory_space<vmem>>
        %dma_start3A_159 = tpu.memref_squeeze %dma_start3A_158 : memref<1x128xi32, #tpu.memory_space<vmem>> -> memref<128xi32, #tpu.memory_space<vmem>>
        %dma_start3A_160 = arith.constant 0 : i32
        %dma_start3A_161 = arith.constant 0 : i32
        %dma_start3A_162 = tpu.memref_slice %arg11[%dma_start3A_160, %dma_start3A_161] : memref<10112x128xf32, #tpu.memory_space<vmem_shared>> -> memref<10112x128xf32, #tpu.memory_space<vmem_shared>>
        tpu.enqueue_indirect_dma source(%arg9 : memref<128x128xf32, #tpu.memory_space<vmem>>) target(%dma_start3A_162 : memref<10112x128xf32, #tpu.memory_space<vmem_shared>>) offsets(%dma_start3A_159 : memref<128xi32, #tpu.memory_space<vmem>>) semaphore(%run_scoped3A_156 : memref<!tpu.dma_semaphore, #tpu.memory_space<semaphore_mem>>) {add = true}
        %dma_wait3A_163 = arith.constant 0 : i32
        %dma_wait3A_164 = tpu.memref_slice %arg8[%run_scoped3A, %dma_wait3A_163] : memref<4x128xi32, #tpu.memory_space<vmem>> -> memref<1x128xi32, #tpu.memory_space<vmem>>
        %dma_wait3A_165 = tpu.memref_squeeze %dma_wait3A_164 : memref<1x128xi32, #tpu.memory_space<vmem>> -> memref<128xi32, #tpu.memory_space<vmem>>
        %dma_wait3A_166 = arith.constant 0 : i32
        %dma_wait3A_167 = arith.constant 0 : i32
        %dma_wait3A_168 = tpu.memref_slice %arg11[%dma_wait3A_166, %dma_wait3A_167] : memref<10112x128xf32, #tpu.memory_space<vmem_shared>> -> memref<10112x128xf32, #tpu.memory_space<vmem_shared>>
        tpu.wait_indirect_dma semaphore(%run_scoped3A_156 : memref<!tpu.dma_semaphore, #tpu.memory_space<semaphore_mem>>) src(%arg9 : memref<128x128xf32, #tpu.memory_space<vmem>>) dst(%dma_wait3A_168 : memref<10112x128xf32, #tpu.memory_space<vmem_shared>>)
        tpu.yield
      }) : () -> ()
      %dma_start3A_73 = arith.constant 0 : i32
      %dma_start3A_74 = arith.constant 0 : i32
      %dma_start3A_75 = tpu.memref_slice %arg9[%dma_start3A_73, %dma_start3A_74] : memref<128x128xf32, #tpu.memory_space<vmem>> -> memref<64x128xf32, #tpu.memory_space<vmem>>
      %dma_start3A_76 = arith.constant 256 : i32
      %dma_start3A_77 = tpu.memref_slice %arg7[%dma_start3A_76] : memref<512xi32, #tpu.memory_space<vmem>> -> memref<64xi32, #tpu.memory_space<vmem>>
      %dma_start3A_78 = arith.constant 0 : i32
      %dma_start3A_79 = arith.constant 0 : i32
      %dma_start3A_80 = tpu.memref_slice %arg4[%dma_start3A_78, %dma_start3A_79] : memref<10000x128xf32, #tpu.memory_space<hbm>> -> memref<10000x128xf32, #tpu.memory_space<hbm>>
      tpu.enqueue_indirect_dma source(%dma_start3A_80 : memref<10000x128xf32, #tpu.memory_space<hbm>>) target(%dma_start3A_75 : memref<64x128xf32, #tpu.memory_space<vmem>>) offsets(%dma_start3A_77 : memref<64xi32, #tpu.memory_space<vmem>>) semaphore(%arg12 : memref<!tpu.dma_semaphore, #tpu.memory_space<semaphore_mem>>)
      %dma_start3A_81 = arith.constant 64 : i32
      %dma_start3A_82 = arith.constant 0 : i32
      %dma_start3A_83 = tpu.memref_slice %arg9[%dma_start3A_81, %dma_start3A_82] : memref<128x128xf32, #tpu.memory_space<vmem>> -> memref<64x128xf32, #tpu.memory_space<vmem>>
      %dma_start3A_84 = arith.constant 320 : i32
      %dma_start3A_85 = tpu.memref_slice %arg7[%dma_start3A_84] : memref<512xi32, #tpu.memory_space<vmem>> -> memref<64xi32, #tpu.memory_space<vmem>>
      %dma_start3A_86 = arith.constant 0 : i32
      %dma_start3A_87 = arith.constant 0 : i32
      %dma_start3A_88 = tpu.memref_slice %arg4[%dma_start3A_86, %dma_start3A_87] : memref<10000x128xf32, #tpu.memory_space<hbm>> -> memref<10000x128xf32, #tpu.memory_space<hbm>>
      tpu.enqueue_indirect_dma source(%dma_start3A_88 : memref<10000x128xf32, #tpu.memory_space<hbm>>) target(%dma_start3A_83 : memref<64x128xf32, #tpu.memory_space<vmem>>) offsets(%dma_start3A_85 : memref<64xi32, #tpu.memory_space<vmem>>) semaphore(%arg12 : memref<!tpu.dma_semaphore, #tpu.memory_space<semaphore_mem>>)
      %dma_wait3A_89 = arith.constant 0 : i32
      %dma_wait3A_90 = arith.constant 0 : i32
      %dma_wait3A_91 = tpu.memref_slice %arg10[%dma_wait3A_89, %dma_wait3A_90] : memref<128x128xf32, #tpu.memory_space<vmem>> -> memref<64x128xf32, #tpu.memory_space<vmem>>
      %dma_wait3A_92 = arith.constant 128 : i32
      %dma_wait3A_93 = tpu.memref_slice %arg7[%dma_wait3A_92] : memref<512xi32, #tpu.memory_space<vmem>> -> memref<64xi32, #tpu.memory_space<vmem>>
      %dma_wait3A_94 = arith.constant 0 : i32
      %dma_wait3A_95 = arith.constant 0 : i32
      %dma_wait3A_96 = tpu.memref_slice %arg4[%dma_wait3A_94, %dma_wait3A_95] : memref<10000x128xf32, #tpu.memory_space<hbm>> -> memref<10000x128xf32, #tpu.memory_space<hbm>>
      tpu.wait_indirect_dma semaphore(%arg13 : memref<!tpu.dma_semaphore, #tpu.memory_space<semaphore_mem>>) src(%dma_wait3A_96 : memref<10000x128xf32, #tpu.memory_space<hbm>>) dst(%dma_wait3A_91 : memref<64x128xf32, #tpu.memory_space<vmem>>)
      %dma_wait3A_97 = arith.constant 64 : i32
      %dma_wait3A_98 = arith.constant 0 : i32
      %dma_wait3A_99 = tpu.memref_slice %arg10[%dma_wait3A_97, %dma_wait3A_98] : memref<128x128xf32, #tpu.memory_space<vmem>> -> memref<64x128xf32, #tpu.memory_space<vmem>>
      %dma_wait3A_100 = arith.constant 192 : i32
      %dma_wait3A_101 = tpu.memref_slice %arg7[%dma_wait3A_100] : memref<512xi32, #tpu.memory_space<vmem>> -> memref<64xi32, #tpu.memory_space<vmem>>
      %dma_wait3A_102 = arith.constant 0 : i32
      %dma_wait3A_103 = arith.constant 0 : i32
      %dma_wait3A_104 = tpu.memref_slice %arg4[%dma_wait3A_102, %dma_wait3A_103] : memref<10000x128xf32, #tpu.memory_space<hbm>> -> memref<10000x128xf32, #tpu.memory_space<hbm>>
      tpu.wait_indirect_dma semaphore(%arg13 : memref<!tpu.dma_semaphore, #tpu.memory_space<semaphore_mem>>) src(%dma_wait3A_104 : memref<10000x128xf32, #tpu.memory_space<hbm>>) dst(%dma_wait3A_99 : memref<64x128xf32, #tpu.memory_space<vmem>>)
      %run_scoped3A_105 = arith.constant 1 : i32
      "tpu.region"() ({
        %run_scoped3A_156 = tpu.sem_alloc : memref<!tpu.dma_semaphore, #tpu.memory_space<semaphore_mem>>
        %dma_start3A_157 = arith.constant 0 : i32
        %dma_start3A_158 = tpu.memref_slice %arg8[%run_scoped3A_105, %dma_start3A_157] : memref<4x128xi32, #tpu.memory_space<vmem>> -> memref<1x128xi32, #tpu.memory_space<vmem>>
        %dma_start3A_159 = tpu.memref_squeeze %dma_start3A_158 : memref<1x128xi32, #tpu.memory_space<vmem>> -> memref<128xi32, #tpu.memory_space<vmem>>
        %dma_start3A_160 = arith.constant 0 : i32
        %dma_start3A_161 = arith.constant 0 : i32
        %dma_start3A_162 = tpu.memref_slice %arg11[%dma_start3A_160, %dma_start3A_161] : memref<10112x128xf32, #tpu.memory_space<vmem_shared>> -> memref<10112x128xf32, #tpu.memory_space<vmem_shared>>
        tpu.enqueue_indirect_dma source(%arg10 : memref<128x128xf32, #tpu.memory_space<vmem>>) target(%dma_start3A_162 : memref<10112x128xf32, #tpu.memory_space<vmem_shared>>) offsets(%dma_start3A_159 : memref<128xi32, #tpu.memory_space<vmem>>) semaphore(%run_scoped3A_156 : memref<!tpu.dma_semaphore, #tpu.memory_space<semaphore_mem>>) {add = true}
        %dma_wait3A_163 = arith.constant 0 : i32
        %dma_wait3A_164 = tpu.memref_slice %arg8[%run_scoped3A_105, %dma_wait3A_163] : memref<4x128xi32, #tpu.memory_space<vmem>> -> memref<1x128xi32, #tpu.memory_space<vmem>>
        %dma_wait3A_165 = tpu.memref_squeeze %dma_wait3A_164 : memref<1x128xi32, #tpu.memory_space<vmem>> -> memref<128xi32, #tpu.memory_space<vmem>>
        %dma_wait3A_166 = arith.constant 0 : i32
        %dma_wait3A_167 = arith.constant 0 : i32
        %dma_wait3A_168 = tpu.memref_slice %arg11[%dma_wait3A_166, %dma_wait3A_167] : memref<10112x128xf32, #tpu.memory_space<vmem_shared>> -> memref<10112x128xf32, #tpu.memory_space<vmem_shared>>
        tpu.wait_indirect_dma semaphore(%run_scoped3A_156 : memref<!tpu.dma_semaphore, #tpu.memory_space<semaphore_mem>>) src(%arg10 : memref<128x128xf32, #tpu.memory_space<vmem>>) dst(%dma_wait3A_168 : memref<10112x128xf32, #tpu.memory_space<vmem_shared>>)
        tpu.yield
      }) : () -> ()
      %dma_start3A_106 = arith.constant 0 : i32
      %dma_start3A_107 = arith.constant 0 : i32
      %dma_start3A_108 = tpu.memref_slice %arg10[%dma_start3A_106, %dma_start3A_107] : memref<128x128xf32, #tpu.memory_space<vmem>> -> memref<64x128xf32, #tpu.memory_space<vmem>>
      %dma_start3A_109 = arith.constant 384 : i32
      %dma_start3A_110 = tpu.memref_slice %arg7[%dma_start3A_109] : memref<512xi32, #tpu.memory_space<vmem>> -> memref<64xi32, #tpu.memory_space<vmem>>
      %dma_start3A_111 = arith.constant 0 : i32
      %dma_start3A_112 = arith.constant 0 : i32
      %dma_start3A_113 = tpu.memref_slice %arg4[%dma_start3A_111, %dma_start3A_112] : memref<10000x128xf32, #tpu.memory_space<hbm>> -> memref<10000x128xf32, #tpu.memory_space<hbm>>
      tpu.enqueue_indirect_dma source(%dma_start3A_113 : memref<10000x128xf32, #tpu.memory_space<hbm>>) target(%dma_start3A_108 : memref<64x128xf32, #tpu.memory_space<vmem>>) offsets(%dma_start3A_110 : memref<64xi32, #tpu.memory_space<vmem>>) semaphore(%arg13 : memref<!tpu.dma_semaphore, #tpu.memory_space<semaphore_mem>>)
      %dma_start3A_114 = arith.constant 64 : i32
      %dma_start3A_115 = arith.constant 0 : i32
      %dma_start3A_116 = tpu.memref_slice %arg10[%dma_start3A_114, %dma_start3A_115] : memref<128x128xf32, #tpu.memory_space<vmem>> -> memref<64x128xf32, #tpu.memory_space<vmem>>
      %dma_start3A_117 = arith.constant 448 : i32
      %dma_start3A_118 = tpu.memref_slice %arg7[%dma_start3A_117] : memref<512xi32, #tpu.memory_space<vmem>> -> memref<64xi32, #tpu.memory_space<vmem>>
      %dma_start3A_119 = arith.constant 0 : i32
      %dma_start3A_120 = arith.constant 0 : i32
      %dma_start3A_121 = tpu.memref_slice %arg4[%dma_start3A_119, %dma_start3A_120] : memref<10000x128xf32, #tpu.memory_space<hbm>> -> memref<10000x128xf32, #tpu.memory_space<hbm>>
      tpu.enqueue_indirect_dma source(%dma_start3A_121 : memref<10000x128xf32, #tpu.memory_space<hbm>>) target(%dma_start3A_116 : memref<64x128xf32, #tpu.memory_space<vmem>>) offsets(%dma_start3A_118 : memref<64xi32, #tpu.memory_space<vmem>>) semaphore(%arg13 : memref<!tpu.dma_semaphore, #tpu.memory_space<semaphore_mem>>)
      %dma_wait3A_122 = arith.constant 0 : i32
      %dma_wait3A_123 = arith.constant 0 : i32
      %dma_wait3A_124 = tpu.memref_slice %arg9[%dma_wait3A_122, %dma_wait3A_123] : memref<128x128xf32, #tpu.memory_space<vmem>> -> memref<64x128xf32, #tpu.memory_space<vmem>>
      %dma_wait3A_125 = arith.constant 256 : i32
      %dma_wait3A_126 = tpu.memref_slice %arg7[%dma_wait3A_125] : memref<512xi32, #tpu.memory_space<vmem>> -> memref<64xi32, #tpu.memory_space<vmem>>
      %dma_wait3A_127 = arith.constant 0 : i32
      %dma_wait3A_128 = arith.constant 0 : i32
      %dma_wait3A_129 = tpu.memref_slice %arg4[%dma_wait3A_127, %dma_wait3A_128] : memref<10000x128xf32, #tpu.memory_space<hbm>> -> memref<10000x128xf32, #tpu.memory_space<hbm>>
      tpu.wait_indirect_dma semaphore(%arg12 : memref<!tpu.dma_semaphore, #tpu.memory_space<semaphore_mem>>) src(%dma_wait3A_129 : memref<10000x128xf32, #tpu.memory_space<hbm>>) dst(%dma_wait3A_124 : memref<64x128xf32, #tpu.memory_space<vmem>>)
      %dma_wait3A_130 = arith.constant 64 : i32
      %dma_wait3A_131 = arith.constant 0 : i32
      %dma_wait3A_132 = tpu.memref_slice %arg9[%dma_wait3A_130, %dma_wait3A_131] : memref<128x128xf32, #tpu.memory_space<vmem>> -> memref<64x128xf32, #tpu.memory_space<vmem>>
      %dma_wait3A_133 = arith.constant 320 : i32
      %dma_wait3A_134 = tpu.memref_slice %arg7[%dma_wait3A_133] : memref<512xi32, #tpu.memory_space<vmem>> -> memref<64xi32, #tpu.memory_space<vmem>>
      %dma_wait3A_135 = arith.constant 0 : i32
      %dma_wait3A_136 = arith.constant 0 : i32
      %dma_wait3A_137 = tpu.memref_slice %arg4[%dma_wait3A_135, %dma_wait3A_136] : memref<10000x128xf32, #tpu.memory_space<hbm>> -> memref<10000x128xf32, #tpu.memory_space<hbm>>
      tpu.wait_indirect_dma semaphore(%arg12 : memref<!tpu.dma_semaphore, #tpu.memory_space<semaphore_mem>>) src(%dma_wait3A_137 : memref<10000x128xf32, #tpu.memory_space<hbm>>) dst(%dma_wait3A_132 : memref<64x128xf32, #tpu.memory_space<vmem>>)
      %run_scoped3A_138 = arith.constant 2 : i32
      "tpu.region"() ({
        %run_scoped3A_156 = tpu.sem_alloc : memref<!tpu.dma_semaphore, #tpu.memory_space<semaphore_mem>>
        %dma_start3A_157 = arith.constant 0 : i32
        %dma_start3A_158 = tpu.memref_slice %arg8[%run_scoped3A_138, %dma_start3A_157] : memref<4x128xi32, #tpu.memory_space<vmem>> -> memref<1x128xi32, #tpu.memory_space<vmem>>
        %dma_start3A_159 = tpu.memref_squeeze %dma_start3A_158 : memref<1x128xi32, #tpu.memory_space<vmem>> -> memref<128xi32, #tpu.memory_space<vmem>>
        %dma_start3A_160 = arith.constant 0 : i32
        %dma_start3A_161 = arith.constant 0 : i32
        %dma_start3A_162 = tpu.memref_slice %arg11[%dma_start3A_160, %dma_start3A_161] : memref<10112x128xf32, #tpu.memory_space<vmem_shared>> -> memref<10112x128xf32, #tpu.memory_space<vmem_shared>>
        tpu.enqueue_indirect_dma source(%arg9 : memref<128x128xf32, #tpu.memory_space<vmem>>) target(%dma_start3A_162 : memref<10112x128xf32, #tpu.memory_space<vmem_shared>>) offsets(%dma_start3A_159 : memref<128xi32, #tpu.memory_space<vmem>>) semaphore(%run_scoped3A_156 : memref<!tpu.dma_semaphore, #tpu.memory_space<semaphore_mem>>) {add = true}
        %dma_wait3A_163 = arith.constant 0 : i32
        %dma_wait3A_164 = tpu.memref_slice %arg8[%run_scoped3A_138, %dma_wait3A_163] : memref<4x128xi32, #tpu.memory_space<vmem>> -> memref<1x128xi32, #tpu.memory_space<vmem>>
        %dma_wait3A_165 = tpu.memref_squeeze %dma_wait3A_164 : memref<1x128xi32, #tpu.memory_space<vmem>> -> memref<128xi32, #tpu.memory_space<vmem>>
        %dma_wait3A_166 = arith.constant 0 : i32
        %dma_wait3A_167 = arith.constant 0 : i32
        %dma_wait3A_168 = tpu.memref_slice %arg11[%dma_wait3A_166, %dma_wait3A_167] : memref<10112x128xf32, #tpu.memory_space<vmem_shared>> -> memref<10112x128xf32, #tpu.memory_space<vmem_shared>>
        tpu.wait_indirect_dma semaphore(%run_scoped3A_156 : memref<!tpu.dma_semaphore, #tpu.memory_space<semaphore_mem>>) src(%arg9 : memref<128x128xf32, #tpu.memory_space<vmem>>) dst(%dma_wait3A_168 : memref<10112x128xf32, #tpu.memory_space<vmem_shared>>)
        tpu.yield
      }) : () -> ()
      %dma_wait3A_139 = arith.constant 0 : i32
      %dma_wait3A_140 = arith.constant 0 : i32
      %dma_wait3A_141 = tpu.memref_slice %arg10[%dma_wait3A_139, %dma_wait3A_140] : memref<128x128xf32, #tpu.memory_space<vmem>> -> memref<64x128xf32, #tpu.memory_space<vmem>>
      %dma_wait3A_142 = arith.constant 384 : i32
      %dma_wait3A_143 = tpu.memref_slice %arg7[%dma_wait3A_142] : memref<512xi32, #tpu.memory_space<vmem>> -> memref<64xi32, #tpu.memory_space<vmem>>
      %dma_wait3A_144 = arith.constant 0 : i32
      %dma_wait3A_145 = arith.constant 0 : i32
      %dma_wait3A_146 = tpu.memref_slice %arg4[%dma_wait3A_144, %dma_wait3A_145] : memref<10000x128xf32, #tpu.memory_space<hbm>> -> memref<10000x128xf32, #tpu.memory_space<hbm>>
      tpu.wait_indirect_dma semaphore(%arg13 : memref<!tpu.dma_semaphore, #tpu.memory_space<semaphore_mem>>) src(%dma_wait3A_146 : memref<10000x128xf32, #tpu.memory_space<hbm>>) dst(%dma_wait3A_141 : memref<64x128xf32, #tpu.memory_space<vmem>>)
      %dma_wait3A_147 = arith.constant 64 : i32
      %dma_wait3A_148 = arith.constant 0 : i32
      %dma_wait3A_149 = tpu.memref_slice %arg10[%dma_wait3A_147, %dma_wait3A_148] : memref<128x128xf32, #tpu.memory_space<vmem>> -> memref<64x128xf32, #tpu.memory_space<vmem>>
      %dma_wait3A_150 = arith.constant 448 : i32
      %dma_wait3A_151 = tpu.memref_slice %arg7[%dma_wait3A_150] : memref<512xi32, #tpu.memory_space<vmem>> -> memref<64xi32, #tpu.memory_space<vmem>>
      %dma_wait3A_152 = arith.constant 0 : i32
      %dma_wait3A_153 = arith.constant 0 : i32
      %dma_wait3A_154 = tpu.memref_slice %arg4[%dma_wait3A_152, %dma_wait3A_153] : memref<10000x128xf32, #tpu.memory_space<hbm>> -> memref<10000x128xf32, #tpu.memory_space<hbm>>
      tpu.wait_indirect_dma semaphore(%arg13 : memref<!tpu.dma_semaphore, #tpu.memory_space<semaphore_mem>>) src(%dma_wait3A_154 : memref<10000x128xf32, #tpu.memory_space<hbm>>) dst(%dma_wait3A_149 : memref<64x128xf32, #tpu.memory_space<vmem>>)
      %run_scoped3A_155 = arith.constant 3 : i32
      "tpu.region"() ({
        %run_scoped3A_156 = tpu.sem_alloc : memref<!tpu.dma_semaphore, #tpu.memory_space<semaphore_mem>>
        %dma_start3A_157 = arith.constant 0 : i32
        %dma_start3A_158 = tpu.memref_slice %arg8[%run_scoped3A_155, %dma_start3A_157] : memref<4x128xi32, #tpu.memory_space<vmem>> -> memref<1x128xi32, #tpu.memory_space<vmem>>
        %dma_start3A_159 = tpu.memref_squeeze %dma_start3A_158 : memref<1x128xi32, #tpu.memory_space<vmem>> -> memref<128xi32, #tpu.memory_space<vmem>>
        %dma_start3A_160 = arith.constant 0 : i32
        %dma_start3A_161 = arith.constant 0 : i32
        %dma_start3A_162 = tpu.memref_slice %arg11[%dma_start3A_160, %dma_start3A_161] : memref<10112x128xf32, #tpu.memory_space<vmem_shared>> -> memref<10112x128xf32, #tpu.memory_space<vmem_shared>>
        tpu.enqueue_indirect_dma source(%arg10 : memref<128x128xf32, #tpu.memory_space<vmem>>) target(%dma_start3A_162 : memref<10112x128xf32, #tpu.memory_space<vmem_shared>>) offsets(%dma_start3A_159 : memref<128xi32, #tpu.memory_space<vmem>>) semaphore(%run_scoped3A_156 : memref<!tpu.dma_semaphore, #tpu.memory_space<semaphore_mem>>) {add = true}
        %dma_wait3A_163 = arith.constant 0 : i32
        %dma_wait3A_164 = tpu.memref_slice %arg8[%run_scoped3A_155, %dma_wait3A_163] : memref<4x128xi32, #tpu.memory_space<vmem>> -> memref<1x128xi32, #tpu.memory_space<vmem>>
        %dma_wait3A_165 = tpu.memref_squeeze %dma_wait3A_164 : memref<1x128xi32, #tpu.memory_space<vmem>> -> memref<128xi32, #tpu.memory_space<vmem>>
        %dma_wait3A_166 = arith.constant 0 : i32
        %dma_wait3A_167 = arith.constant 0 : i32
        %dma_wait3A_168 = tpu.memref_slice %arg11[%dma_wait3A_166, %dma_wait3A_167] : memref<10112x128xf32, #tpu.memory_space<vmem_shared>> -> memref<10112x128xf32, #tpu.memory_space<vmem_shared>>
        tpu.wait_indirect_dma semaphore(%run_scoped3A_156 : memref<!tpu.dma_semaphore, #tpu.memory_space<semaphore_mem>>) src(%arg10 : memref<128x128xf32, #tpu.memory_space<vmem>>) dst(%dma_wait3A_168 : memref<10112x128xf32, #tpu.memory_space<vmem_shared>>)
        tpu.yield
      }) : () -> ()
    }
    %barrier3A_20 = arith.constant 0 : index
    tpu.barrier barrier_id(%barrier3A_20)
    "tpu.region"() ({
      %run_scoped3A = tpu.sem_alloc : memref<!tpu.dma_semaphore, #tpu.memory_space<semaphore_mem>>
      %dma_start3A = arith.constant 0 : i32
      %dma_start3A_21 = tpu.memref_slice %arg6[%arg0, %mul3A_2, %dma_start3A] : memref<2x10112x128xf32, #tpu.memory_space<hbm>> -> memref<1x632x128xf32, #tpu.memory_space<hbm>>
      %dma_start3A_22 = tpu.memref_squeeze %dma_start3A_21 : memref<1x632x128xf32, #tpu.memory_space<hbm>> -> memref<632x128xf32, #tpu.memory_space<hbm>>
      %dma_start3A_23 = arith.constant 0 : i32
      %dma_start3A_24 = tpu.memref_slice %arg11[%mul3A_2, %dma_start3A_23] : memref<10112x128xf32, #tpu.memory_space<vmem_shared>> -> memref<632x128xf32, #tpu.memory_space<vmem_shared>>
      tpu.enqueue_dma source(%dma_start3A_24 : memref<632x128xf32, #tpu.memory_space<vmem_shared>>) target(%dma_start3A_22 : memref<632x128xf32, #tpu.memory_space<hbm>>) target_semaphore(%run_scoped3A : memref<!tpu.dma_semaphore, #tpu.memory_space<semaphore_mem>>)
      %dma_wait3A = arith.constant 0 : i32
      %dma_wait3A_25 = tpu.memref_slice %arg6[%arg0, %mul3A_2, %dma_wait3A] : memref<2x10112x128xf32, #tpu.memory_space<hbm>> -> memref<1x632x128xf32, #tpu.memory_space<hbm>>
      %dma_wait3A_26 = tpu.memref_squeeze %dma_wait3A_25 : memref<1x632x128xf32, #tpu.memory_space<hbm>> -> memref<632x128xf32, #tpu.memory_space<hbm>>
      %dma_wait3A_27 = arith.constant 0 : i32
      %dma_wait3A_28 = tpu.memref_slice %arg11[%mul3A_2, %dma_wait3A_27] : memref<10112x128xf32, #tpu.memory_space<vmem_shared>> -> memref<632x128xf32, #tpu.memory_space<vmem_shared>>
      tpu.wait_dma2 semaphore(%run_scoped3A : memref<!tpu.dma_semaphore, #tpu.memory_space<semaphore_mem>>) src(%dma_wait3A_28 : memref<632x128xf32, #tpu.memory_space<vmem_shared>>) dst(%dma_wait3A_26 : memref<632x128xf32, #tpu.memory_space<hbm>>)
      tpu.yield
    }) : () -> ()
    return
  }
}

module attributes {stable_mosaic.version = 14 : i64} {
  func.func @_tc1_body(%arg0: i32, %arg1: memref<400x128xf32, #tpu.memory_space<vmem>>, %arg2: memref<128x128xf32, #tpu.memory_space<vmem>>, %arg3: memref<1x400x128xf32, #tpu.memory_space<vmem>>, %arg4: memref<1x400x128xf32, #tpu.memory_space<vmem>>, %arg5: memref<400x128xf32, #tpu.memory_space<vmem>>, %arg6: memref<400x1xf32, #tpu.memory_space<vmem>>) attributes {dimension_semantics = [#tpu.dimension_semantics<arbitrary>], iteration_bounds = array<i64: 25>, scalar_prefetch = 0 : i64, scratch_operands = 0 : i64, tpu.core_type = #tpu.core_type<tc>, window_params = [{transform_indices = @transform_0, window_bounds = array<i64: 400, 128>}, {pipeline_mode = #tpu.pipeline_mode<synchronous>, transform_indices = @transform_1, window_bounds = array<i64: 128, 128>}, {transform_indices = @transform_2, window_bounds = array<i64: 1, 400, 128>}, {transform_indices = @transform_3, window_bounds = array<i64: 1, 400, 128>}, {transform_indices = @transform_4, window_bounds = array<i64: 400, 128>}, {transform_indices = @transform_5, window_bounds = array<i64: 400, 1>}]} {
    %get3A = arith.constant 0 : index
    %get3A_0 = arith.constant 0 : index
    %get3A_1 = arith.constant 0 : index
    %get3A_2 = vector.load %arg3[%get3A, %get3A_0, %get3A_1] : memref<1x400x128xf32, #tpu.memory_space<vmem>>, vector<1x400x1xf32>
    %get3A_3 = vector.shape_cast %get3A_2 : vector<1x400x1xf32> to vector<400x1xf32>
    %get3A_4 = arith.constant 0 : index
    %get3A_5 = arith.constant 0 : index
    %get3A_6 = arith.constant 0 : index
    %get3A_7 = vector.load %arg4[%get3A_4, %get3A_5, %get3A_6] : memref<1x400x128xf32, #tpu.memory_space<vmem>>, vector<1x400x1xf32>
    %get3A_8 = vector.shape_cast %get3A_7 : vector<1x400x1xf32> to vector<400x1xf32>
    %add3A = arith.addf %get3A_3, %get3A_8 : vector<400x1xf32>
    %add3A_9 = arith.constant 1.000000e+00 : f32
    %add3A_10 = vector.broadcast %add3A_9 : f32 to vector<400x1xf32>
    %add3A_11 = arith.addf %add3A, %add3A_10 : vector<400x1xf32>
    %rsqrt3A = math.rsqrt %add3A_11 : vector<400x1xf32>
    %get3A_12 = arith.constant 0 : index
    %get3A_13 = arith.constant 0 : index
    %get3A_14 = vector.load %arg1[%get3A_12, %get3A_13] : memref<400x128xf32, #tpu.memory_space<vmem>>, vector<400x128xf32>
    %get3A_15 = arith.constant 0 : index
    %get3A_16 = arith.constant 0 : index
    %get3A_17 = vector.load %arg2[%get3A_15, %get3A_16] : memref<128x128xf32, #tpu.memory_space<vmem>>, vector<128x128xf32>
    %dot_general3A = arith.constant dense<0.000000e+00> : vector<400x128xf32>
    %dot_general3A_18 = tpu.matmul %get3A_14, %get3A_17, %dot_general3A {dimension_numbers = #tpu.dot_dimension_numbers<[1], [0], [0], [1], [0, 0, 1, 1], [], []>, transpose_lhs_hint = false} : vector<400x128xf32>, vector<128x128xf32>, vector<400x128xf32> -> vector<400x128xf32>
    %mul3A = vector.broadcast %rsqrt3A : vector<400x1xf32> to vector<400x128xf32>
    %mul3A_19 = arith.mulf %mul3A, %dot_general3A_18 : vector<400x128xf32>
    %swap3A = arith.constant 0 : index
    %swap3A_20 = arith.constant 0 : index
    %swap3A_21 = vector.load %arg5[%swap3A, %swap3A_20] : memref<400x128xf32, #tpu.memory_space<vmem>>, vector<400x128xf32>
    tpu.vector_store %arg5[%swap3A, %swap3A_20], %mul3A_19 {strides = array<i32>} : memref<400x128xf32, #tpu.memory_space<vmem>>, vector<400x128xf32>,
    %swap3A_22 = arith.constant 0 : index
    %swap3A_23 = arith.constant 0 : index
    %swap3A_24 = vector.load %arg6[%swap3A_22, %swap3A_23] : memref<400x1xf32, #tpu.memory_space<vmem>>, vector<400x1xf32>
    tpu.vector_store %arg6[%swap3A_22, %swap3A_23], %rsqrt3A {strides = array<i32>} : memref<400x1xf32, #tpu.memory_space<vmem>>, vector<400x1xf32>,
    return
  }
  func.func @transform_0(%arg0: i32) -> (i32, i32) {
    %c0_i32 = arith.constant 0 : i32
    %c0_i32_0 = arith.constant 0 : i32
    return %arg0, %c0_i32 : i32, i32
  }
  func.func @transform_1(%arg0: i32) -> (i32, i32) {
    %c0_i32 = arith.constant 0 : i32
    %c0_i32_0 = arith.constant 0 : i32
    %c0_i32_1 = arith.constant 0 : i32
    return %c0_i32, %c0_i32_0 : i32, i32
  }
  func.func @transform_2(%arg0: i32) -> (i32, i32, i32) {
    %c0_i32 = arith.constant 0 : i32
    %c0_i32_0 = arith.constant 0 : i32
    %c0_i32_1 = arith.constant 0 : i32
    return %c0_i32, %arg0, %c0_i32_0 : i32, i32, i32
  }
  func.func @transform_3(%arg0: i32) -> (i32, i32, i32) {
    %c1_i32 = arith.constant 1 : i32
    %c0_i32 = arith.constant 0 : i32
    %c0_i32_0 = arith.constant 0 : i32
    return %c1_i32, %arg0, %c0_i32 : i32, i32, i32
  }
  func.func @transform_4(%arg0: i32) -> (i32, i32) {
    %c0_i32 = arith.constant 0 : i32
    %c0_i32_0 = arith.constant 0 : i32
    return %arg0, %c0_i32 : i32, i32
  }
  func.func @transform_5(%arg0: i32) -> (i32, i32) {
    %c0_i32 = arith.constant 0 : i32
    %c0_i32_0 = arith.constant 0 : i32
    return %arg0, %c0_i32 : i32, i32
  }
}

module attributes {stable_mosaic.version = 14 : i64} {
  func.func @_tc2_body(%arg0: i32, %arg1: memref<1x400x128xf32, #tpu.memory_space<vmem>>, %arg2: memref<1x400x128xf32, #tpu.memory_space<vmem>>, %arg3: memref<400x128xf32, #tpu.memory_space<vmem>>, %arg4: memref<400x1xf32, #tpu.memory_space<vmem>>, %arg5: memref<1x128xf32, #tpu.memory_space<vmem>>, %arg6: memref<128x128xf32, #tpu.memory_space<vmem>>, %arg7: memref<400x128xf32, #tpu.memory_space<vmem>>) attributes {dimension_semantics = [#tpu.dimension_semantics<arbitrary>], iteration_bounds = array<i64: 25>, scalar_prefetch = 0 : i64, scratch_operands = 0 : i64, tpu.core_type = #tpu.core_type<tc>, window_params = [{transform_indices = @transform_0, window_bounds = array<i64: 1, 400, 128>}, {transform_indices = @transform_1, window_bounds = array<i64: 1, 400, 128>}, {transform_indices = @transform_2, window_bounds = array<i64: 400, 128>}, {transform_indices = @transform_3, window_bounds = array<i64: 400, 1>}, {pipeline_mode = #tpu.pipeline_mode<synchronous>, transform_indices = @transform_4, window_bounds = array<i64: 1, 128>}, {pipeline_mode = #tpu.pipeline_mode<synchronous>, transform_indices = @transform_5, window_bounds = array<i64: 128, 128>}, {transform_indices = @transform_6, window_bounds = array<i64: 400, 128>}]} {
    %get3A = arith.constant 0 : index
    %get3A_0 = arith.constant 0 : index
    %get3A_1 = vector.load %arg4[%get3A, %get3A_0] : memref<400x1xf32, #tpu.memory_space<vmem>>, vector<400x1xf32>
    %get3A_2 = arith.constant 0 : index
    %get3A_3 = arith.constant 0 : index
    %get3A_4 = arith.constant 0 : index
    %get3A_5 = vector.load %arg1[%get3A_2, %get3A_3, %get3A_4] : memref<1x400x128xf32, #tpu.memory_space<vmem>>, vector<1x400x128xf32>
    %get3A_6 = vector.shape_cast %get3A_5 : vector<1x400x128xf32> to vector<400x128xf32>
    %get3A_7 = arith.constant 0 : index
    %get3A_8 = arith.constant 0 : index
    %get3A_9 = arith.constant 0 : index
    %get3A_10 = vector.load %arg2[%get3A_7, %get3A_8, %get3A_9] : memref<1x400x128xf32, #tpu.memory_space<vmem>>, vector<1x400x128xf32>
    %get3A_11 = vector.shape_cast %get3A_10 : vector<1x400x128xf32> to vector<400x128xf32>
    %add3A = arith.addf %get3A_6, %get3A_11 : vector<400x128xf32>
    %get3A_12 = arith.constant 0 : index
    %get3A_13 = arith.constant 0 : index
    %get3A_14 = vector.load %arg3[%get3A_12, %get3A_13] : memref<400x128xf32, #tpu.memory_space<vmem>>, vector<400x128xf32>
    %add3A_15 = arith.addf %add3A, %get3A_14 : vector<400x128xf32>
    %mul3A = vector.broadcast %get3A_1 : vector<400x1xf32> to vector<400x128xf32>
    %mul3A_16 = arith.mulf %mul3A, %add3A_15 : vector<400x128xf32>
    %get3A_17 = arith.constant 0 : index
    %get3A_18 = arith.constant 0 : index
    %get3A_19 = vector.load %arg5[%get3A_17, %get3A_18] : memref<1x128xf32, #tpu.memory_space<vmem>>, vector<1x128xf32>
    %add3A_20 = vector.broadcast %get3A_19 : vector<1x128xf32> to vector<400x128xf32>
    %add3A_21 = arith.addf %mul3A_16, %add3A_20 : vector<400x128xf32>
    %get3A_22 = arith.constant 0 : index
    %get3A_23 = arith.constant 0 : index
    %get3A_24 = vector.load %arg6[%get3A_22, %get3A_23] : memref<128x128xf32, #tpu.memory_space<vmem>>, vector<128x128xf32>
    %dot_general3A = arith.constant dense<0.000000e+00> : vector<400x128xf32>
    %dot_general3A_25 = tpu.matmul %add3A_21, %get3A_24, %dot_general3A {dimension_numbers = #tpu.dot_dimension_numbers<[1], [0], [0], [1], [0, 0, 1, 1], [], []>, transpose_lhs_hint = false} : vector<400x128xf32>, vector<128x128xf32>, vector<400x128xf32> -> vector<400x128xf32>
    %get3A_26 = arith.constant 0 : index
    %get3A_27 = arith.constant 0 : index
    %get3A_28 = vector.load %arg4[%get3A_26, %get3A_27] : memref<400x1xf32, #tpu.memory_space<vmem>>, vector<400x1xf32>
    %mul3A_29 = vector.broadcast %get3A_28 : vector<400x1xf32> to vector<400x128xf32>
    %mul3A_30 = arith.mulf %mul3A_29, %dot_general3A_25 : vector<400x128xf32>
    %swap3A = arith.constant 0 : index
    %swap3A_31 = arith.constant 0 : index
    %swap3A_32 = vector.load %arg7[%swap3A, %swap3A_31] : memref<400x128xf32, #tpu.memory_space<vmem>>, vector<400x128xf32>
    tpu.vector_store %arg7[%swap3A, %swap3A_31], %mul3A_30 {strides = array<i32>} : memref<400x128xf32, #tpu.memory_space<vmem>>, vector<400x128xf32>,
    return
  }
  func.func @transform_0(%arg0: i32) -> (i32, i32, i32) {
    %c0_i32 = arith.constant 0 : i32
    %c0_i32_0 = arith.constant 0 : i32
    %c0_i32_1 = arith.constant 0 : i32
    return %c0_i32, %arg0, %c0_i32_0 : i32, i32, i32
  }
  func.func @transform_1(%arg0: i32) -> (i32, i32, i32) {
    %c1_i32 = arith.constant 1 : i32
    %c0_i32 = arith.constant 0 : i32
    %c0_i32_0 = arith.constant 0 : i32
    return %c1_i32, %arg0, %c0_i32 : i32, i32, i32
  }
  func.func @transform_2(%arg0: i32) -> (i32, i32) {
    %c0_i32 = arith.constant 0 : i32
    %c0_i32_0 = arith.constant 0 : i32
    return %arg0, %c0_i32 : i32, i32
  }
  func.func @transform_3(%arg0: i32) -> (i32, i32) {
    %c0_i32 = arith.constant 0 : i32
    %c0_i32_0 = arith.constant 0 : i32
    return %arg0, %c0_i32 : i32, i32
  }
  func.func @transform_4(%arg0: i32) -> (i32, i32) {
    %c0_i32 = arith.constant 0 : i32
    %c0_i32_0 = arith.constant 0 : i32
    %c0_i32_1 = arith.constant 0 : i32
    return %c0_i32, %c0_i32_0 : i32, i32
  }
  func.func @transform_5(%arg0: i32) -> (i32, i32) {
    %c0_i32 = arith.constant 0 : i32
    %c0_i32_0 = arith.constant 0 : i32
    %c0_i32_1 = arith.constant 0 : i32
    return %c0_i32, %c0_i32_0 : i32, i32
  }
  func.func @transform_6(%arg0: i32) -> (i32, i32) {
    %c0_i32 = arith.constant 0 : i32
    %c0_i32_0 = arith.constant 0 : i32
    return %arg0, %c0_i32 : i32, i32
  }
}

module attributes {stable_mosaic.version = 14 : i64} {
  func.func @_tc3_body(%arg0: i32, %arg1: memref<1x400x128xf32, #tpu.memory_space<vmem>>, %arg2: memref<1x400x128xf32, #tpu.memory_space<vmem>>, %arg3: memref<400x128xf32, #tpu.memory_space<vmem>>, %arg4: memref<400x1xf32, #tpu.memory_space<vmem>>, %arg5: memref<1x128xf32, #tpu.memory_space<vmem>>, %arg6: memref<128x40xf32, #tpu.memory_space<vmem>>, %arg7: memref<1x40xf32, #tpu.memory_space<vmem>>, %arg8: memref<400x40xf32, #tpu.memory_space<vmem>>) attributes {dimension_semantics = [#tpu.dimension_semantics<arbitrary>], iteration_bounds = array<i64: 25>, scalar_prefetch = 0 : i64, scratch_operands = 0 : i64, tpu.core_type = #tpu.core_type<tc>, window_params = [{transform_indices = @transform_0, window_bounds = array<i64: 1, 400, 128>}, {transform_indices = @transform_1, window_bounds = array<i64: 1, 400, 128>}, {transform_indices = @transform_2, window_bounds = array<i64: 400, 128>}, {transform_indices = @transform_3, window_bounds = array<i64: 400, 1>}, {pipeline_mode = #tpu.pipeline_mode<synchronous>, transform_indices = @transform_4, window_bounds = array<i64: 1, 128>}, {pipeline_mode = #tpu.pipeline_mode<synchronous>, transform_indices = @transform_5, window_bounds = array<i64: 128, 40>}, {pipeline_mode = #tpu.pipeline_mode<synchronous>, transform_indices = @transform_6, window_bounds = array<i64: 1, 40>}, {transform_indices = @transform_7, window_bounds = array<i64: 400, 40>}]} {
    %get3A = arith.constant 0 : index
    %get3A_0 = arith.constant 0 : index
    %get3A_1 = vector.load %arg4[%get3A, %get3A_0] : memref<400x1xf32, #tpu.memory_space<vmem>>, vector<400x1xf32>
    %get3A_2 = arith.constant 0 : index
    %get3A_3 = arith.constant 0 : index
    %get3A_4 = arith.constant 0 : index
    %get3A_5 = vector.load %arg1[%get3A_2, %get3A_3, %get3A_4] : memref<1x400x128xf32, #tpu.memory_space<vmem>>, vector<1x400x128xf32>
    %get3A_6 = vector.shape_cast %get3A_5 : vector<1x400x128xf32> to vector<400x128xf32>
    %get3A_7 = arith.constant 0 : index
    %get3A_8 = arith.constant 0 : index
    %get3A_9 = arith.constant 0 : index
    %get3A_10 = vector.load %arg2[%get3A_7, %get3A_8, %get3A_9] : memref<1x400x128xf32, #tpu.memory_space<vmem>>, vector<1x400x128xf32>
    %get3A_11 = vector.shape_cast %get3A_10 : vector<1x400x128xf32> to vector<400x128xf32>
    %add3A = arith.addf %get3A_6, %get3A_11 : vector<400x128xf32>
    %get3A_12 = arith.constant 0 : index
    %get3A_13 = arith.constant 0 : index
    %get3A_14 = vector.load %arg3[%get3A_12, %get3A_13] : memref<400x128xf32, #tpu.memory_space<vmem>>, vector<400x128xf32>
    %add3A_15 = arith.addf %add3A, %get3A_14 : vector<400x128xf32>
    %mul3A = vector.broadcast %get3A_1 : vector<400x1xf32> to vector<400x128xf32>
    %mul3A_16 = arith.mulf %mul3A, %add3A_15 : vector<400x128xf32>
    %get3A_17 = arith.constant 0 : index
    %get3A_18 = arith.constant 0 : index
    %get3A_19 = vector.load %arg5[%get3A_17, %get3A_18] : memref<1x128xf32, #tpu.memory_space<vmem>>, vector<1x128xf32>
    %add3A_20 = vector.broadcast %get3A_19 : vector<1x128xf32> to vector<400x128xf32>
    %add3A_21 = arith.addf %mul3A_16, %add3A_20 : vector<400x128xf32>
    %max3A = arith.constant 0.000000e+00 : f32
    %max3A_22 = vector.broadcast %max3A : f32 to vector<400x128xf32>
    %max3A_23 = arith.maximumf %add3A_21, %max3A_22 : vector<400x128xf32>
    %get3A_24 = arith.constant 0 : index
    %get3A_25 = arith.constant 0 : index
    %get3A_26 = vector.load %arg6[%get3A_24, %get3A_25] : memref<128x40xf32, #tpu.memory_space<vmem>>, vector<128x40xf32>
    %dot_general3A = arith.constant dense<0.000000e+00> : vector<400x40xf32>
    %dot_general3A_27 = tpu.matmul %max3A_23, %get3A_26, %dot_general3A {dimension_numbers = #tpu.dot_dimension_numbers<[1], [0], [0], [1], [0, 0, 1, 1], [], []>, transpose_lhs_hint = false} : vector<400x128xf32>, vector<128x40xf32>, vector<400x40xf32> -> vector<400x40xf32>
    %get3A_28 = arith.constant 0 : index
    %get3A_29 = arith.constant 0 : index
    %get3A_30 = vector.load %arg7[%get3A_28, %get3A_29] : memref<1x40xf32, #tpu.memory_space<vmem>>, vector<1x40xf32>
    %add3A_31 = vector.broadcast %get3A_30 : vector<1x40xf32> to vector<400x40xf32>
    %add3A_32 = arith.addf %dot_general3A_27, %add3A_31 : vector<400x40xf32>
    %reduce_max3A = arith.constant dense<0xFF800000> : vector<400xf32>
    %reduce_max3A_33 = vector.multi_reduction <maximumf>, %add3A_32, %reduce_max3A [1] : vector<400x40xf32> to vector<400xf32>
    %broadcast_in_dim3A = vector.shape_cast %reduce_max3A_33 : vector<400xf32> to vector<400x1xf32>
    %sub3A = vector.broadcast %broadcast_in_dim3A : vector<400x1xf32> to vector<400x40xf32>
    %sub3A_34 = arith.subf %add3A_32, %sub3A : vector<400x40xf32>
    %exp3A = math.exp %sub3A_34 : vector<400x40xf32>
    %reduce_sum3A = arith.constant dense<0.000000e+00> : vector<400xf32>
    %reduce_sum3A_35 = vector.multi_reduction <add>, %exp3A, %reduce_sum3A [1] : vector<400x40xf32> to vector<400xf32>
    %broadcast_in_dim3A_36 = vector.shape_cast %reduce_sum3A_35 : vector<400xf32> to vector<400x1xf32>
    %log3A = math.log %broadcast_in_dim3A_36 : vector<400x1xf32>
    %add3A_37 = arith.addf %log3A, %broadcast_in_dim3A : vector<400x1xf32>
    %sub3A_38 = vector.broadcast %add3A_37 : vector<400x1xf32> to vector<400x40xf32>
    %sub3A_39 = arith.subf %add3A_32, %sub3A_38 : vector<400x40xf32>
    %swap3A = arith.constant 0 : index
    %swap3A_40 = arith.constant 0 : index
    %swap3A_41 = vector.load %arg8[%swap3A, %swap3A_40] : memref<400x40xf32, #tpu.memory_space<vmem>>, vector<400x40xf32>
    tpu.vector_store %arg8[%swap3A, %swap3A_40], %sub3A_39 {strides = array<i32>} : memref<400x40xf32, #tpu.memory_space<vmem>>, vector<400x40xf32>,
    return
  }
  func.func @transform_0(%arg0: i32) -> (i32, i32, i32) {
    %c0_i32 = arith.constant 0 : i32
    %c0_i32_0 = arith.constant 0 : i32
    %c0_i32_1 = arith.constant 0 : i32
    return %c0_i32, %arg0, %c0_i32_0 : i32, i32, i32
  }
  func.func @transform_1(%arg0: i32) -> (i32, i32, i32) {
    %c1_i32 = arith.constant 1 : i32
    %c0_i32 = arith.constant 0 : i32
    %c0_i32_0 = arith.constant 0 : i32
    return %c1_i32, %arg0, %c0_i32 : i32, i32, i32
  }
  func.func @transform_2(%arg0: i32) -> (i32, i32) {
    %c0_i32 = arith.constant 0 : i32
    %c0_i32_0 = arith.constant 0 : i32
    return %arg0, %c0_i32 : i32, i32
  }
  func.func @transform_3(%arg0: i32) -> (i32, i32) {
    %c0_i32 = arith.constant 0 : i32
    %c0_i32_0 = arith.constant 0 : i32
    return %arg0, %c0_i32 : i32, i32
  }
  func.func @transform_4(%arg0: i32) -> (i32, i32) {
    %c0_i32 = arith.constant 0 : i32
    %c0_i32_0 = arith.constant 0 : i32
    %c0_i32_1 = arith.constant 0 : i32
    return %c0_i32, %c0_i32_0 : i32, i32
  }
  func.func @transform_5(%arg0: i32) -> (i32, i32) {
    %c0_i32 = arith.constant 0 : i32
    %c0_i32_0 = arith.constant 0 : i32
    %c0_i32_1 = arith.constant 0 : i32
    return %c0_i32, %c0_i32_0 : i32, i32
  }
  func.func @transform_6(%arg0: i32) -> (i32, i32) {
    %c0_i32 = arith.constant 0 : i32
    %c0_i32_0 = arith.constant 0 : i32
    %c0_i32_1 = arith.constant 0 : i32
    return %c0_i32, %c0_i32_0 : i32, i32
  }
  func.func @transform_7(%arg0: i32) -> (i32, i32) {
    %c0_i32 = arith.constant 0 : i32
    %c0_i32_0 = arith.constant 0 : i32
    return %arg0, %c0_i32 : i32, i32
  }
}

</mosaic_0001>

<sc_bundles>
// kernel: kernel.11.cloned.1.call-start
scs
__scs_entry_jumppad:
0x0: {  	(pc) =	sbr.rel $0x88, $3  }
0x1: {  	(tag) =	ssettag $0x0;
	lr =	simm.s32 $0x1  }
0x2: {  	[smem:$0x3F99] =	sst lr;
	_ =	strace $0xD0000000  }
0x3: {  	_ = 	snop  }
0x4: {  	_ = 	snop  }
0x5: {  	_ = 	snop  }
0x6: {  	_ = 	snop  }
0x7: {  	_ = 	snop  }
__scs_overlays_trampoline_lowered:
0x8: {  	[smem:$0x3FA8] =	sst s0  }
0x9: {  	[smem:$0x3FA9] =	sst s1  }
0xa: {  	[smem:$0x3FAA] =	sst s2  }
0xb: {  	[smem:$0x3FAB] =	sst s3  }
0xc: {  	[smem:$0x3FAC] =	sst s4  }
0xd: {  	[smem:$0x3FAD] =	sst s5  }
0xe: {  	[smem:$0x3FAE] =	sst s6  }
0xf: {  	[smem:$0x3FAF] =	sst s7  }
0x10: {  	[smem:$0x3FB0] =	sst s8  }
0x11: {  	[smem:$0x3FB1] =	sst s9;
	s0 =	simm.s32 @!p0 $0x0  }
0x12: {  	s1 =	sld [smem:$0x3F97];
	s0 =	simm.s32 @p0 $0x1  }
0x13: {  	[smem:$0x3FB2] =	sst s0;
	s0 =	simm.s32 @!p1 $0x0  }
0x14: {  	s2 =	sld [smem:$0x3F96];
	s0 =	simm.s32 @p1 $0x1  }
0x15: {  	[smem:$0x3FB3] =	sst s0;
	s0 =	simm.s32 @!p2 $0x0  }
0x16: {  	s3 =	sld [smem:$0x3FDB];
	s0 =	simm.s32 @p2 $0x1  }
0x17: {  	s4 =	simm.s32 $0x1BF5;
	[smem:$0x3FB5] =	sst s0  }
0x18: {  	s0 =	sld [smem:$0x3F98];
	_ =	swait.ge [sflag:s4], $0x0  }
0x19: {  	s7 =	sld [smem:$0x3F99]  }
0x1a: {  	s8 =	sadd.s32 $0xFFFFE003, lr  }
0x1b: {  	s9 =	sadd.s32 $0xFFFFFEF7, lr;
	s5 =	simm.s32 $0xFFFFFFFF;
	p2 =	slt.u32 s8, $0xFFFFF086  }
0x1c: {  	p1 =	slt.u32 s9, $0xF7A;
	s5 =	simm.s32 @!p2 $0x0  }
0x1d: {  	s5 =	simm.s32 @p1 $0x1;
	p0 =	seq.s32 s7, s2  }
0x1e: {  	s7 =	smul.u32 @!p0 $0xF7A, s2;
	p2 =	seq.s32 @!p0 s5, $0x0  }
0x1f: {  	s9 =	smul.u32 $0xF7A, s1;
	s8 =	simm.s32 @!p0 $0x1BF5;
	p2 =	por !p2, p0  }
0x20: {  	[sflag:s8] =	ssyncset.s32 @!p0 $0xFFFFF086;
	s6 =	sadd.s32 @!p0 s3, s7;
	s7 =	simm.s32 @!p0 $0x108  }
0x21: {  	s3 =	sadd.s32 s3, s9;
	s6 =	sadd.s32 @!p0 $0x88, s6;
	s7 =	simm.s32 @p2 $0x1082  }
0x22: {  	[simem:s7], [sflag:s8] =	dma.local @!p0 [hbm:s6], $0xF7A  }
0x23: {  	s9 =	sor.u32 $0xD0000000, s2;
	s6 =	simm.s32 $0x108;
	_ =	swait.ge @!p0 [sflag:s8], $0x0  }
0x24: {  	s3 =	sadd.s32 $0x88, s3;
	s6 =	simm.s32 @!p1 $0x1082;
	[sflag:s4] =	ssyncset.s32 $0xFFFFF086  }
0x25: {  	[simem:s6], [sflag:s4] =	dma.local [hbm:s3], $0xF7A  }
0x26: {  	[smem:$0x3F99] =	sst s1;
	(tag) =	ssettag s2;
	_ =	strace s9  }
0x27: {  	s1 =	sld [smem:$0x3FA9]  }
0x28: {  	s2 =	sld [smem:$0x3FAA]  }
0x29: {  	s4 =	sld [smem:$0x3FAC]  }
0x2a: {  	p0 =	seq.s32 s5, $0x0;
	s5 =	sld [smem:$0x3FAD]  }
0x2b: {  	s6 =	sld [smem:$0x3FAE]  }
0x2c: {  	s7 =	sld [smem:$0x3FAF]  }
0x2d: {  	s3 =	simm.s32 $0x108;
	s8 =	sld [smem:$0x3FB0]  }
0x2e: {  	s3 =	simm.s32 @!p0 $0x1082;
	s9 =	sld [smem:$0x3FB1]  }
0x2f: {  	lr =	sadd.s32 s0, s3;
	s0 =	sld [smem:$0x3FA8]  }
0x30: {  	s3 =	sld [smem:$0x3FAB]  }
0x31: {  	[smem:$0x3FB4] =	sst s10  }
0x32: {  	s10 =	sld [smem:$0x3FB2];
	_ =	sdelay $0x3  }
0x33: {  	p0 =	seq.s32 s10, $0x1;
	s10 =	sld [smem:$0x3FB4];
	_ =	sdelay $0x3  }
0x34: {  	[smem:$0x3FB4] =	sst s10  }
0x35: {  	s10 =	sld [smem:$0x3FB3];
	_ =	sdelay $0x3  }
0x36: {  	p1 =	seq.s32 s10, $0x1;
	s10 =	sld [smem:$0x3FB4];
	_ =	sdelay $0x3  }
0x37: {  	[smem:$0x3FB4] =	sst s10  }
0x38: {  	s10 =	sld [smem:$0x3FB5]  }
0x39: {  	_ = 	snop;
	(pc) =	sbr.ind lr, $3  }
0x3a: {  	_ = 	snop  }
0x3b: {  	_ = 	snop  }
0x3c: {  	p2 =	seq.s32 s10, $0x1;
	s10 =	sld [smem:$0x3FB4]  }
0x3d: {  	_ =	shalt  }
0x3e: {  	_ =	shalt  }
0x3f: {  	_ =	shalt  }
0x40: {  	_ =	shalt  }
0x41: {  	_ =	shalt  }
0x42: {  	_ =	shalt  }
0x43: {  	_ =	shalt  }
0x44: {  	_ =	shalt  }
0x45: {  	_ =	shalt  }
0x46: {  	_ =	shalt  }
0x47: {  	_ =	shalt  }
0x48: {  	_ =	shalt  }
0x49: {  	_ =	shalt  }
0x4a: {  	_ =	shalt  }
0x4b: {  	_ =	shalt  }
0x4c: {  	_ =	shalt  }
0x4d: {  	_ =	shalt  }
0x4e: {  	_ =	shalt  }
0x4f: {  	_ =	shalt  }
0x50: {  	_ =	shalt  }
0x51: {  	_ =	shalt  }
0x52: {  	_ =	shalt  }
0x53: {  	_ =	shalt  }
0x54: {  	_ =	shalt  }
0x55: {  	_ =	shalt  }
0x56: {  	_ =	shalt  }
0x57: {  	_ =	shalt  }
0x58: {  	_ =	shalt  }
0x59: {  	_ =	shalt  }
0x5a: {  	_ =	shalt  }
0x5b: {  	_ =	shalt  }
0x5c: {  	_ =	shalt  }
0x5d: {  	_ =	shalt  }
0x5e: {  	_ =	shalt  }
0x5f: {  	_ =	shalt  }
0x60: {  	_ =	shalt  }
0x61: {  	_ =	shalt  }
0x62: {  	_ =	shalt  }
0x63: {  	_ =	shalt  }
0x64: {  	_ =	shalt  }
0x65: {  	_ =	shalt  }
0x66: {  	_ =	shalt  }
0x67: {  	_ =	shalt  }
0x68: {  	_ =	shalt  }
0x69: {  	_ =	shalt  }
0x6a: {  	_ =	shalt  }
0x6b: {  	_ =	shalt  }
0x6c: {  	_ =	shalt  }
0x6d: {  	_ =	shalt  }
0x6e: {  	_ =	shalt  }
0x6f: {  	_ =	shalt  }
0x70: {  	_ =	shalt  }
0x71: {  	_ =	shalt  }
0x72: {  	_ =	shalt  }
0x73: {  	_ =	shalt  }
0x74: {  	_ =	shalt  }
0x75: {  	_ =	shalt  }
0x76: {  	_ =	shalt  }
0x77: {  	_ =	shalt  }
0x78: {  	_ =	shalt  }
0x79: {  	_ =	shalt  }
0x7a: {  	_ =	shalt  }
0x7b: {  	_ =	shalt  }
0x7c: {  	_ =	shalt  }
0x7d: {  	_ =	shalt  }
0x7e: {  	_ =	shalt  }
0x7f: {  	_ =	shalt  }
0x80: {  	_ =	shalt  }
0x81: {  	_ =	shalt  }
0x82: {  	_ =	shalt  }
0x83: {  	_ =	shalt  }
0x84: {  	_ =	shalt  }
0x85: {  	_ =	shalt  }
0x86: {  	_ =	shalt  }
0x87: {  	_ =	shalt  }
.Lfunc_end0:
.L_simem_size_0:
called_computation.1_lowered:
.L_overlay_start_0:
0x88: {  	s2 =	sld [smem:$0x3FD9]  }
0x89: {  	s3 =	sld [smem:$0x3FFE];
	_ =	sdelay $0x1  }
0x8a: {  	s1 =	srdreg.scid  }
0x8b: {  	s0 =	sand.u32 $0x1, s1  }
0x8c: {  	s17 =	sshll.u32 s0, $0xA;
	s2 =	sadd.s32 s3, s2  }
0x8d: {  	s2 =	sadd.s32 s2, s17  }
0x8e: {  	[smem:$0x3FC0] =	sst s2  }
0x8f: {  	_ = 	snop  }
0x90: {  	s2 =	sld [smem:$0x3FD0];
	(tm) =	ssettm $0x1  }
0x91: {  	s18 =	sld [smem:$0x3FFB];
	_ =	sdelay $0x3  }
0x92: {  	_ =	strace s18  }
0x93: {  	s3 =	sld [smem:$0x3FFC];
	_ =	sdelay $0x3  }
0x94: {  	_ =	strace s3  }
0x95: {  	s3 =	sld [smem:$0x3FFD];
	_ =	sdelay $0x3  }
0x96: {  	_ =	strace s3  }
0x97: {  	_ =	strace $0x8FFFFFFF  }
0x98: {  	s19 =	sld [smem:$0x3FDB];
	_ =	sdelay $0x1  }
0x99: {  	s4 =	simm.s32 $_scs_section_size  }
0x9a: {  	s5 =	simm.s32 $_size__tile_overlayer_lowered;
	s6 =	simm.s32 $_tile_overlayer_lowered  }
0x9b: {  	s22 =	simm.s32 $0x1BFF;
	s21 =	sshll.u32 s6, $0x1;
	s3 =	sadd.s32 s4, s19  }
0x9c: {  	s7 =	simm.s32 $0x0;
	s20 =	sshll.u32 s5, $0x1;
	s5 =	sadd.s32 s21, s3  }
0x9d: {  	[timem:s7], [sflag:s22] =	dma.local [hbm:s5], s20  }
0x9e: {  	_ =	swait.ge [sflag:s22], s20  }
0x9f: {  	s4 =	ssub.s32 $0x0, s20;
	[sflag:s22] =	ssyncset.done $0x0  }
0xa0: {  	[sflag:s22] =	ssyncadd.s32 s4;
	_ =	sdelay $0x1  }
0xa1: {  	s23 =	simm.s32 $0x1B8B  }
0xa2: {  	_ =	swait.ge [sflag:s23], $0x1  }
0xa3: {  	[sflag:s23] =	ssyncset.done $0x0  }
0xa4: {  	s25 =	simm.s32 $0x1B8E;
	s24 =	sld [smem:$0x3FFE];
	[sflag:s23] =	ssyncadd.s32 $0xFFFFFFFF  }
0xa5: {  	s26 =	simm.s32 $execute0_lowered;
	[smem:$0x3FD2] =	sst s25  }
0xa6: {  	s5 =	sshll.u32 s26, $0x1;
	_ =	strace $0x80000049;
	[dreg:$0x1] =	wrdreg $0xFFFFFFFF  }
0xa7: {  	s28 =	simm.s32 $_size_execute0_lowered;
	s3 =	sadd.s32 s3, s5;
	[dreg:$0x0] =	wrdreg $0x0  }
0xa8: {  	s5 =	sshll.u32 s28, $0x1;
	[dreg:$0x2] =	wrdreg s3  }
0xa9: {  	[dreg:$0x3] =	wrdreg s5  }
0xaa: {  	[dreg:$0x4] =	wrdreg $0xC0  }
0xab: {  	_ =	task [dreg:s7], $0x5FFFF  }
0xac: {  	[dreg:$0x1] =	wrdreg $0xFFFFFFFF  }
0xad: {  	[dreg:$0x0] =	wrdreg $0x60  }
0xae: {  	[dreg:$0x2] =	wrdreg s24  }
0xaf: {  	[dreg:$0x3] =	wrdreg s2  }
0xb0: {  	[dreg:$0x4] =	wrdreg $0x84000  }
0xb1: {  	[dreg:$0x5] =	wrdreg $0x9  }
0xb2: {  	_ =	task.clear_ibuf [dreg:s7], $0x6FFFF;
	_ =	strace $0x90000049  }
0xb3: {  	s29 =	simm.s32 $0x9;
	_ =	strace $0x8000004B  }
0xb4: {  	_ =	swait.ge [sflag:s29], $0x1  }
0xb5: {  	[sflag:s29] =	ssyncadd.s32 $0xFFFFFFFF  }
0xb6: {  	_ =	strace $0x9000004B  }
0xb7: {  	_ =	sfence  }
0xb8: {  	s30 =	sld [smem:$0x0];
	_ =	sdelay $0x2  }
0xb9: {  	s31 =	sshll.u32 s1, $0xD;
	s1 =	sshrl.u32 s1, $0x2  }
0xba: {  	s3 =	sand.u32 $0x4000, s31;
	s1 =	sadd.s32 s1, s30  }
0xbb: {  	s0 =	sor.u32 s3, s0;
	s1 =	sshll.u32 s1, $0x11  }
0xbc: {  	s0 =	sor.u32 s1, s0  }
0xbd: {  	s0 =	sadd.s32 $0x8F2B, s0  }
0xbe: {  	[sflag:s0] =	ssyncadd.remote.s32 $0x1  }
0xbf: {  	_ =	sfence.sel $0xFFFF  }
0xc0: {  	[dreg:$0x0] =	wrdreg $0xFFFFFFFF;
	(pc) =	sbr.abs _section_cstart, $3  }
0xc1: {  	[dreg:$0x1] =	wrdreg $0xFFFFFFFF  }
0xc2: {  	_ =	task.clear_ibuf [dreg:s7], $0x2FFFF;
	_ =	strace $0x9FFFFFFF  }
0xc3: {  	(tm) =	ssettm $0x7FFFFFFF  }
tec
execute0_lowered:
.L_overlay_start_1:
0x0: {  	(tag) =	ssettag $0x1  }
0x1: {  	s1 =	rddreg [dreg:$0x0]  }
0x2: {  	s0 =	srdreg.scid;
	s5 =	rddreg [dreg:$0x1]  }
0x3: {  	s12 =	stileid.u32;
	s2 =	rddreg [dreg:$0x2]  }
0x4: {  	s13 =	simm.s32 $0x3;
	s14 =	simm.s32 $0x200;
	s15 =	simm.s32 $0x40  }
0x5: {  	s16 =	simm.s32 $0x400;
	s17 =	simm.s32 $0x2400;
	s18 =	simm.s32 $0x80  }
0x6: {  	s19 =	simm.s32 $0x4400;
	s28 =	simm.s32 $0x180;
	s6 =	smul.u32 $0x13, s12  }
0x7: {  	s29 =	simm.s32 $0x1C0;
	s30 =	simm.s32 $0x300;
	s9 =	smul.u32 $0x13C00, s12  }
0x8: {  	s31 =	simm.s32 $0x380;
	s0 =	sand.u32 $0x1, s0;
	s23 =	smul.u32 $0x4F000, s12  }
0x9: {  	s11 =	sadd.s32 $0xCA00, s1;
	s25 =	sshll.u32 s12, $0x6;
	s3 =	smul.u32 $0x130, s0  }
0xa: {  	s4 =	sshll.u32 s0, $0x4;
	s22 =	smul.u32 $0x13C000, s0;
	s0 =	ssub.s32 $0x2, s0  }
0xb: {  	s7 =	sor.u32 s12, s4;
	s24 =	sshrl.u32 s0, $0x1;
	s20 =	sadd.s32 s6, s3  }
0xc: {  	s21 =	smin.u32 s7, $0x11;
	s3 =	simm.s32 $0x0;
	s6 =	sadd.s32 s9, s22  }
0xd: {  	s0 =	ssub.s32 s0, s24;
	s9 =	sshrl.u32 s23, $0x2;
	p0 =	slt.u32 s7, $0x11  }
0xe: {  	s7 =	sor.u32 $0x1C03, s25;
	s22 =	simm.s32 $0x1;
	s23 =	simm.s32 $0x100  }
0xf: {  	s24 =	simm.s32 $0x140;
	s25 =	simm.s32 $0x2;
	s4 =	sadd.s32 s21, s20  }
0x10: {  	[smem:$0x7FF] =	sst s3;
	s6 =	sshrl.u32 s6, $0x3;
	s26 =	sadd.s32 s9, s2  }
0x11: {  	s9 =	smax.u32 s0, $0x1;
	s20 =	simm.s32 $0xC0;
	s21 =	simm.s32 $0x6400  }
0x12: {  	s8 =	sshll.u32 s4, $0x6;
	_ =	strace $0x8000004A;
	s4 =	sadd.s32 $0xF200, s1  }
0x13: {  	[dreg:$0x4] =	wrdreg s11;
	s12 =	sshrl.u32 s26, $0x3;
	s26 =	simm.s32 $0x280  }
0x14: {  	s10 =	sadd.s32 s8, s1;
	s1 =	sadd.s32 s6, s1;
	s6 =	simm.s32 $0x14  }
0x15: {  	s5 =	sadd.s32 s8, s5;
	s6 =	simm.s32 @!p0 $0x13;
	s1 =	sadd.s32 $0x36400, s1  }
0x16: {  	s8 =	sadd.s32 $0x2400, s10;
	[dreg:$0x5] =	wrdreg s1;
	s1 =	simm.s32 $0x0  }
.LBB2_1:
0x17: {  	s0 =	rddreg [dreg:$0x4]  }
0x18: {  	[spmem:s12], [sflag:s7] =	dma.local [hbm:s0], $0x2780  }
0x19: {  	_ =	swait.ge [sflag:s13], $0x2780  }
0x1a: {  	[sflag:s13] =	ssyncset.done $0x0  }
0x1b: {  	[sflag:s13] =	ssyncadd.s32 $0xFFFFD880  }
0x1c: {  	[bflag:$0x0] =	sbarrier.arrive $0xFFFF  }
0x1d: {  	[tilespmem:s3], [sflag:$0x3] =	stream.linear.gather [hbm4b:s8+s3], $0x200, $0x38;
	[tilespmem:$0x1C000] =	vst v63  }
0x1e: {  	_ =	swait.ge [sflag:s13], $0x200  }
0x1f: {  	[sflag:s13] =	ssyncset.done $0x0  }
0x20: {  	[sflag:s13] =	ssyncadd.s32 $0xFFFFFE00  }
0x21: {  	[tilespmem:s14], [sflag:$0x3] =	stream.linear.gather [hbm4b:s5+s3], $0x200, $0x38;
	[tilespmem:$0x1C000] =	vst v63  }
0x22: {  	_ =	swait.ge [sflag:s13], $0x200  }
0x23: {  	[sflag:s13] =	ssyncset.done $0x0  }
0x24: {  	[sflag:s13] =	ssyncadd.s32 $0xFFFFFE00  }
0x25: {  	[tilespmem:s16], [sflag:$0x1] =	stream.indirect.gather [hbm4b:s4+s15], $0x80, s3, s15, $0xb8;
	[tilespmem:$0x1C000] =	vst v63  }
0x26: {  	_ = 	snop  }
0x27: {  	[tilespmem:s17], [sflag:$0x1] =	stream.indirect.gather [hbm4b:s4+s15], $0x80, s15, s15, $0xb8;
	[tilespmem:$0x1C000] =	vst v63  }
0x28: {  	_ = 	snop  }
0x29: {  	[tilespmem:s19], [sflag:$0x2] =	stream.indirect.gather [hbm4b:s4+s15], $0x80, s18, s15, $0xb8;
	[tilespmem:$0x1C000] =	vst v63  }
0x2a: {  	_ = 	snop  }
0x2b: {  	[tilespmem:s21], [sflag:$0x2] =	stream.indirect.gather [hbm4b:s4+s15], $0x80, s20, s15, $0xb8;
	[tilespmem:$0x1C000] =	vst v63  }
0x2c: {  	_ =	swait.ge [sflag:s22], $0x2000  }
0x2d: {  	[sflag:s22] =	ssyncset.done $0x0  }
0x2e: {  	[sflag:s22] =	ssyncadd.s32 $0xFFFFE000  }
0x2f: {  	_ =	swait.ge [sflag:s22], $0x2000  }
0x30: {  	[sflag:s22] =	ssyncset.done $0x0  }
0x31: {  	[sflag:s22] =	ssyncadd.s32 $0xFFFFE000  }
0x32: {  	[spmem:s2] =	stream.indirect.scatter.add.f32 [tilespmem:s16], [sflag:$0x3], $0x80, s14, s18, $0xb8;
	[tilespmem:$0x1C000] =	vst v63  }
0x33: {  	_ =	swait.ge [sflag:s13], $0x4000  }
0x34: {  	[sflag:s13] =	ssyncset.done $0x0  }
0x35: {  	[sflag:s13] =	ssyncadd.s32 $0xFFFFC000  }
0x36: {  	[tilespmem:s16], [sflag:$0x1] =	stream.indirect.gather [hbm4b:s4+s15], $0x80, s23, s15, $0xb8;
	[tilespmem:$0x1C000] =	vst v63  }
0x37: {  	_ = 	snop  }
0x38: {  	[tilespmem:s17], [sflag:$0x1] =	stream.indirect.gather [hbm4b:s4+s15], $0x80, s24, s15, $0xb8;
	[tilespmem:$0x1C000] =	vst v63  }
0x39: {  	_ =	swait.ge [sflag:s25], $0x2000  }
0x3a: {  	[sflag:s25] =	ssyncset.done $0x0  }
0x3b: {  	[sflag:s25] =	ssyncadd.s32 $0xFFFFE000  }
0x3c: {  	_ =	swait.ge [sflag:s25], $0x2000  }
0x3d: {  	[sflag:s25] =	ssyncset.done $0x0  }
0x3e: {  	[sflag:s25] =	ssyncadd.s32 $0xFFFFE000  }
0x3f: {  	[spmem:s2] =	stream.indirect.scatter.add.f32 [tilespmem:s19], [sflag:$0x3], $0x80, s26, s18, $0xb8;
	[tilespmem:$0x1C000] =	vst v63  }
0x40: {  	_ =	swait.ge [sflag:s13], $0x4000  }
0x41: {  	[sflag:s13] =	ssyncset.done $0x0  }
0x42: {  	[sflag:s13] =	ssyncadd.s32 $0xFFFFC000  }
0x43: {  	[tilespmem:s19], [sflag:$0x2] =	stream.indirect.gather [hbm4b:s4+s15], $0x80, s28, s15, $0xb8;
	[tilespmem:$0x1C000] =	vst v63  }
0x44: {  	_ = 	snop  }
0x45: {  	[tilespmem:s21], [sflag:$0x2] =	stream.indirect.gather [hbm4b:s4+s15], $0x80, s29, s15, $0xb8;
	[tilespmem:$0x1C000] =	vst v63  }
0x46: {  	_ =	swait.ge [sflag:s22], $0x2000  }
0x47: {  	[sflag:s22] =	ssyncset.done $0x0  }
0x48: {  	[sflag:s22] =	ssyncadd.s32 $0xFFFFE000  }
0x49: {  	_ =	swait.ge [sflag:s22], $0x2000  }
0x4a: {  	[sflag:s22] =	ssyncset.done $0x0  }
0x4b: {  	[sflag:s22] =	ssyncadd.s32 $0xFFFFE000  }
0x4c: {  	[spmem:s2] =	stream.indirect.scatter.add.f32 [tilespmem:s16], [sflag:$0x3], $0x80, s30, s18, $0xb8;
	[tilespmem:$0x1C000] =	vst v63  }
0x4d: {  	_ =	swait.ge [sflag:s13], $0x4000  }
0x4e: {  	[sflag:s13] =	ssyncset.done $0x0  }
0x4f: {  	[sflag:s13] =	ssyncadd.s32 $0xFFFFC000  }
0x50: {  	_ =	swait.ge [sflag:s25], $0x2000  }
0x51: {  	[sflag:s25] =	ssyncset.done $0x0  }
0x52: {  	[sflag:s25] =	ssyncadd.s32 $0xFFFFE000  }
0x53: {  	p0 =	sne.s32 s6, $0x1;
	_ =	swait.ge [sflag:s25], $0x2000  }
.Ltmp0:
0x54: {  	[sflag:s25] =	ssyncset.done $0x0;
	(pc) =	sbr.rel @!p0 .LBB2_3-.Ltmp0, $4  }
0x55: {  	[sflag:s25] =	ssyncadd.s32 $0xFFFFE000  }
0x56: {  	[spmem:s2] =	stream.indirect.scatter.add.f32 [tilespmem:s19], [sflag:$0x3], $0x80, s31, s18, $0xb8;
	[tilespmem:$0x1C000] =	vst v63  }
0x57: {  	s10 =	smov.u32 s5;
	_ =	swait.ge [sflag:s13], $0x4000  }
0x58: {  	s11 =	smov.u32 s8;
	s0 =	sadd.s32 $0xFFFFFFFF, s6;
	[sflag:s13] =	ssyncset.done $0x0  }
.LBB2_2:
0x59: {  	[sflag:s13] =	ssyncadd.s32 $0xFFFFC000;
	s10 =	sadd.s32 $0x40, s10;
	s11 =	sadd.s32 $0x40, s11  }
0x5a: {  	[tilespmem:s3], [sflag:$0x3] =	stream.linear.gather [hbm4b:s11+s3], $0x200, $0x38;
	[tilespmem:$0x1C000] =	vst v63  }
0x5b: {  	p0 =	sne.s32 s0, $0x1;
	s0 =	sadd.s32 $0xFFFFFFFF, s0;
	_ =	swait.ge [sflag:s13], $0x200  }
0x5c: {  	[sflag:s13] =	ssyncset.done $0x0  }
0x5d: {  	[sflag:s13] =	ssyncadd.s32 $0xFFFFFE00  }
0x5e: {  	[tilespmem:s14], [sflag:$0x3] =	stream.linear.gather [hbm4b:s10+s3], $0x200, $0x38;
	[tilespmem:$0x1C000] =	vst v63  }
0x5f: {  	_ =	swait.ge [sflag:s13], $0x200  }
0x60: {  	[sflag:s13] =	ssyncset.done $0x0  }
0x61: {  	[sflag:s13] =	ssyncadd.s32 $0xFFFFFE00  }
0x62: {  	[tilespmem:s16], [sflag:$0x1] =	stream.indirect.gather [hbm4b:s4+s15], $0x80, s3, s15, $0xb8;
	[tilespmem:$0x1C000] =	vst v63  }
0x63: {  	_ = 	snop  }
0x64: {  	[tilespmem:s17], [sflag:$0x1] =	stream.indirect.gather [hbm4b:s4+s15], $0x80, s15, s15, $0xb8;
	[tilespmem:$0x1C000] =	vst v63  }
0x65: {  	_ = 	snop  }
0x66: {  	[tilespmem:s19], [sflag:$0x2] =	stream.indirect.gather [hbm4b:s4+s15], $0x80, s18, s15, $0xb8;
	[tilespmem:$0x1C000] =	vst v63  }
0x67: {  	_ = 	snop  }
0x68: {  	[tilespmem:s21], [sflag:$0x2] =	stream.indirect.gather [hbm4b:s4+s15], $0x80, s20, s15, $0xb8;
	[tilespmem:$0x1C000] =	vst v63  }
0x69: {  	_ =	swait.ge [sflag:s22], $0x2000  }
0x6a: {  	[sflag:s22] =	ssyncset.done $0x0  }
0x6b: {  	[sflag:s22] =	ssyncadd.s32 $0xFFFFE000  }
0x6c: {  	_ =	swait.ge [sflag:s22], $0x2000  }
0x6d: {  	[sflag:s22] =	ssyncset.done $0x0  }
0x6e: {  	[sflag:s22] =	ssyncadd.s32 $0xFFFFE000  }
0x6f: {  	[spmem:s2] =	stream.indirect.scatter.add.f32 [tilespmem:s16], [sflag:$0x3], $0x80, s14, s18, $0xb8;
	[tilespmem:$0x1C000] =	vst v63  }
0x70: {  	_ =	swait.ge [sflag:s13], $0x4000  }
0x71: {  	[sflag:s13] =	ssyncset.done $0x0  }
0x72: {  	[sflag:s13] =	ssyncadd.s32 $0xFFFFC000  }
0x73: {  	[tilespmem:s16], [sflag:$0x1] =	stream.indirect.gather [hbm4b:s4+s15], $0x80, s23, s15, $0xb8;
	[tilespmem:$0x1C000] =	vst v63  }
0x74: {  	_ = 	snop  }
0x75: {  	[tilespmem:s17], [sflag:$0x1] =	stream.indirect.gather [hbm4b:s4+s15], $0x80, s24, s15, $0xb8;
	[tilespmem:$0x1C000] =	vst v63  }
0x76: {  	_ =	swait.ge [sflag:s25], $0x2000  }
0x77: {  	[sflag:s25] =	ssyncset.done $0x0  }
0x78: {  	[sflag:s25] =	ssyncadd.s32 $0xFFFFE000  }
0x79: {  	_ =	swait.ge [sflag:s25], $0x2000  }
0x7a: {  	[sflag:s25] =	ssyncset.done $0x0  }
0x7b: {  	[sflag:s25] =	ssyncadd.s32 $0xFFFFE000  }
0x7c: {  	[spmem:s2] =	stream.indirect.scatter.add.f32 [tilespmem:s19], [sflag:$0x3], $0x80, s26, s18, $0xb8;
	[tilespmem:$0x1C000] =	vst v63  }
0x7d: {  	_ =	swait.ge [sflag:s13], $0x4000  }
0x7e: {  	[sflag:s13] =	ssyncset.done $0x0  }
0x7f: {  	[sflag:s13] =	ssyncadd.s32 $0xFFFFC000  }
0x80: {  	[tilespmem:s19], [sflag:$0x2] =	stream.indirect.gather [hbm4b:s4+s15], $0x80, s28, s15, $0xb8;
	[tilespmem:$0x1C000] =	vst v63  }
0x81: {  	_ = 	snop  }
0x82: {  	[tilespmem:s21], [sflag:$0x2] =	stream.indirect.gather [hbm4b:s4+s15], $0x80, s29, s15, $0xb8;
	[tilespmem:$0x1C000] =	vst v63  }
0x83: {  	_ =	swait.ge [sflag:s22], $0x2000  }
0x84: {  	[sflag:s22] =	ssyncset.done $0x0  }
0x85: {  	[sflag:s22] =	ssyncadd.s32 $0xFFFFE000  }
0x86: {  	_ =	swait.ge [sflag:s22], $0x2000  }
0x87: {  	[sflag:s22] =	ssyncset.done $0x0  }
0x88: {  	[sflag:s22] =	ssyncadd.s32 $0xFFFFE000  }
0x89: {  	[spmem:s2] =	stream.indirect.scatter.add.f32 [tilespmem:s16], [sflag:$0x3], $0x80, s30, s18, $0xb8;
	[tilespmem:$0x1C000] =	vst v63  }
0x8a: {  	_ =	swait.ge [sflag:s13], $0x4000  }
0x8b: {  	[sflag:s13] =	ssyncset.done $0x0  }
0x8c: {  	[sflag:s13] =	ssyncadd.s32 $0xFFFFC000  }
0x8d: {  	_ =	swait.ge [sflag:s25], $0x2000  }
0x8e: {  	[sflag:s25] =	ssyncset.done $0x0  }
0x8f: {  	[sflag:s25] =	ssyncadd.s32 $0xFFFFE000  }
0x90: {  	_ =	swait.ge [sflag:s25], $0x2000  }
.Ltmp1:
0x91: {  	[sflag:s25] =	ssyncset.done $0x0;
	(pc) =	sbr.rel @p0 .LBB2_2-.Ltmp1, $4  }
0x92: {  	[sflag:s25] =	ssyncadd.s32 $0xFFFFE000  }
0x93: {  	[spmem:s2] =	stream.indirect.scatter.add.f32 [tilespmem:s19], [sflag:$0x3], $0x80, s31, s18, $0xb8;
	[tilespmem:$0x1C000] =	vst v63  }
0x94: {  	_ =	swait.ge [sflag:s13], $0x4000  }
0x95: {  	[sflag:s13] =	ssyncset.done $0x0  }
.LBB2_3:
0x96: {  	[sflag:s13] =	ssyncadd.s32 $0xFFFFC000;
	s1 =	sadd.s32 $0x1, s1  }
0x97: {  	[bflag:$0x0] =	sbarrier.arrive $0xFFFF;
	p0 =	sne.s32 s1, s9  }
.Ltmp2:
0x98: {  	s0 =	rddreg [dreg:$0x5];
	(pc) =	sbr.rel @p0 .LBB2_1-.Ltmp2, $4  }
0x99: {  	[hbm:s0], [sflag:s7] =	dma.local [spmem:s12], $0x2780  }
0x9a: {  	_ =	swait.ge [sflag:s13], $0x2780  }
0x9b: {  	[sflag:s13] =	ssyncset.done $0x0  }
0x9c: {  	[sflag:s13] =	ssyncadd.s32 $0xFFFFD880  }
0x9d: {  	_ =	sfence.sel $0x180000  }
0x9e: {  	[bflag:$0x0] =	sbarrier.arrive $0xFFFF  }
0x9f: {  	_ =	strace $0x9000004A  }
0xa0: {  	s0 =	stileid.u32;
	[bflag:$0x2] =	sbarrier.arrive $0xFFFF  }
0xa1: {  	p0 =	sne.s32 s0, $0x0;
	s0 =	rddreg [dreg:$0x3]  }
0xa2: {  	s0 =	sadd.s32 @!p0 $0x100000, s0  }
0xa3: {  	[sflag:s0] =	ssyncadd.tile.s32 @!p0 $0x1;
	_ =	shalt  }
.Lfunc_end2:
_tile_overlayer_lowered:
.L_overlay_start_2:
0xa4: {  	(tag) =	ssettag $0x2  }
0xa5: {  	s0 =	rddreg [dreg:$0x0];
	s2 =	stileid.u32  }
0xa6: {  	s1 =	rddreg [dreg:$0x1];
	p0 =	sne.s32 s2, $0x0  }
0xa7: {  	s3 =	rddreg [dreg:$0x2];
	[bflag:$0x3] =	sbarrier.arrive $0xFFFF;
	s2 =	simm.s32 @!p0 $0x1C03  }
0xa8: {  	[timem:s3], [sflag:s2] =	dma.local @!p0 [hbm:s0], s1  }
0xa9: {  	s0 =	simm.s32 @!p0 $0x3  }
0xaa: {  	_ =	swait.ge @!p0 [sflag:s0], s1  }
0xab: {  	s1 =	ssub.s32 @!p0 $0x0, s1;
	[sflag:s0] =	ssyncset.done @!p0 $0x0  }
0xac: {  	[sflag:s0] =	ssyncadd.s32 @!p0 s1  }
0xad: {  	[bflag:$0x3] =	sbarrier.arrive $0xFFFF  }
0xae: {  	_ =	shalt  }

// kernel: kernel.14.cloned.1.call-start
scs
__scs_entry_jumppad:
0x0: {  	(pc) =	sbr.rel $0x88, $3  }
0x1: {  	(tag) =	ssettag $0x0;
	lr =	simm.s32 $0x1  }
0x2: {  	[smem:$0x3F99] =	sst lr;
	_ =	strace $0xD0000000  }
0x3: {  	_ = 	snop  }
0x4: {  	_ = 	snop  }
0x5: {  	_ = 	snop  }
0x6: {  	_ = 	snop  }
0x7: {  	_ = 	snop  }
__scs_overlays_trampoline_lowered:
0x8: {  	[smem:$0x3FA8] =	sst s0  }
0x9: {  	[smem:$0x3FA9] =	sst s1  }
0xa: {  	[smem:$0x3FAA] =	sst s2  }
0xb: {  	[smem:$0x3FAB] =	sst s3  }
0xc: {  	[smem:$0x3FAC] =	sst s4  }
0xd: {  	[smem:$0x3FAD] =	sst s5  }
0xe: {  	[smem:$0x3FAE] =	sst s6  }
0xf: {  	[smem:$0x3FAF] =	sst s7  }
0x10: {  	[smem:$0x3FB0] =	sst s8  }
0x11: {  	[smem:$0x3FB1] =	sst s9;
	s0 =	simm.s32 @!p0 $0x0  }
0x12: {  	s1 =	sld [smem:$0x3F97];
	s0 =	simm.s32 @p0 $0x1  }
0x13: {  	[smem:$0x3FB2] =	sst s0;
	s0 =	simm.s32 @!p1 $0x0  }
0x14: {  	s2 =	sld [smem:$0x3F96];
	s0 =	simm.s32 @p1 $0x1  }
0x15: {  	[smem:$0x3FB3] =	sst s0;
	s0 =	simm.s32 @!p2 $0x0  }
0x16: {  	s3 =	sld [smem:$0x3FDB];
	s0 =	simm.s32 @p2 $0x1  }
0x17: {  	s4 =	simm.s32 $0x1BF5;
	[smem:$0x3FB5] =	sst s0  }
0x18: {  	s0 =	sld [smem:$0x3F98];
	_ =	swait.ge [sflag:s4], $0x0  }
0x19: {  	s7 =	sld [smem:$0x3F99]  }
0x1a: {  	s8 =	sadd.s32 $0xFFFFE003, lr  }
0x1b: {  	s9 =	sadd.s32 $0xFFFFFEF7, lr;
	s5 =	simm.s32 $0xFFFFFFFF;
	p2 =	slt.u32 s8, $0xFFFFF086  }
0x1c: {  	p1 =	slt.u32 s9, $0xF7A;
	s5 =	simm.s32 @!p2 $0x0  }
0x1d: {  	s5 =	simm.s32 @p1 $0x1;
	p0 =	seq.s32 s7, s2  }
0x1e: {  	s7 =	smul.u32 @!p0 $0xF7A, s2;
	p2 =	seq.s32 @!p0 s5, $0x0  }
0x1f: {  	s9 =	smul.u32 $0xF7A, s1;
	s8 =	simm.s32 @!p0 $0x1BF5;
	p2 =	por !p2, p0  }
0x20: {  	[sflag:s8] =	ssyncset.s32 @!p0 $0xFFFFF086;
	s6 =	sadd.s32 @!p0 s3, s7;
	s7 =	simm.s32 @!p0 $0x108  }
0x21: {  	s3 =	sadd.s32 s3, s9;
	s6 =	sadd.s32 @!p0 $0x88, s6;
	s7 =	simm.s32 @p2 $0x1082  }
0x22: {  	[simem:s7], [sflag:s8] =	dma.local @!p0 [hbm:s6], $0xF7A  }
0x23: {  	s9 =	sor.u32 $0xD0000000, s2;
	s6 =	simm.s32 $0x108;
	_ =	swait.ge @!p0 [sflag:s8], $0x0  }
0x24: {  	s3 =	sadd.s32 $0x88, s3;
	s6 =	simm.s32 @!p1 $0x1082;
	[sflag:s4] =	ssyncset.s32 $0xFFFFF086  }
0x25: {  	[simem:s6], [sflag:s4] =	dma.local [hbm:s3], $0xF7A  }
0x26: {  	[smem:$0x3F99] =	sst s1;
	(tag) =	ssettag s2;
	_ =	strace s9  }
0x27: {  	s1 =	sld [smem:$0x3FA9]  }
0x28: {  	s2 =	sld [smem:$0x3FAA]  }
0x29: {  	s4 =	sld [smem:$0x3FAC]  }
0x2a: {  	p0 =	seq.s32 s5, $0x0;
	s5 =	sld [smem:$0x3FAD]  }
0x2b: {  	s6 =	sld [smem:$0x3FAE]  }
0x2c: {  	s7 =	sld [smem:$0x3FAF]  }
0x2d: {  	s3 =	simm.s32 $0x108;
	s8 =	sld [smem:$0x3FB0]  }
0x2e: {  	s3 =	simm.s32 @!p0 $0x1082;
	s9 =	sld [smem:$0x3FB1]  }
0x2f: {  	lr =	sadd.s32 s0, s3;
	s0 =	sld [smem:$0x3FA8]  }
0x30: {  	s3 =	sld [smem:$0x3FAB]  }
0x31: {  	[smem:$0x3FB4] =	sst s10  }
0x32: {  	s10 =	sld [smem:$0x3FB2];
	_ =	sdelay $0x3  }
0x33: {  	p0 =	seq.s32 s10, $0x1;
	s10 =	sld [smem:$0x3FB4];
	_ =	sdelay $0x3  }
0x34: {  	[smem:$0x3FB4] =	sst s10  }
0x35: {  	s10 =	sld [smem:$0x3FB3];
	_ =	sdelay $0x3  }
0x36: {  	p1 =	seq.s32 s10, $0x1;
	s10 =	sld [smem:$0x3FB4];
	_ =	sdelay $0x3  }
0x37: {  	[smem:$0x3FB4] =	sst s10  }
0x38: {  	s10 =	sld [smem:$0x3FB5]  }
0x39: {  	_ = 	snop;
	(pc) =	sbr.ind lr, $3  }
0x3a: {  	_ = 	snop  }
0x3b: {  	_ = 	snop  }
0x3c: {  	p2 =	seq.s32 s10, $0x1;
	s10 =	sld [smem:$0x3FB4]  }
0x3d: {  	_ =	shalt  }
0x3e: {  	_ =	shalt  }
0x3f: {  	_ =	shalt  }
0x40: {  	_ =	shalt  }
0x41: {  	_ =	shalt  }
0x42: {  	_ =	shalt  }
0x43: {  	_ =	shalt  }
0x44: {  	_ =	shalt  }
0x45: {  	_ =	shalt  }
0x46: {  	_ =	shalt  }
0x47: {  	_ =	shalt  }
0x48: {  	_ =	shalt  }
0x49: {  	_ =	shalt  }
0x4a: {  	_ =	shalt  }
0x4b: {  	_ =	shalt  }
0x4c: {  	_ =	shalt  }
0x4d: {  	_ =	shalt  }
0x4e: {  	_ =	shalt  }
0x4f: {  	_ =	shalt  }
0x50: {  	_ =	shalt  }
0x51: {  	_ =	shalt  }
0x52: {  	_ =	shalt  }
0x53: {  	_ =	shalt  }
0x54: {  	_ =	shalt  }
0x55: {  	_ =	shalt  }
0x56: {  	_ =	shalt  }
0x57: {  	_ =	shalt  }
0x58: {  	_ =	shalt  }
0x59: {  	_ =	shalt  }
0x5a: {  	_ =	shalt  }
0x5b: {  	_ =	shalt  }
0x5c: {  	_ =	shalt  }
0x5d: {  	_ =	shalt  }
0x5e: {  	_ =	shalt  }
0x5f: {  	_ =	shalt  }
0x60: {  	_ =	shalt  }
0x61: {  	_ =	shalt  }
0x62: {  	_ =	shalt  }
0x63: {  	_ =	shalt  }
0x64: {  	_ =	shalt  }
0x65: {  	_ =	shalt  }
0x66: {  	_ =	shalt  }
0x67: {  	_ =	shalt  }
0x68: {  	_ =	shalt  }
0x69: {  	_ =	shalt  }
0x6a: {  	_ =	shalt  }
0x6b: {  	_ =	shalt  }
0x6c: {  	_ =	shalt  }
0x6d: {  	_ =	shalt  }
0x6e: {  	_ =	shalt  }
0x6f: {  	_ =	shalt  }
0x70: {  	_ =	shalt  }
0x71: {  	_ =	shalt  }
0x72: {  	_ =	shalt  }
0x73: {  	_ =	shalt  }
0x74: {  	_ =	shalt  }
0x75: {  	_ =	shalt  }
0x76: {  	_ =	shalt  }
0x77: {  	_ =	shalt  }
0x78: {  	_ =	shalt  }
0x79: {  	_ =	shalt  }
0x7a: {  	_ =	shalt  }
0x7b: {  	_ =	shalt  }
0x7c: {  	_ =	shalt  }
0x7d: {  	_ =	shalt  }
0x7e: {  	_ =	shalt  }
0x7f: {  	_ =	shalt  }
0x80: {  	_ =	shalt  }
0x81: {  	_ =	shalt  }
0x82: {  	_ =	shalt  }
0x83: {  	_ =	shalt  }
0x84: {  	_ =	shalt  }
0x85: {  	_ =	shalt  }
0x86: {  	_ =	shalt  }
0x87: {  	_ =	shalt  }
.Lfunc_end0:
.L_simem_size_0:
called_computation.2_lowered:
.L_overlay_start_0:
0x88: {  	s2 =	sld [smem:$0x3FD9]  }
0x89: {  	s3 =	sld [smem:$0x3FFE];
	_ =	sdelay $0x1  }
0x8a: {  	s1 =	srdreg.scid  }
0x8b: {  	s0 =	sand.u32 $0x1, s1  }
0x8c: {  	s17 =	sshll.u32 s0, $0xA;
	s2 =	sadd.s32 s3, s2  }
0x8d: {  	s2 =	sadd.s32 s2, s17  }
0x8e: {  	[smem:$0x3FC0] =	sst s2  }
0x8f: {  	_ = 	snop  }
0x90: {  	s2 =	sld [smem:$0x3FD0];
	(tm) =	ssettm $0x1  }
0x91: {  	s18 =	sld [smem:$0x3FFB];
	_ =	sdelay $0x3  }
0x92: {  	_ =	strace s18  }
0x93: {  	s3 =	sld [smem:$0x3FFC];
	_ =	sdelay $0x3  }
0x94: {  	_ =	strace s3  }
0x95: {  	s3 =	sld [smem:$0x3FFD];
	_ =	sdelay $0x3  }
0x96: {  	_ =	strace s3  }
0x97: {  	_ =	strace $0x8FFFFFFF  }
0x98: {  	s19 =	sld [smem:$0x3FDB];
	_ =	sdelay $0x1  }
0x99: {  	s4 =	simm.s32 $_scs_section_size  }
0x9a: {  	s5 =	simm.s32 $_size__tile_overlayer_lowered;
	s6 =	simm.s32 $_tile_overlayer_lowered  }
0x9b: {  	s22 =	simm.s32 $0x1BFF;
	s21 =	sshll.u32 s6, $0x1;
	s3 =	sadd.s32 s4, s19  }
0x9c: {  	s7 =	simm.s32 $0x0;
	s20 =	sshll.u32 s5, $0x1;
	s5 =	sadd.s32 s21, s3  }
0x9d: {  	[timem:s7], [sflag:s22] =	dma.local [hbm:s5], s20  }
0x9e: {  	_ =	swait.ge [sflag:s22], s20  }
0x9f: {  	s4 =	ssub.s32 $0x0, s20;
	[sflag:s22] =	ssyncset.done $0x0  }
0xa0: {  	[sflag:s22] =	ssyncadd.s32 s4;
	_ =	sdelay $0x1  }
0xa1: {  	s23 =	simm.s32 $0x1B8B  }
0xa2: {  	_ =	swait.ge [sflag:s23], $0x1  }
0xa3: {  	[sflag:s23] =	ssyncset.done $0x0  }
0xa4: {  	s25 =	simm.s32 $0x1B8E;
	s24 =	sld [smem:$0x3FFE];
	[sflag:s23] =	ssyncadd.s32 $0xFFFFFFFF  }
0xa5: {  	s26 =	simm.s32 $execute0_lowered;
	[smem:$0x3FD2] =	sst s25  }
0xa6: {  	s5 =	sshll.u32 s26, $0x1;
	_ =	strace $0x8000004C;
	[dreg:$0x1] =	wrdreg $0xFFFFFFFF  }
0xa7: {  	s28 =	simm.s32 $_size_execute0_lowered;
	s3 =	sadd.s32 s3, s5;
	[dreg:$0x0] =	wrdreg $0x0  }
0xa8: {  	s5 =	sshll.u32 s28, $0x1;
	[dreg:$0x2] =	wrdreg s3  }
0xa9: {  	[dreg:$0x3] =	wrdreg s5  }
0xaa: {  	[dreg:$0x4] =	wrdreg $0xC0  }
0xab: {  	_ =	task [dreg:s7], $0x5FFFF  }
0xac: {  	[dreg:$0x1] =	wrdreg $0xFFFFFFFF  }
0xad: {  	[dreg:$0x0] =	wrdreg $0x60  }
0xae: {  	[dreg:$0x2] =	wrdreg s24  }
0xaf: {  	[dreg:$0x3] =	wrdreg s2  }
0xb0: {  	[dreg:$0x4] =	wrdreg $0x84000  }
0xb1: {  	[dreg:$0x5] =	wrdreg $0x9  }
0xb2: {  	_ =	task.clear_ibuf [dreg:s7], $0x6FFFF;
	_ =	strace $0x9000004C  }
0xb3: {  	s29 =	simm.s32 $0x9;
	_ =	strace $0x8000004E  }
0xb4: {  	_ =	swait.ge [sflag:s29], $0x1  }
0xb5: {  	[sflag:s29] =	ssyncadd.s32 $0xFFFFFFFF  }
0xb6: {  	_ =	strace $0x9000004E  }
0xb7: {  	_ =	sfence  }
0xb8: {  	s30 =	sld [smem:$0x0];
	_ =	sdelay $0x2  }
0xb9: {  	s31 =	sshll.u32 s1, $0xD;
	s1 =	sshrl.u32 s1, $0x2  }
0xba: {  	s3 =	sand.u32 $0x4000, s31;
	s1 =	sadd.s32 s1, s30  }
0xbb: {  	s0 =	sor.u32 s3, s0;
	s1 =	sshll.u32 s1, $0x11  }
0xbc: {  	s0 =	sor.u32 s1, s0  }
0xbd: {  	s0 =	sadd.s32 $0x8F2B, s0  }
0xbe: {  	[sflag:s0] =	ssyncadd.remote.s32 $0x1  }
0xbf: {  	_ =	sfence.sel $0xFFFF  }
0xc0: {  	[dreg:$0x0] =	wrdreg $0xFFFFFFFF;
	(pc) =	sbr.abs _section_cstart, $3  }
0xc1: {  	[dreg:$0x1] =	wrdreg $0xFFFFFFFF  }
0xc2: {  	_ =	task.clear_ibuf [dreg:s7], $0x2FFFF;
	_ =	strace $0x9FFFFFFF  }
0xc3: {  	(tm) =	ssettm $0x7FFFFFFF  }
tec
execute0_lowered:
.L_overlay_start_1:
0x0: {  	(tag) =	ssettag $0x1  }
0x1: {  	s1 =	rddreg [dreg:$0x0]  }
0x2: {  	s0 =	srdreg.scid;
	s5 =	rddreg [dreg:$0x1]  }
0x3: {  	s12 =	stileid.u32;
	s2 =	rddreg [dreg:$0x2]  }
0x4: {  	s13 =	simm.s32 $0x3;
	s14 =	simm.s32 $0x200;
	s15 =	simm.s32 $0x40  }
0x5: {  	s16 =	simm.s32 $0x400;
	s17 =	simm.s32 $0x2400;
	s18 =	simm.s32 $0x80  }
0x6: {  	s19 =	simm.s32 $0x4400;
	s28 =	simm.s32 $0x180;
	s6 =	smul.u32 $0x13, s12  }
0x7: {  	s29 =	simm.s32 $0x1C0;
	s30 =	simm.s32 $0x300;
	s9 =	smul.u32 $0x13C00, s12  }
0x8: {  	s31 =	simm.s32 $0x380;
	s0 =	sand.u32 $0x1, s0;
	s23 =	smul.u32 $0x4F000, s12  }
0x9: {  	s11 =	sadd.s32 $0xCA00, s1;
	s25 =	sshll.u32 s12, $0x6;
	s3 =	smul.u32 $0x130, s0  }
0xa: {  	s4 =	sshll.u32 s0, $0x4;
	s22 =	smul.u32 $0x13C000, s0;
	s0 =	ssub.s32 $0x2, s0  }
0xb: {  	s7 =	sor.u32 s12, s4;
	s24 =	sshrl.u32 s0, $0x1;
	s20 =	sadd.s32 s6, s3  }
0xc: {  	s21 =	smin.u32 s7, $0x11;
	s3 =	simm.s32 $0x0;
	s6 =	sadd.s32 s9, s22  }
0xd: {  	s0 =	ssub.s32 s0, s24;
	s9 =	sshrl.u32 s23, $0x2;
	p0 =	slt.u32 s7, $0x11  }
0xe: {  	s7 =	sor.u32 $0x1C03, s25;
	s22 =	simm.s32 $0x1;
	s23 =	simm.s32 $0x100  }
0xf: {  	s24 =	simm.s32 $0x140;
	s25 =	simm.s32 $0x2;
	s4 =	sadd.s32 s21, s20  }
0x10: {  	[smem:$0x7FF] =	sst s3;
	s6 =	sshrl.u32 s6, $0x3;
	s26 =	sadd.s32 s9, s2  }
0x11: {  	s9 =	smax.u32 s0, $0x1;
	s20 =	simm.s32 $0xC0;
	s21 =	simm.s32 $0x6400  }
0x12: {  	s8 =	sshll.u32 s4, $0x6;
	_ =	strace $0x8000004D;
	s4 =	sadd.s32 $0xF200, s1  }
0x13: {  	[dreg:$0x4] =	wrdreg s11;
	s12 =	sshrl.u32 s26, $0x3;
	s26 =	simm.s32 $0x280  }
0x14: {  	s10 =	sadd.s32 s8, s1;
	s1 =	sadd.s32 s6, s1;
	s6 =	simm.s32 $0x14  }
0x15: {  	s5 =	sadd.s32 s8, s5;
	s6 =	simm.s32 @!p0 $0x13;
	s1 =	sadd.s32 $0x36400, s1  }
0x16: {  	s8 =	sadd.s32 $0x2400, s10;
	[dreg:$0x5] =	wrdreg s1;
	s1 =	simm.s32 $0x0  }
.LBB2_1:
0x17: {  	s0 =	rddreg [dreg:$0x4]  }
0x18: {  	[spmem:s12], [sflag:s7] =	dma.local [hbm:s0], $0x2780  }
0x19: {  	_ =	swait.ge [sflag:s13], $0x2780  }
0x1a: {  	[sflag:s13] =	ssyncset.done $0x0  }
0x1b: {  	[sflag:s13] =	ssyncadd.s32 $0xFFFFD880  }
0x1c: {  	[bflag:$0x0] =	sbarrier.arrive $0xFFFF  }
0x1d: {  	[tilespmem:s3], [sflag:$0x3] =	stream.linear.gather [hbm4b:s8+s3], $0x200, $0x38;
	[tilespmem:$0x1C000] =	vst v63  }
0x1e: {  	_ =	swait.ge [sflag:s13], $0x200  }
0x1f: {  	[sflag:s13] =	ssyncset.done $0x0  }
0x20: {  	[sflag:s13] =	ssyncadd.s32 $0xFFFFFE00  }
0x21: {  	[tilespmem:s14], [sflag:$0x3] =	stream.linear.gather [hbm4b:s5+s3], $0x200, $0x38;
	[tilespmem:$0x1C000] =	vst v63  }
0x22: {  	_ =	swait.ge [sflag:s13], $0x200  }
0x23: {  	[sflag:s13] =	ssyncset.done $0x0  }
0x24: {  	[sflag:s13] =	ssyncadd.s32 $0xFFFFFE00  }
0x25: {  	[tilespmem:s16], [sflag:$0x1] =	stream.indirect.gather [hbm4b:s4+s15], $0x80, s3, s15, $0xb8;
	[tilespmem:$0x1C000] =	vst v63  }
0x26: {  	_ = 	snop  }
0x27: {  	[tilespmem:s17], [sflag:$0x1] =	stream.indirect.gather [hbm4b:s4+s15], $0x80, s15, s15, $0xb8;
	[tilespmem:$0x1C000] =	vst v63  }
0x28: {  	_ = 	snop  }
0x29: {  	[tilespmem:s19], [sflag:$0x2] =	stream.indirect.gather [hbm4b:s4+s15], $0x80, s18, s15, $0xb8;
	[tilespmem:$0x1C000] =	vst v63  }
0x2a: {  	_ = 	snop  }
0x2b: {  	[tilespmem:s21], [sflag:$0x2] =	stream.indirect.gather [hbm4b:s4+s15], $0x80, s20, s15, $0xb8;
	[tilespmem:$0x1C000] =	vst v63  }
0x2c: {  	_ =	swait.ge [sflag:s22], $0x2000  }
0x2d: {  	[sflag:s22] =	ssyncset.done $0x0  }
0x2e: {  	[sflag:s22] =	ssyncadd.s32 $0xFFFFE000  }
0x2f: {  	_ =	swait.ge [sflag:s22], $0x2000  }
0x30: {  	[sflag:s22] =	ssyncset.done $0x0  }
0x31: {  	[sflag:s22] =	ssyncadd.s32 $0xFFFFE000  }
0x32: {  	[spmem:s2] =	stream.indirect.scatter.add.f32 [tilespmem:s16], [sflag:$0x3], $0x80, s14, s18, $0xb8;
	[tilespmem:$0x1C000] =	vst v63  }
0x33: {  	_ =	swait.ge [sflag:s13], $0x4000  }
0x34: {  	[sflag:s13] =	ssyncset.done $0x0  }
0x35: {  	[sflag:s13] =	ssyncadd.s32 $0xFFFFC000  }
0x36: {  	[tilespmem:s16], [sflag:$0x1] =	stream.indirect.gather [hbm4b:s4+s15], $0x80, s23, s15, $0xb8;
	[tilespmem:$0x1C000] =	vst v63  }
0x37: {  	_ = 	snop  }
0x38: {  	[tilespmem:s17], [sflag:$0x1] =	stream.indirect.gather [hbm4b:s4+s15], $0x80, s24, s15, $0xb8;
	[tilespmem:$0x1C000] =	vst v63  }
0x39: {  	_ =	swait.ge [sflag:s25], $0x2000  }
0x3a: {  	[sflag:s25] =	ssyncset.done $0x0  }
0x3b: {  	[sflag:s25] =	ssyncadd.s32 $0xFFFFE000  }
0x3c: {  	_ =	swait.ge [sflag:s25], $0x2000  }
0x3d: {  	[sflag:s25] =	ssyncset.done $0x0  }
0x3e: {  	[sflag:s25] =	ssyncadd.s32 $0xFFFFE000  }
0x3f: {  	[spmem:s2] =	stream.indirect.scatter.add.f32 [tilespmem:s19], [sflag:$0x3], $0x80, s26, s18, $0xb8;
	[tilespmem:$0x1C000] =	vst v63  }
0x40: {  	_ =	swait.ge [sflag:s13], $0x4000  }
0x41: {  	[sflag:s13] =	ssyncset.done $0x0  }
0x42: {  	[sflag:s13] =	ssyncadd.s32 $0xFFFFC000  }
0x43: {  	[tilespmem:s19], [sflag:$0x2] =	stream.indirect.gather [hbm4b:s4+s15], $0x80, s28, s15, $0xb8;
	[tilespmem:$0x1C000] =	vst v63  }
0x44: {  	_ = 	snop  }
0x45: {  	[tilespmem:s21], [sflag:$0x2] =	stream.indirect.gather [hbm4b:s4+s15], $0x80, s29, s15, $0xb8;
	[tilespmem:$0x1C000] =	vst v63  }
0x46: {  	_ =	swait.ge [sflag:s22], $0x2000  }
0x47: {  	[sflag:s22] =	ssyncset.done $0x0  }
0x48: {  	[sflag:s22] =	ssyncadd.s32 $0xFFFFE000  }
0x49: {  	_ =	swait.ge [sflag:s22], $0x2000  }
0x4a: {  	[sflag:s22] =	ssyncset.done $0x0  }
0x4b: {  	[sflag:s22] =	ssyncadd.s32 $0xFFFFE000  }
0x4c: {  	[spmem:s2] =	stream.indirect.scatter.add.f32 [tilespmem:s16], [sflag:$0x3], $0x80, s30, s18, $0xb8;
	[tilespmem:$0x1C000] =	vst v63  }
0x4d: {  	_ =	swait.ge [sflag:s13], $0x4000  }
0x4e: {  	[sflag:s13] =	ssyncset.done $0x0  }
0x4f: {  	[sflag:s13] =	ssyncadd.s32 $0xFFFFC000  }
0x50: {  	_ =	swait.ge [sflag:s25], $0x2000  }
0x51: {  	[sflag:s25] =	ssyncset.done $0x0  }
0x52: {  	[sflag:s25] =	ssyncadd.s32 $0xFFFFE000  }
0x53: {  	p0 =	sne.s32 s6, $0x1;
	_ =	swait.ge [sflag:s25], $0x2000  }
.Ltmp0:
0x54: {  	[sflag:s25] =	ssyncset.done $0x0;
	(pc) =	sbr.rel @!p0 .LBB2_3-.Ltmp0, $4  }
0x55: {  	[sflag:s25] =	ssyncadd.s32 $0xFFFFE000  }
0x56: {  	[spmem:s2] =	stream.indirect.scatter.add.f32 [tilespmem:s19], [sflag:$0x3], $0x80, s31, s18, $0xb8;
	[tilespmem:$0x1C000] =	vst v63  }
0x57: {  	s10 =	smov.u32 s5;
	_ =	swait.ge [sflag:s13], $0x4000  }
0x58: {  	s11 =	smov.u32 s8;
	s0 =	sadd.s32 $0xFFFFFFFF, s6;
	[sflag:s13] =	ssyncset.done $0x0  }
.LBB2_2:
0x59: {  	[sflag:s13] =	ssyncadd.s32 $0xFFFFC000;
	s10 =	sadd.s32 $0x40, s10;
	s11 =	sadd.s32 $0x40, s11  }
0x5a: {  	[tilespmem:s3], [sflag:$0x3] =	stream.linear.gather [hbm4b:s11+s3], $0x200, $0x38;
	[tilespmem:$0x1C000] =	vst v63  }
0x5b: {  	p0 =	sne.s32 s0, $0x1;
	s0 =	sadd.s32 $0xFFFFFFFF, s0;
	_ =	swait.ge [sflag:s13], $0x200  }
0x5c: {  	[sflag:s13] =	ssyncset.done $0x0  }
0x5d: {  	[sflag:s13] =	ssyncadd.s32 $0xFFFFFE00  }
0x5e: {  	[tilespmem:s14], [sflag:$0x3] =	stream.linear.gather [hbm4b:s10+s3], $0x200, $0x38;
	[tilespmem:$0x1C000] =	vst v63  }
0x5f: {  	_ =	swait.ge [sflag:s13], $0x200  }
0x60: {  	[sflag:s13] =	ssyncset.done $0x0  }
0x61: {  	[sflag:s13] =	ssyncadd.s32 $0xFFFFFE00  }
0x62: {  	[tilespmem:s16], [sflag:$0x1] =	stream.indirect.gather [hbm4b:s4+s15], $0x80, s3, s15, $0xb8;
	[tilespmem:$0x1C000] =	vst v63  }
0x63: {  	_ = 	snop  }
0x64: {  	[tilespmem:s17], [sflag:$0x1] =	stream.indirect.gather [hbm4b:s4+s15], $0x80, s15, s15, $0xb8;
	[tilespmem:$0x1C000] =	vst v63  }
0x65: {  	_ = 	snop  }
0x66: {  	[tilespmem:s19], [sflag:$0x2] =	stream.indirect.gather [hbm4b:s4+s15], $0x80, s18, s15, $0xb8;
	[tilespmem:$0x1C000] =	vst v63  }
0x67: {  	_ = 	snop  }
0x68: {  	[tilespmem:s21], [sflag:$0x2] =	stream.indirect.gather [hbm4b:s4+s15], $0x80, s20, s15, $0xb8;
	[tilespmem:$0x1C000] =	vst v63  }
0x69: {  	_ =	swait.ge [sflag:s22], $0x2000  }
0x6a: {  	[sflag:s22] =	ssyncset.done $0x0  }
0x6b: {  	[sflag:s22] =	ssyncadd.s32 $0xFFFFE000  }
0x6c: {  	_ =	swait.ge [sflag:s22], $0x2000  }
0x6d: {  	[sflag:s22] =	ssyncset.done $0x0  }
0x6e: {  	[sflag:s22] =	ssyncadd.s32 $0xFFFFE000  }
0x6f: {  	[spmem:s2] =	stream.indirect.scatter.add.f32 [tilespmem:s16], [sflag:$0x3], $0x80, s14, s18, $0xb8;
	[tilespmem:$0x1C000] =	vst v63  }
0x70: {  	_ =	swait.ge [sflag:s13], $0x4000  }
0x71: {  	[sflag:s13] =	ssyncset.done $0x0  }
0x72: {  	[sflag:s13] =	ssyncadd.s32 $0xFFFFC000  }
0x73: {  	[tilespmem:s16], [sflag:$0x1] =	stream.indirect.gather [hbm4b:s4+s15], $0x80, s23, s15, $0xb8;
	[tilespmem:$0x1C000] =	vst v63  }
0x74: {  	_ = 	snop  }
0x75: {  	[tilespmem:s17], [sflag:$0x1] =	stream.indirect.gather [hbm4b:s4+s15], $0x80, s24, s15, $0xb8;
	[tilespmem:$0x1C000] =	vst v63  }
0x76: {  	_ =	swait.ge [sflag:s25], $0x2000  }
0x77: {  	[sflag:s25] =	ssyncset.done $0x0  }
0x78: {  	[sflag:s25] =	ssyncadd.s32 $0xFFFFE000  }
0x79: {  	_ =	swait.ge [sflag:s25], $0x2000  }
0x7a: {  	[sflag:s25] =	ssyncset.done $0x0  }
0x7b: {  	[sflag:s25] =	ssyncadd.s32 $0xFFFFE000  }
0x7c: {  	[spmem:s2] =	stream.indirect.scatter.add.f32 [tilespmem:s19], [sflag:$0x3], $0x80, s26, s18, $0xb8;
	[tilespmem:$0x1C000] =	vst v63  }
0x7d: {  	_ =	swait.ge [sflag:s13], $0x4000  }
0x7e: {  	[sflag:s13] =	ssyncset.done $0x0  }
0x7f: {  	[sflag:s13] =	ssyncadd.s32 $0xFFFFC000  }
0x80: {  	[tilespmem:s19], [sflag:$0x2] =	stream.indirect.gather [hbm4b:s4+s15], $0x80, s28, s15, $0xb8;
	[tilespmem:$0x1C000] =	vst v63  }
0x81: {  	_ = 	snop  }
0x82: {  	[tilespmem:s21], [sflag:$0x2] =	stream.indirect.gather [hbm4b:s4+s15], $0x80, s29, s15, $0xb8;
	[tilespmem:$0x1C000] =	vst v63  }
0x83: {  	_ =	swait.ge [sflag:s22], $0x2000  }
0x84: {  	[sflag:s22] =	ssyncset.done $0x0  }
0x85: {  	[sflag:s22] =	ssyncadd.s32 $0xFFFFE000  }
0x86: {  	_ =	swait.ge [sflag:s22], $0x2000  }
0x87: {  	[sflag:s22] =	ssyncset.done $0x0  }
0x88: {  	[sflag:s22] =	ssyncadd.s32 $0xFFFFE000  }
0x89: {  	[spmem:s2] =	stream.indirect.scatter.add.f32 [tilespmem:s16], [sflag:$0x3], $0x80, s30, s18, $0xb8;
	[tilespmem:$0x1C000] =	vst v63  }
0x8a: {  	_ =	swait.ge [sflag:s13], $0x4000  }
0x8b: {  	[sflag:s13] =	ssyncset.done $0x0  }
0x8c: {  	[sflag:s13] =	ssyncadd.s32 $0xFFFFC000  }
0x8d: {  	_ =	swait.ge [sflag:s25], $0x2000  }
0x8e: {  	[sflag:s25] =	ssyncset.done $0x0  }
0x8f: {  	[sflag:s25] =	ssyncadd.s32 $0xFFFFE000  }
0x90: {  	_ =	swait.ge [sflag:s25], $0x2000  }
.Ltmp1:
0x91: {  	[sflag:s25] =	ssyncset.done $0x0;
	(pc) =	sbr.rel @p0 .LBB2_2-.Ltmp1, $4  }
0x92: {  	[sflag:s25] =	ssyncadd.s32 $0xFFFFE000  }
0x93: {  	[spmem:s2] =	stream.indirect.scatter.add.f32 [tilespmem:s19], [sflag:$0x3], $0x80, s31, s18, $0xb8;
	[tilespmem:$0x1C000] =	vst v63  }
0x94: {  	_ =	swait.ge [sflag:s13], $0x4000  }
0x95: {  	[sflag:s13] =	ssyncset.done $0x0  }
.LBB2_3:
0x96: {  	[sflag:s13] =	ssyncadd.s32 $0xFFFFC000;
	s1 =	sadd.s32 $0x1, s1  }
0x97: {  	[bflag:$0x0] =	sbarrier.arrive $0xFFFF;
	p0 =	sne.s32 s1, s9  }
.Ltmp2:
0x98: {  	s0 =	rddreg [dreg:$0x5];
	(pc) =	sbr.rel @p0 .LBB2_1-.Ltmp2, $4  }
0x99: {  	[hbm:s0], [sflag:s7] =	dma.local [spmem:s12], $0x2780  }
0x9a: {  	_ =	swait.ge [sflag:s13], $0x2780  }
0x9b: {  	[sflag:s13] =	ssyncset.done $0x0  }
0x9c: {  	[sflag:s13] =	ssyncadd.s32 $0xFFFFD880  }
0x9d: {  	_ =	sfence.sel $0x180000  }
0x9e: {  	[bflag:$0x0] =	sbarrier.arrive $0xFFFF  }
0x9f: {  	_ =	strace $0x9000004D  }
0xa0: {  	s0 =	stileid.u32;
	[bflag:$0x2] =	sbarrier.arrive $0xFFFF  }
0xa1: {  	p0 =	sne.s32 s0, $0x0;
	s0 =	rddreg [dreg:$0x3]  }
0xa2: {  	s0 =	sadd.s32 @!p0 $0x100000, s0  }
0xa3: {  	[sflag:s0] =	ssyncadd.tile.s32 @!p0 $0x1;
	_ =	shalt  }
.Lfunc_end2:
_tile_overlayer_lowered:
.L_overlay_start_2:
0xa4: {  	(tag) =	ssettag $0x2  }
0xa5: {  	s0 =	rddreg [dreg:$0x0];
	s2 =	stileid.u32  }
0xa6: {  	s1 =	rddreg [dreg:$0x1];
	p0 =	sne.s32 s2, $0x0  }
0xa7: {  	s3 =	rddreg [dreg:$0x2];
	[bflag:$0x3] =	sbarrier.arrive $0xFFFF;
	s2 =	simm.s32 @!p0 $0x1C03  }
0xa8: {  	[timem:s3], [sflag:s2] =	dma.local @!p0 [hbm:s0], s1  }
0xa9: {  	s0 =	simm.s32 @!p0 $0x3  }
0xaa: {  	_ =	swait.ge @!p0 [sflag:s0], s1  }
0xab: {  	s1 =	ssub.s32 @!p0 $0x0, s1;
	[sflag:s0] =	ssyncset.done @!p0 $0x0  }
0xac: {  	[sflag:s0] =	ssyncadd.s32 @!p0 s1  }
0xad: {  	[bflag:$0x3] =	sbarrier.arrive $0xFFFF  }
0xae: {  	_ =	shalt  }

// kernel: kernel.8.cloned.1.call-start
scs
__scs_entry_jumppad:
0x0: {  	(pc) =	sbr.rel $0x88, $3  }
0x1: {  	(tag) =	ssettag $0x0;
	lr =	simm.s32 $0x1  }
0x2: {  	[smem:$0x3F99] =	sst lr;
	_ =	strace $0xD0000000  }
0x3: {  	_ = 	snop  }
0x4: {  	_ = 	snop  }
0x5: {  	_ = 	snop  }
0x6: {  	_ = 	snop  }
0x7: {  	_ = 	snop  }
__scs_overlays_trampoline_lowered:
0x8: {  	[smem:$0x3FA8] =	sst s0  }
0x9: {  	[smem:$0x3FA9] =	sst s1  }
0xa: {  	[smem:$0x3FAA] =	sst s2  }
0xb: {  	[smem:$0x3FAB] =	sst s3  }
0xc: {  	[smem:$0x3FAC] =	sst s4  }
0xd: {  	[smem:$0x3FAD] =	sst s5  }
0xe: {  	[smem:$0x3FAE] =	sst s6  }
0xf: {  	[smem:$0x3FAF] =	sst s7  }
0x10: {  	[smem:$0x3FB0] =	sst s8  }
0x11: {  	[smem:$0x3FB1] =	sst s9;
	s0 =	simm.s32 @!p0 $0x0  }
0x12: {  	s1 =	sld [smem:$0x3F97];
	s0 =	simm.s32 @p0 $0x1  }
0x13: {  	[smem:$0x3FB2] =	sst s0;
	s0 =	simm.s32 @!p1 $0x0  }
0x14: {  	s2 =	sld [smem:$0x3F96];
	s0 =	simm.s32 @p1 $0x1  }
0x15: {  	[smem:$0x3FB3] =	sst s0;
	s0 =	simm.s32 @!p2 $0x0  }
0x16: {  	s3 =	sld [smem:$0x3FDB];
	s0 =	simm.s32 @p2 $0x1  }
0x17: {  	s4 =	simm.s32 $0x1BF5;
	[smem:$0x3FB5] =	sst s0  }
0x18: {  	s0 =	sld [smem:$0x3F98];
	_ =	swait.ge [sflag:s4], $0x0  }
0x19: {  	s7 =	sld [smem:$0x3F99]  }
0x1a: {  	s8 =	sadd.s32 $0xFFFFE003, lr  }
0x1b: {  	s9 =	sadd.s32 $0xFFFFFEF7, lr;
	s5 =	simm.s32 $0xFFFFFFFF;
	p2 =	slt.u32 s8, $0xFFFFF086  }
0x1c: {  	p1 =	slt.u32 s9, $0xF7A;
	s5 =	simm.s32 @!p2 $0x0  }
0x1d: {  	s5 =	simm.s32 @p1 $0x1;
	p0 =	seq.s32 s7, s2  }
0x1e: {  	s7 =	smul.u32 @!p0 $0xF7A, s2;
	p2 =	seq.s32 @!p0 s5, $0x0  }
0x1f: {  	s9 =	smul.u32 $0xF7A, s1;
	s8 =	simm.s32 @!p0 $0x1BF5;
	p2 =	por !p2, p0  }
0x20: {  	[sflag:s8] =	ssyncset.s32 @!p0 $0xFFFFF086;
	s6 =	sadd.s32 @!p0 s3, s7;
	s7 =	simm.s32 @!p0 $0x108  }
0x21: {  	s3 =	sadd.s32 s3, s9;
	s6 =	sadd.s32 @!p0 $0x88, s6;
	s7 =	simm.s32 @p2 $0x1082  }
0x22: {  	[simem:s7], [sflag:s8] =	dma.local @!p0 [hbm:s6], $0xF7A  }
0x23: {  	s9 =	sor.u32 $0xD0000000, s2;
	s6 =	simm.s32 $0x108;
	_ =	swait.ge @!p0 [sflag:s8], $0x0  }
0x24: {  	s3 =	sadd.s32 $0x88, s3;
	s6 =	simm.s32 @!p1 $0x1082;
	[sflag:s4] =	ssyncset.s32 $0xFFFFF086  }
0x25: {  	[simem:s6], [sflag:s4] =	dma.local [hbm:s3], $0xF7A  }
0x26: {  	[smem:$0x3F99] =	sst s1;
	(tag) =	ssettag s2;
	_ =	strace s9  }
0x27: {  	s1 =	sld [smem:$0x3FA9]  }
0x28: {  	s2 =	sld [smem:$0x3FAA]  }
0x29: {  	s4 =	sld [smem:$0x3FAC]  }
0x2a: {  	p0 =	seq.s32 s5, $0x0;
	s5 =	sld [smem:$0x3FAD]  }
0x2b: {  	s6 =	sld [smem:$0x3FAE]  }
0x2c: {  	s7 =	sld [smem:$0x3FAF]  }
0x2d: {  	s3 =	simm.s32 $0x108;
	s8 =	sld [smem:$0x3FB0]  }
0x2e: {  	s3 =	simm.s32 @!p0 $0x1082;
	s9 =	sld [smem:$0x3FB1]  }
0x2f: {  	lr =	sadd.s32 s0, s3;
	s0 =	sld [smem:$0x3FA8]  }
0x30: {  	s3 =	sld [smem:$0x3FAB]  }
0x31: {  	[smem:$0x3FB4] =	sst s10  }
0x32: {  	s10 =	sld [smem:$0x3FB2];
	_ =	sdelay $0x3  }
0x33: {  	p0 =	seq.s32 s10, $0x1;
	s10 =	sld [smem:$0x3FB4];
	_ =	sdelay $0x3  }
0x34: {  	[smem:$0x3FB4] =	sst s10  }
0x35: {  	s10 =	sld [smem:$0x3FB3];
	_ =	sdelay $0x3  }
0x36: {  	p1 =	seq.s32 s10, $0x1;
	s10 =	sld [smem:$0x3FB4];
	_ =	sdelay $0x3  }
0x37: {  	[smem:$0x3FB4] =	sst s10  }
0x38: {  	s10 =	sld [smem:$0x3FB5]  }
0x39: {  	_ = 	snop;
	(pc) =	sbr.ind lr, $3  }
0x3a: {  	_ = 	snop  }
0x3b: {  	_ = 	snop  }
0x3c: {  	p2 =	seq.s32 s10, $0x1;
	s10 =	sld [smem:$0x3FB4]  }
0x3d: {  	_ =	shalt  }
0x3e: {  	_ =	shalt  }
0x3f: {  	_ =	shalt  }
0x40: {  	_ =	shalt  }
0x41: {  	_ =	shalt  }
0x42: {  	_ =	shalt  }
0x43: {  	_ =	shalt  }
0x44: {  	_ =	shalt  }
0x45: {  	_ =	shalt  }
0x46: {  	_ =	shalt  }
0x47: {  	_ =	shalt  }
0x48: {  	_ =	shalt  }
0x49: {  	_ =	shalt  }
0x4a: {  	_ =	shalt  }
0x4b: {  	_ =	shalt  }
0x4c: {  	_ =	shalt  }
0x4d: {  	_ =	shalt  }
0x4e: {  	_ =	shalt  }
0x4f: {  	_ =	shalt  }
0x50: {  	_ =	shalt  }
0x51: {  	_ =	shalt  }
0x52: {  	_ =	shalt  }
0x53: {  	_ =	shalt  }
0x54: {  	_ =	shalt  }
0x55: {  	_ =	shalt  }
0x56: {  	_ =	shalt  }
0x57: {  	_ =	shalt  }
0x58: {  	_ =	shalt  }
0x59: {  	_ =	shalt  }
0x5a: {  	_ =	shalt  }
0x5b: {  	_ =	shalt  }
0x5c: {  	_ =	shalt  }
0x5d: {  	_ =	shalt  }
0x5e: {  	_ =	shalt  }
0x5f: {  	_ =	shalt  }
0x60: {  	_ =	shalt  }
0x61: {  	_ =	shalt  }
0x62: {  	_ =	shalt  }
0x63: {  	_ =	shalt  }
0x64: {  	_ =	shalt  }
0x65: {  	_ =	shalt  }
0x66: {  	_ =	shalt  }
0x67: {  	_ =	shalt  }
0x68: {  	_ =	shalt  }
0x69: {  	_ =	shalt  }
0x6a: {  	_ =	shalt  }
0x6b: {  	_ =	shalt  }
0x6c: {  	_ =	shalt  }
0x6d: {  	_ =	shalt  }
0x6e: {  	_ =	shalt  }
0x6f: {  	_ =	shalt  }
0x70: {  	_ =	shalt  }
0x71: {  	_ =	shalt  }
0x72: {  	_ =	shalt  }
0x73: {  	_ =	shalt  }
0x74: {  	_ =	shalt  }
0x75: {  	_ =	shalt  }
0x76: {  	_ =	shalt  }
0x77: {  	_ =	shalt  }
0x78: {  	_ =	shalt  }
0x79: {  	_ =	shalt  }
0x7a: {  	_ =	shalt  }
0x7b: {  	_ =	shalt  }
0x7c: {  	_ =	shalt  }
0x7d: {  	_ =	shalt  }
0x7e: {  	_ =	shalt  }
0x7f: {  	_ =	shalt  }
0x80: {  	_ =	shalt  }
0x81: {  	_ =	shalt  }
0x82: {  	_ =	shalt  }
0x83: {  	_ =	shalt  }
0x84: {  	_ =	shalt  }
0x85: {  	_ =	shalt  }
0x86: {  	_ =	shalt  }
0x87: {  	_ =	shalt  }
.Lfunc_end0:
.L_simem_size_0:
called_computation_lowered:
.L_overlay_start_0:
0x88: {  	s2 =	sld [smem:$0x3FD9]  }
0x89: {  	s3 =	sld [smem:$0x3FFE];
	_ =	sdelay $0x1  }
0x8a: {  	s1 =	srdreg.scid  }
0x8b: {  	s0 =	sand.u32 $0x1, s1  }
0x8c: {  	s17 =	sshll.u32 s0, $0xA;
	s2 =	sadd.s32 s3, s2  }
0x8d: {  	s2 =	sadd.s32 s2, s17  }
0x8e: {  	[smem:$0x3FC0] =	sst s2  }
0x8f: {  	_ = 	snop  }
0x90: {  	s2 =	sld [smem:$0x3FD0];
	(tm) =	ssettm $0x1  }
0x91: {  	s18 =	sld [smem:$0x3FFB];
	_ =	sdelay $0x3  }
0x92: {  	_ =	strace s18  }
0x93: {  	s3 =	sld [smem:$0x3FFC];
	_ =	sdelay $0x3  }
0x94: {  	_ =	strace s3  }
0x95: {  	s3 =	sld [smem:$0x3FFD];
	_ =	sdelay $0x3  }
0x96: {  	_ =	strace s3  }
0x97: {  	_ =	strace $0x8FFFFFFF  }
0x98: {  	s19 =	sld [smem:$0x3FDB];
	_ =	sdelay $0x1  }
0x99: {  	s4 =	simm.s32 $_scs_section_size  }
0x9a: {  	s5 =	simm.s32 $_size__tile_overlayer_lowered;
	s6 =	simm.s32 $_tile_overlayer_lowered  }
0x9b: {  	s22 =	simm.s32 $0x1BFF;
	s21 =	sshll.u32 s6, $0x1;
	s3 =	sadd.s32 s4, s19  }
0x9c: {  	s7 =	simm.s32 $0x0;
	s20 =	sshll.u32 s5, $0x1;
	s5 =	sadd.s32 s21, s3  }
0x9d: {  	[timem:s7], [sflag:s22] =	dma.local [hbm:s5], s20  }
0x9e: {  	_ =	swait.ge [sflag:s22], s20  }
0x9f: {  	s4 =	ssub.s32 $0x0, s20;
	[sflag:s22] =	ssyncset.done $0x0  }
0xa0: {  	[sflag:s22] =	ssyncadd.s32 s4;
	_ =	sdelay $0x1  }
0xa1: {  	s23 =	simm.s32 $0x1B8B  }
0xa2: {  	_ =	swait.ge [sflag:s23], $0x1  }
0xa3: {  	[sflag:s23] =	ssyncset.done $0x0  }
0xa4: {  	s25 =	simm.s32 $0x1B8E;
	s24 =	sld [smem:$0x3FFE];
	[sflag:s23] =	ssyncadd.s32 $0xFFFFFFFF  }
0xa5: {  	s26 =	simm.s32 $execute0_lowered;
	[smem:$0x3FD2] =	sst s25  }
0xa6: {  	s5 =	sshll.u32 s26, $0x1;
	_ =	strace $0x80000046;
	[dreg:$0x1] =	wrdreg $0xFFFFFFFF  }
0xa7: {  	s28 =	simm.s32 $_size_execute0_lowered;
	s3 =	sadd.s32 s3, s5;
	[dreg:$0x0] =	wrdreg $0x0  }
0xa8: {  	s5 =	sshll.u32 s28, $0x1;
	[dreg:$0x2] =	wrdreg s3  }
0xa9: {  	[dreg:$0x3] =	wrdreg s5  }
0xaa: {  	[dreg:$0x4] =	wrdreg $0xC0  }
0xab: {  	_ =	task [dreg:s7], $0x5FFFF  }
0xac: {  	[dreg:$0x1] =	wrdreg $0xFFFFFFFF  }
0xad: {  	[dreg:$0x0] =	wrdreg $0x60  }
0xae: {  	[dreg:$0x2] =	wrdreg s2  }
0xaf: {  	[dreg:$0x3] =	wrdreg s24  }
0xb0: {  	[dreg:$0x4] =	wrdreg $0x42000  }
0xb1: {  	[dreg:$0x5] =	wrdreg $0x9  }
0xb2: {  	_ =	task.clear_ibuf [dreg:s7], $0x6FFFF;
	_ =	strace $0x90000046  }
0xb3: {  	s29 =	simm.s32 $0x9;
	_ =	strace $0x80000048  }
0xb4: {  	_ =	swait.ge [sflag:s29], $0x1  }
0xb5: {  	[sflag:s29] =	ssyncadd.s32 $0xFFFFFFFF  }
0xb6: {  	_ =	strace $0x90000048  }
0xb7: {  	_ =	sfence  }
0xb8: {  	s30 =	sld [smem:$0x0];
	_ =	sdelay $0x2  }
0xb9: {  	s31 =	sshll.u32 s1, $0xD;
	s1 =	sshrl.u32 s1, $0x2  }
0xba: {  	s3 =	sand.u32 $0x4000, s31;
	s1 =	sadd.s32 s1, s30  }
0xbb: {  	s0 =	sor.u32 s3, s0;
	s1 =	sshll.u32 s1, $0x11  }
0xbc: {  	s0 =	sor.u32 s1, s0  }
0xbd: {  	s0 =	sadd.s32 $0x8F2B, s0  }
0xbe: {  	[sflag:s0] =	ssyncadd.remote.s32 $0x1  }
0xbf: {  	_ =	sfence.sel $0xFFFF  }
0xc0: {  	[dreg:$0x0] =	wrdreg $0xFFFFFFFF;
	(pc) =	sbr.abs _section_cstart, $3  }
0xc1: {  	[dreg:$0x1] =	wrdreg $0xFFFFFFFF  }
0xc2: {  	_ =	task.clear_ibuf [dreg:s7], $0x2FFFF;
	_ =	strace $0x9FFFFFFF  }
0xc3: {  	(tm) =	ssettm $0x7FFFFFFF  }
tec
execute0_lowered:
.L_overlay_start_1:
0x0: {  	(tag) =	ssettag $0x1  }
0x1: {  	s9 =	rddreg [dreg:$0x0]  }
0x2: {  	s6 =	rddreg [dreg:$0x1]  }
0x3: {  	s1 =	rddreg [dreg:$0x2];
	s2 =	srdreg.scid  }
0x4: {  	s0 =	rddreg [dreg:$0x3];
	s3 =	simm.s32 $0x0;
	s7 =	sand.u32 $0x1, s2  }
0x5: {  	s15 =	simm.s32 $0x100;
	s2 =	stileid.u32;
	s8 =	smul.u32 $0x13C000, s7  }
0x6: {  	s16 =	simm.s32 $0x180;
	s17 =	simm.s32 $0x0;
	s10 =	smul.u32 $0x13C00, s2  }
0x7: {  	[smem:$0x7FF] =	sst s3;
	s4 =	sadd.s32 $0xC200, s6;
	s24 =	smul.u32 $0x4F000, s2  }
0x8: {  	s5 =	sadd.s32 $0xCA00, s6;
	_ =	strace $0x80000047;
	s12 =	smul.u32 $0x130, s7  }
0x9: {  	s11 =	ssub.s32 $0x2, s7;
	s7 =	sshll.u32 s7, $0x4;
	s14 =	smul.u32 $0x13, s2  }
0xa: {  	s31 =	sshll.u32 s2, $0x6;
	s13 =	sshrl.u32 s11, $0x1;
	s25 =	sor.u32 s2, s7  }
0xb: {  	s8 =	sadd.s32 s10, s8;
	s11 =	ssub.s32 s11, s13;
	s26 =	sshrl.u32 s24, $0x2  }
0xc: {  	s28 =	sadd.s32 s14, s12;
	s29 =	smin.u32 s25, $0x11;
	p0 =	slt.u32 s25, $0x11  }
0xd: {  	s12 =	sor.u32 $0x1C01, s31;
	s14 =	simm.s32 $0x80;
	s8 =	sshrl.u32 s8, $0x3  }
0xe: {  	s10 =	sadd.s32 s29, s28;
	s30 =	sadd.s32 s26, s1;
	s8 =	sadd.s32 s8, s6  }
0xf: {  	s6 =	simm.s32 $0x14;
	s10 =	sshll.u32 s10, $0x6;
	s13 =	sshrl.u32 s30, $0x3  }
0x10: {  	s6 =	simm.s32 @!p0 $0x13;
	s7 =	sadd.s32 $0xF200, s8;
	s8 =	smax.u32 s11, $0x1  }
0x11: {  	s9 =	sadd.s32 s10, s9;
	s10 =	simm.s32 $0x200;
	s11 =	simm.s32 $0x1  }
.LBB2_1:
0x12: {  	[tilespmem:s10], [sflag:$0x1] =	stream.linear.gather [hbm4b:s4+s3], $0x4000, $0x38;
	[tilespmem:$0x17E00] =	vst v63  }
0x13: {  	_ =	swait.ge [sflag:s11], $0x4000  }
0x14: {  	[sflag:s11] =	ssyncset.done $0x0  }
0x15: {  	[sflag:s11] =	ssyncadd.s32 $0xFFFFC000  }
0x16: {  	[spmem:s13], [sflag:s12] =	dma.local [hbm:s5], $0x2780  }
0x17: {  	_ =	swait.ge [sflag:s11], $0x2780  }
0x18: {  	[sflag:s11] =	ssyncset.done $0x0  }
0x19: {  	[sflag:s11] =	ssyncadd.s32 $0xFFFFD880  }
0x1a: {  	[bflag:$0x0] =	sbarrier.arrive $0xFFFF  }
0x1b: {  	[tilespmem:s3], [sflag:$0x1] =	stream.linear.gather [hbm4b:s9+s3], $0x200, $0x38;
	[tilespmem:$0x17E00] =	vst v63  }
0x1c: {  	_ =	swait.ge [sflag:s11], $0x200  }
0x1d: {  	[sflag:s11] =	ssyncset.done $0x0  }
0x1e: {  	[sflag:s11] =	ssyncadd.s32 $0xFFFFFE00  }
0x1f: {  	[spmem:s1] =	stream.indirect.scatter.add.f32 [tilespmem:s10], [sflag:$0x1], $0x80, s3, s14, $0xb8;
	[tilespmem:$0x17E00] =	vst v63  }
0x20: {  	_ =	swait.ge [sflag:s11], $0x4000  }
0x21: {  	[sflag:s11] =	ssyncset.done $0x0  }
0x22: {  	[sflag:s11] =	ssyncadd.s32 $0xFFFFC000  }
0x23: {  	[spmem:s1] =	stream.indirect.scatter.add.f32 [tilespmem:s10], [sflag:$0x1], $0x80, s14, s14, $0xb8;
	[tilespmem:$0x17E00] =	vst v63  }
0x24: {  	_ =	swait.ge [sflag:s11], $0x4000  }
0x25: {  	[sflag:s11] =	ssyncset.done $0x0  }
0x26: {  	[sflag:s11] =	ssyncadd.s32 $0xFFFFC000  }
0x27: {  	[spmem:s1] =	stream.indirect.scatter.add.f32 [tilespmem:s10], [sflag:$0x1], $0x80, s15, s14, $0xb8;
	[tilespmem:$0x17E00] =	vst v63  }
0x28: {  	p0 =	sne.s32 s6, $0x1;
	_ =	swait.ge [sflag:s11], $0x4000  }
.Ltmp0:
0x29: {  	[sflag:s11] =	ssyncset.done $0x0;
	(pc) =	sbr.rel @!p0 .LBB2_3-.Ltmp0, $4  }
0x2a: {  	[sflag:s11] =	ssyncadd.s32 $0xFFFFC000  }
0x2b: {  	[spmem:s1] =	stream.indirect.scatter.add.f32 [tilespmem:s10], [sflag:$0x1], $0x80, s16, s14, $0xb8;
	[tilespmem:$0x17E00] =	vst v63  }
0x2c: {  	_ =	swait.ge [sflag:s11], $0x4000  }
0x2d: {  	s18 =	sadd.s32 $0xFFFFFFFF, s6;
	s19 =	smov.u32 s9;
	[sflag:s11] =	ssyncset.done $0x0  }
.LBB2_2:
0x2e: {  	p0 =	sne.s32 s18, $0x1;
	[sflag:s11] =	ssyncadd.s32 $0xFFFFC000;
	s19 =	sadd.s32 $0x40, s19  }
0x2f: {  	[tilespmem:s3], [sflag:$0x1] =	stream.linear.gather [hbm4b:s19+s3], $0x200, $0x38;
	[tilespmem:$0x17E00] =	vst v63  }
0x30: {  	s18 =	sadd.s32 $0xFFFFFFFF, s18;
	_ =	swait.ge [sflag:s11], $0x200  }
0x31: {  	[sflag:s11] =	ssyncset.done $0x0  }
0x32: {  	[sflag:s11] =	ssyncadd.s32 $0xFFFFFE00  }
0x33: {  	[spmem:s1] =	stream.indirect.scatter.add.f32 [tilespmem:s10], [sflag:$0x1], $0x80, s3, s14, $0xb8;
	[tilespmem:$0x17E00] =	vst v63  }
0x34: {  	_ =	swait.ge [sflag:s11], $0x4000  }
0x35: {  	[sflag:s11] =	ssyncset.done $0x0  }
0x36: {  	[sflag:s11] =	ssyncadd.s32 $0xFFFFC000  }
0x37: {  	[spmem:s1] =	stream.indirect.scatter.add.f32 [tilespmem:s10], [sflag:$0x1], $0x80, s14, s14, $0xb8;
	[tilespmem:$0x17E00] =	vst v63  }
0x38: {  	_ =	swait.ge [sflag:s11], $0x4000  }
0x39: {  	[sflag:s11] =	ssyncset.done $0x0  }
0x3a: {  	[sflag:s11] =	ssyncadd.s32 $0xFFFFC000  }
0x3b: {  	[spmem:s1] =	stream.indirect.scatter.add.f32 [tilespmem:s10], [sflag:$0x1], $0x80, s15, s14, $0xb8;
	[tilespmem:$0x17E00] =	vst v63  }
0x3c: {  	_ =	swait.ge [sflag:s11], $0x4000  }
.Ltmp1:
0x3d: {  	[sflag:s11] =	ssyncset.done $0x0;
	(pc) =	sbr.rel @p0 .LBB2_2-.Ltmp1, $4  }
0x3e: {  	[sflag:s11] =	ssyncadd.s32 $0xFFFFC000  }
0x3f: {  	[spmem:s1] =	stream.indirect.scatter.add.f32 [tilespmem:s10], [sflag:$0x1], $0x80, s16, s14, $0xb8;
	[tilespmem:$0x17E00] =	vst v63  }
0x40: {  	_ =	swait.ge [sflag:s11], $0x4000  }
0x41: {  	[sflag:s11] =	ssyncset.done $0x0  }
.LBB2_3:
0x42: {  	s17 =	sadd.s32 $0x1, s17  }
0x43: {  	[sflag:s11] =	ssyncadd.s32 $0xFFFFC000;
	p0 =	sne.s32 s17, s8  }
.Ltmp2:
0x44: {  	[bflag:$0x0] =	sbarrier.arrive $0xFFFF;
	(pc) =	sbr.rel @p0 .LBB2_1-.Ltmp2, $4  }
0x45: {  	[hbm:s7], [sflag:s12] =	dma.local [spmem:s13], $0x2780  }
0x46: {  	_ =	swait.ge [sflag:s11], $0x2780  }
0x47: {  	[sflag:s11] =	ssyncset.done $0x0  }
0x48: {  	[sflag:s11] =	ssyncadd.s32 $0xFFFFD880  }
0x49: {  	_ =	sfence.sel $0x180000  }
0x4a: {  	[bflag:$0x0] =	sbarrier.arrive $0xFFFF  }
0x4b: {  	p0 =	sne.s32 s2, $0x0;
	_ =	strace $0x90000047  }
0x4c: {  	s0 =	sadd.s32 @!p0 $0x100000, s0;
	[bflag:$0x2] =	sbarrier.arrive $0xFFFF  }
0x4d: {  	[sflag:s0] =	ssyncadd.tile.s32 @!p0 $0x1;
	_ =	shalt  }
.Lfunc_end2:
_tile_overlayer_lowered:
.L_overlay_start_2:
0x4e: {  	(tag) =	ssettag $0x2  }
0x4f: {  	s0 =	rddreg [dreg:$0x0];
	s2 =	stileid.u32  }
0x50: {  	s1 =	rddreg [dreg:$0x1];
	p0 =	sne.s32 s2, $0x0  }
0x51: {  	s3 =	rddreg [dreg:$0x2];
	[bflag:$0x3] =	sbarrier.arrive $0xFFFF;
	s2 =	simm.s32 @!p0 $0x1C01  }
0x52: {  	[timem:s3], [sflag:s2] =	dma.local @!p0 [hbm:s0], s1  }
0x53: {  	s0 =	simm.s32 @!p0 $0x1  }
0x54: {  	_ =	swait.ge @!p0 [sflag:s0], s1  }
0x55: {  	s1 =	ssub.s32 @!p0 $0x0, s1;
	[sflag:s0] =	ssyncset.done @!p0 $0x0  }
0x56: {  	[sflag:s0] =	ssyncadd.s32 @!p0 s1  }
0x57: {  	[bflag:$0x3] =	sbarrier.arrive $0xFFFF  }
0x58: {  	_ =	shalt  }

</sc_bundles>
